<compile_context>
chip_gen: v7x
topology: tpu7x:2x2x1
jax: 0.10.2.dev20260603
libtpu: 0.0.44.dev20260713+nightly
codegen_flags: <defaults>
</compile_context>

<pallas_src>
import functools

import jax
import jax.numpy as jnp
from jax import lax
from jax.experimental import pallas as pl
from jax.experimental.pallas import tpu as pltpu
from jax.experimental.pallas import tpu_sc as plsc

_RECALL_LO = 0.95
_LAMBDA = 0.5
_SMOOTH = 0.1
_MAX_PAUC = 0.05
_N = 4096
_NB = 4096
_SENT = _NB + 4
_HSZ = _NB + 16
_NW = 32
_JPW = _N // _NW


def _bucket(d):
    c = jnp.clip(d, -8.0, 8.0)
    bf = jnp.minimum((c + 8.0) * 255.9375, float(_NB - 1))
    return bf.astype(jnp.int32)


def _vgather16(x, idx):
    return lax.gather(
        x, idx[:, None],
        dimension_numbers=lax.GatherDimensionNumbers(
            offset_dims=(), collapsed_slice_dims=(0,), start_index_map=(0,)),
        slice_sizes=(1,),
        mode=lax.GatherScatterMode.PROMISE_IN_BOUNDS,
    )


def _vreg_runs(ks):
    iota = lax.broadcasted_iota(jnp.int32, (16,), 0)
    prev = _vgather16(ks, jnp.maximum(iota - 1, 0))
    nxt = _vgather16(ks, jnp.minimum(iota + 1, 15))
    fst = (iota == 0) | (ks != prev)
    lst = (iota == 15) | (ks != nxt)
    rank = iota - plsc.cummax(jnp.where(fst, iota, 0))
    return fst, lst, rank


def _sc_body(x0_hbm, x1_hbm, tgt_hbm, out_hbm, x0_v, x1_v, tgt_v,
             hist, start, spos, ks_s, vs_s, rk_s, obuf, sem):
    wid = lax.axis_index("s") * 2 + lax.axis_index("c")
    pltpu.sync_copy(x0_hbm, x0_v)
    pltpu.sync_copy(x1_hbm, x1_v)
    pltpu.sync_copy(tgt_hbm, tgt_v)

    zero16 = jnp.zeros((16,), jnp.int32)

    def zinit(i, carry):
        hist[pl.ds(i * 16, 16)] = zero16
        return carry

    lax.fori_loop(0, _HSZ // 16, zinit, 0, unroll=8)

    def hloop(v, pc):
        sl = pl.ds(v * 16, 16)
        dv = x1_v[sl] - x0_v[sl]
        pv = tgt_v[sl] == 1
        bp = jnp.where(pv, _bucket(dv), _SENT)
        ks, vs = plsc.sort_key_val(bp, dv)
        _, lst, rank = _vreg_runs(ks)
        valid = ks < _NB
        adv = jnp.where(lst & valid, rank + 1, 0)
        ksc = jnp.minimum(ks, _HSZ - 1)
        pre = plsc.load_gather(hist, [ksc])
        plsc.addupdate_scatter(hist, [ks], adv, mask=lst & valid)
        ks_s[sl] = ksc
        vs_s[sl] = vs
        rk_s[sl] = pre + rank
        return pc + jnp.where(pv, 1, 0)

    pc = lax.fori_loop(0, _N // 16, hloop, zero16, unroll=8)
    P = jnp.sum(pc)

    def cdf(i, carry):
        h = hist[pl.ds(i * 16, 16)]
        cs = plsc.cumsum(h) + carry
        start[pl.ds(i * 16, 16)] = cs - h
        return carry + jnp.sum(h)

    lax.fori_loop(0, _HSZ // 16, cdf, 0, unroll=8)

    @pl.loop(0, _N // 16, unroll=8)
    def scat(v):
        sl = pl.ds(v * 16, 16)
        ksc = ks_s[sl]
        valid = ksc < _NB
        base = plsc.load_gather(start, [ksc])
        off = jnp.minimum(base + rk_s[sl], _N - 1)
        plsc.store_scatter(spos, [off], vs_s[sl], mask=valid)

    Pf = P.astype(jnp.float32)
    Np1 = jnp.maximum(Pf, 1.0)

    def jloop(v, term):
        j0 = wid * _JPW + v * 16
        dj = x1_v[pl.ds(j0, 16)] - x0_v[pl.ds(j0, 16)]
        neg = tgt_v[pl.ds(j0, 16)] == 0
        b = _bucket(dj)
        st = plsc.load_gather(start, [b])
        cn = plsc.load_gather(hist, [b])
        maxc = jnp.max(cn)

        def inner(h, acc):
            r0 = h * 2
            idx0 = jnp.minimum(st + r0, _N - 1)
            idx1 = jnp.minimum(st + r0 + 1, _N - 1)
            v0 = plsc.load_gather(spos, [idx0])
            v1 = plsc.load_gather(spos, [idx1])
            acc = acc + jnp.where((r0 < cn) & (v0 > dj), 1, 0)
            return acc + jnp.where((r0 + 1 < cn) & (v1 > dj), 1, 0)

        acc = lax.fori_loop(0, (maxc + 1) // 2, inner, zero16)
        A = (P - st - cn + acc).astype(jnp.float32)
        a = A / Np1
        return term + jnp.where((a >= _RECALL_LO) & neg, a - _RECALL_LO, 0.0)

    term = lax.fori_loop(0, _JPW // 16, jloop, jnp.zeros((16,), jnp.float32),
                         unroll=2)
    obuf[...] = term
    pltpu.sync_copy(obuf, out_hbm.at[pl.ds(wid * 16, 16)])


_sc_pauc = functools.partial(
    pl.kernel,
    out_type=jax.ShapeDtypeStruct((_NW * 16,), jnp.float32),
    mesh=plsc.VectorSubcoreMesh(core_axis_name="c", subcore_axis_name="s"),
    compiler_params=pltpu.CompilerParams(needs_layout_passes=False),
    scratch_types=[
        pltpu.VMEM((_N,), jnp.float32),
        pltpu.VMEM((_N,), jnp.float32),
        pltpu.VMEM((_N,), jnp.int32),
        pltpu.VMEM((_HSZ,), jnp.int32),
        pltpu.VMEM((_HSZ,), jnp.int32),
        pltpu.VMEM((_N,), jnp.float32),
        pltpu.VMEM((_N,), jnp.int32),
        pltpu.VMEM((_N,), jnp.float32),
        pltpu.VMEM((_N,), jnp.int32),
        pltpu.VMEM((16,), jnp.float32),
        pltpu.SemaphoreType.DMA,
    ],
)(_sc_body)


def _combine_kernel(x0r, x1r, tr, wref, partials, out_ref):
    x0 = x0r[...]
    x1 = x1r[...]
    t = tr[...]
    m = jnp.maximum(x0, x1)
    e0 = jnp.exp(x0 - m)
    e1 = jnp.exp(x1 - m)
    denom = e0 + e1
    posr = (t == 1).astype(jnp.float32)
    P = jnp.sum(posr)
    nneg = jnp.float32(_N) - P

    w0 = wref[0, 0]
    w1 = wref[0, 1]
    lse = m + jnp.log(denom)
    t1 = (1.0 - _SMOOTH) * posr + (_SMOOTH / 2.0)
    t0 = 1.0 - t1
    ce_sum = jnp.sum(t0 * (x0 - lse) * w0 + t1 * (x1 - lse) * w1)
    ce = -ce_sum / jnp.float32(_N)

    term_sum = jnp.sum(partials[...])
    pauc = term_sum / jnp.maximum(nneg, 1.0)
    pv = pauc * w1
    avg = jnp.clip(pv / ((w0 + w1) * _MAX_PAUC), 0.0, 1.0)
    loss = (1.0 - _LAMBDA) * ce + _LAMBDA * (1.0 - avg * avg)
    out_ref[0, 0] = loss


def kernel(predictions, targets, weight):
    t32 = targets.astype(jnp.int32)
    x0 = predictions[:, 0]
    x1 = predictions[:, 1]
    partials = _sc_pauc(x0, x1, t32)
    x0r = x0.reshape(1, _N)
    x1r = x1.reshape(1, _N)
    tr = t32.reshape(1, _N)
    w = weight.reshape(1, 2).astype(jnp.float32)
    out = pl.pallas_call(
        _combine_kernel,
        out_shape=jax.ShapeDtypeStruct((1, 1), jnp.float32),
        out_specs=pl.BlockSpec(memory_space=pltpu.SMEM),
    )(x0r, x1r, tr, w, partials.reshape(4, 128))
    return out[0, 0]

# --- scband reference (transcript-rebuilt; emitter-appended) ---
"""Pipeline reference for scband-cross-entropy-paucloss-42305427866232 (READ-ONLY COPY).

The authoritative reference and input builder live on the scoring server;
editing this copy changes nothing except your own understanding.
"""

import jax, jax.numpy as jnp
import numpy as np

RECALL_LO = 0.95
RECALL_HI = 1.0
LAMBDA_PAUC = 0.5
NUM_CLASSES = 2
LABEL_SMOOTHING = 0.1
MAX_PAUC = RECALL_HI - RECALL_LO


def setup_inputs(seed: int = 0) -> dict:
    key = jax.random.key(seed)
    k1, k2 = jax.random.split(key)
    predictions = jax.random.normal(k1, (4096, 2), dtype=jnp.float32)
    targets = jax.random.randint(k2, (4096,), 0, 2, dtype=jnp.int64)
    weight = jnp.ones((2,), dtype=jnp.float32)
    return {"predictions": predictions, "targets": targets, "weight": weight}


def _roc_binary(class_true, class_probs):
    # Faithful to roc_curve_gpu (binary branch):
    # thresholds are the descending-sorted scores; for each threshold t,
    # predictions = (score >= t); tp/(tp+fn), fp/(fp+tn).
    n = class_probs.shape[0]
    sorted_scores = jnp.sort(class_probs)[::-1]  # descending
    # [n_thresholds, n_samples] comparison matrix (exact tie semantics)
    pred_mat = (class_probs[None, :] >= sorted_scores[:, None]).astype(jnp.float32)
    tp = pred_mat @ class_true
    fp = pred_mat @ (1.0 - class_true)
    total_pos = jnp.sum(class_true)
    total_neg = n - total_pos
    tpr = jnp.where(total_pos > 0, tp / jnp.maximum(total_pos, 1.0), 0.0)
    fpr = jnp.where(total_neg > 0, fp / jnp.maximum(total_neg, 1.0), 0.0)
    return fpr, tpr


def _masked_trapz(y, x, mask):
    # tpr is monotone nondecreasing along descending thresholds, so the
    # recall mask selects a contiguous run; trapz over the masked subsequence
    # equals the sum over adjacent pairs that are both inside the mask.
    pair_mask = (mask[:-1] & mask[1:]).astype(jnp.float32)
    return jnp.sum(pair_mask * 0.5 * (y[1:] + y[:-1]) * (x[1:] - x[:-1]))


def reference(predictions, targets, weight):
    probs = jax.nn.softmax(predictions, axis=1)
    targets_one_hot = jnp.eye(NUM_CLASSES, dtype=predictions.dtype)[targets]
    if LABEL_SMOOTHING > 0:
        targets_one_hot = (1 - LABEL_SMOOTHING) * targets_one_hot + LABEL_SMOOTHING / NUM_CLASSES

    # binary branch (num_classes == 2)
    class_probs = probs[:, 1]
    class_targets = (targets_one_hot[:, 1] > 0.5).astype(jnp.float32)
    fpr_vals, tpr_vals = _roc_binary(class_targets, class_probs)
    recall_mask = (tpr_vals >= RECALL_LO) & (tpr_vals <= RECALL_HI)
    y = jnp.clip(tpr_vals - RECALL_LO, 0.0, None)
    pauc = _masked_trapz(y, fpr_vals, recall_mask)
    p_auc_val = jnp.where(jnp.sum(recall_mask) > 0, pauc * weight[1], 0.0)

    avg_p_auc = p_auc_val / (jnp.sum(weight) * MAX_PAUC)
    avg_p_auc = jnp.clip(avg_p_auc, 0.0, 1.0)

    log_probs = jax.nn.log_softmax(predictions, axis=1)
    ce_loss = -jnp.mean(jnp.sum(targets_one_hot * log_probs * weight[None, :], axis=1))
    pauc_loss = 1.0 - jnp.power(avg_p_auc, 2.0)
    total_loss = (1 - LAMBDA_PAUC) * ce_loss + LAMBDA_PAUC * pauc_loss
    return total_loss

if __name__ == "__main__":
    import jax
    _d = setup_inputs()
    print(jax.jit(kernel)(*tuple(_d.values())))

</pallas_src>

<mosaic_0001>
#map = affine_map<(d0, d1) -> (0)>
module attributes {stable_mosaic.version = 14 : i64} {
  func.func @_sc_body(%arg0: i32, %arg1: i32, %arg2: memref<4096xf32, #tpu.memory_space<hbm>>, %arg3: memref<4096xf32, #tpu.memory_space<hbm>>, %arg4: memref<4096xi32, #tpu.memory_space<hbm>>, %arg5: memref<512xf32, #tpu.memory_space<hbm>>, %arg6: memref<4096xf32, #tpu.memory_space<vmem>>, %arg7: memref<4096xf32, #tpu.memory_space<vmem>>, %arg8: memref<4096xi32, #tpu.memory_space<vmem>>, %arg9: memref<4112xi32, #tpu.memory_space<vmem>>, %arg10: memref<4112xi32, #tpu.memory_space<vmem>>, %arg11: memref<4096xf32, #tpu.memory_space<vmem>>, %arg12: memref<4096xi32, #tpu.memory_space<vmem>>, %arg13: memref<4096xf32, #tpu.memory_space<vmem>>, %arg14: memref<4096xi32, #tpu.memory_space<vmem>>, %arg15: memref<16xf32, #tpu.memory_space<vmem>>, %arg16: memref<!tpu.dma_semaphore, #tpu.memory_space<semaphore_mem>>) attributes {dimension_semantics = [#tpu.dimension_semantics<core_parallel>, #tpu.dimension_semantics<subcore_parallel>], iteration_bounds = array<i64: 2, 16>, scalar_prefetch = 0 : i64, scratch_operands = 11 : i64, tpu.core_type = #tpu.core_type<sc_vector_subcore>, window_params = [{transform_indices = #map}, {transform_indices = #map}, {transform_indices = #map}, {transform_indices = #map}]} {
    %mul3A = arith.constant 2 : i32
    %mul3A_0 = arith.muli %arg1, %mul3A : i32
    %add3A = arith.addi %mul3A_0, %arg0 : i32
    "tpu.region"() ({
      %run_scoped3A = tpu.sem_alloc : memref<!tpu.dma_semaphore, #tpu.memory_space<semaphore_mem>>
      tpu.enqueue_dma source(%arg2 : memref<4096xf32, #tpu.memory_space<hbm>>) target(%arg6 : memref<4096xf32, #tpu.memory_space<vmem>>) target_semaphore(%run_scoped3A : memref<!tpu.dma_semaphore, #tpu.memory_space<semaphore_mem>>)
      tpu.wait_dma2 semaphore(%run_scoped3A : memref<!tpu.dma_semaphore, #tpu.memory_space<semaphore_mem>>) src(%arg2 : memref<4096xf32, #tpu.memory_space<hbm>>) dst(%arg6 : memref<4096xf32, #tpu.memory_space<vmem>>)
      tpu.yield
    }) : () -> ()
    "tpu.region"() ({
      %run_scoped3A = tpu.sem_alloc : memref<!tpu.dma_semaphore, #tpu.memory_space<semaphore_mem>>
      tpu.enqueue_dma source(%arg3 : memref<4096xf32, #tpu.memory_space<hbm>>) target(%arg7 : memref<4096xf32, #tpu.memory_space<vmem>>) target_semaphore(%run_scoped3A : memref<!tpu.dma_semaphore, #tpu.memory_space<semaphore_mem>>)
      tpu.wait_dma2 semaphore(%run_scoped3A : memref<!tpu.dma_semaphore, #tpu.memory_space<semaphore_mem>>) src(%arg3 : memref<4096xf32, #tpu.memory_space<hbm>>) dst(%arg7 : memref<4096xf32, #tpu.memory_space<vmem>>)
      tpu.yield
    }) : () -> ()
    "tpu.region"() ({
      %run_scoped3A = tpu.sem_alloc : memref<!tpu.dma_semaphore, #tpu.memory_space<semaphore_mem>>
      tpu.enqueue_dma source(%arg4 : memref<4096xi32, #tpu.memory_space<hbm>>) target(%arg8 : memref<4096xi32, #tpu.memory_space<vmem>>) target_semaphore(%run_scoped3A : memref<!tpu.dma_semaphore, #tpu.memory_space<semaphore_mem>>)
      tpu.wait_dma2 semaphore(%run_scoped3A : memref<!tpu.dma_semaphore, #tpu.memory_space<semaphore_mem>>) src(%arg4 : memref<4096xi32, #tpu.memory_space<hbm>>) dst(%arg8 : memref<4096xi32, #tpu.memory_space<vmem>>)
      tpu.yield
    }) : () -> ()
    %broadcast_in_dim3A = arith.constant 0 : i32
    %broadcast_in_dim3A_1 = vector.broadcast %broadcast_in_dim3A : i32 to vector<16xi32>
    %scan3A = arith.constant 0 : i32
    %scan3A_2 = arith.constant 0 : i32
    %scan3A_3 = arith.constant 256 : i32
    %scan3A_4 = arith.addi %scan3A_2, %scan3A_3 : i32
    %scan3A_5 = arith.constant 8 : i32
    scf.for %scan3A_64 = %scan3A_2 to %scan3A_4 step %scan3A_5  : i32 {
      %mul3A_65 = arith.constant 16 : i32
      %mul3A_66 = arith.muli %scan3A_64, %mul3A_65 : i32
      %swap3A_67 = arith.index_cast %mul3A_66 : i32 to index
      %swap3A_68 = tpu.vector_load %arg9[%swap3A_67] {strides = array<i32>} : memref<4112xi32, #tpu.memory_space<vmem>>, vector<16xi32>,
      tpu.vector_store %arg9[%swap3A_67], %broadcast_in_dim3A_1 {strides = array<i32>} : memref<4112xi32, #tpu.memory_space<vmem>>, vector<16xi32>,
      %scan3A_69 = arith.constant 1 : i32
      %scan3A_70 = arith.addi %scan3A_64, %scan3A_69 : i32
      %mul3A_71 = arith.constant 16 : i32
      %mul3A_72 = arith.muli %scan3A_70, %mul3A_71 : i32
      %swap3A_73 = arith.index_cast %mul3A_72 : i32 to index
      %swap3A_74 = tpu.vector_load %arg9[%swap3A_73] {strides = array<i32>} : memref<4112xi32, #tpu.memory_space<vmem>>, vector<16xi32>,
      tpu.vector_store %arg9[%swap3A_73], %broadcast_in_dim3A_1 {strides = array<i32>} : memref<4112xi32, #tpu.memory_space<vmem>>, vector<16xi32>,
      %scan3A_75 = arith.constant 2 : i32
      %scan3A_76 = arith.addi %scan3A_64, %scan3A_75 : i32
      %mul3A_77 = arith.constant 16 : i32
      %mul3A_78 = arith.muli %scan3A_76, %mul3A_77 : i32
      %swap3A_79 = arith.index_cast %mul3A_78 : i32 to index
      %swap3A_80 = tpu.vector_load %arg9[%swap3A_79] {strides = array<i32>} : memref<4112xi32, #tpu.memory_space<vmem>>, vector<16xi32>,
      tpu.vector_store %arg9[%swap3A_79], %broadcast_in_dim3A_1 {strides = array<i32>} : memref<4112xi32, #tpu.memory_space<vmem>>, vector<16xi32>,
      %scan3A_81 = arith.constant 3 : i32
      %scan3A_82 = arith.addi %scan3A_64, %scan3A_81 : i32
      %mul3A_83 = arith.constant 16 : i32
      %mul3A_84 = arith.muli %scan3A_82, %mul3A_83 : i32
      %swap3A_85 = arith.index_cast %mul3A_84 : i32 to index
      %swap3A_86 = tpu.vector_load %arg9[%swap3A_85] {strides = array<i32>} : memref<4112xi32, #tpu.memory_space<vmem>>, vector<16xi32>,
      tpu.vector_store %arg9[%swap3A_85], %broadcast_in_dim3A_1 {strides = array<i32>} : memref<4112xi32, #tpu.memory_space<vmem>>, vector<16xi32>,
      %scan3A_87 = arith.constant 4 : i32
      %scan3A_88 = arith.addi %scan3A_64, %scan3A_87 : i32
      %mul3A_89 = arith.constant 16 : i32
      %mul3A_90 = arith.muli %scan3A_88, %mul3A_89 : i32
      %swap3A_91 = arith.index_cast %mul3A_90 : i32 to index
      %swap3A_92 = tpu.vector_load %arg9[%swap3A_91] {strides = array<i32>} : memref<4112xi32, #tpu.memory_space<vmem>>, vector<16xi32>,
      tpu.vector_store %arg9[%swap3A_91], %broadcast_in_dim3A_1 {strides = array<i32>} : memref<4112xi32, #tpu.memory_space<vmem>>, vector<16xi32>,
      %scan3A_93 = arith.constant 5 : i32
      %scan3A_94 = arith.addi %scan3A_64, %scan3A_93 : i32
      %mul3A_95 = arith.constant 16 : i32
      %mul3A_96 = arith.muli %scan3A_94, %mul3A_95 : i32
      %swap3A_97 = arith.index_cast %mul3A_96 : i32 to index
      %swap3A_98 = tpu.vector_load %arg9[%swap3A_97] {strides = array<i32>} : memref<4112xi32, #tpu.memory_space<vmem>>, vector<16xi32>,
      tpu.vector_store %arg9[%swap3A_97], %broadcast_in_dim3A_1 {strides = array<i32>} : memref<4112xi32, #tpu.memory_space<vmem>>, vector<16xi32>,
      %scan3A_99 = arith.constant 6 : i32
      %scan3A_100 = arith.addi %scan3A_64, %scan3A_99 : i32
      %mul3A_101 = arith.constant 16 : i32
      %mul3A_102 = arith.muli %scan3A_100, %mul3A_101 : i32
      %swap3A_103 = arith.index_cast %mul3A_102 : i32 to index
      %swap3A_104 = tpu.vector_load %arg9[%swap3A_103] {strides = array<i32>} : memref<4112xi32, #tpu.memory_space<vmem>>, vector<16xi32>,
      tpu.vector_store %arg9[%swap3A_103], %broadcast_in_dim3A_1 {strides = array<i32>} : memref<4112xi32, #tpu.memory_space<vmem>>, vector<16xi32>,
      %scan3A_105 = arith.constant 7 : i32
      %scan3A_106 = arith.addi %scan3A_64, %scan3A_105 : i32
      %mul3A_107 = arith.constant 16 : i32
      %mul3A_108 = arith.muli %scan3A_106, %mul3A_107 : i32
      %swap3A_109 = arith.index_cast %mul3A_108 : i32 to index
      %swap3A_110 = tpu.vector_load %arg9[%swap3A_109] {strides = array<i32>} : memref<4112xi32, #tpu.memory_space<vmem>>, vector<16xi32>,
      tpu.vector_store %arg9[%swap3A_109], %broadcast_in_dim3A_1 {strides = array<i32>} : memref<4112xi32, #tpu.memory_space<vmem>>, vector<16xi32>,
    }
    %scan3A_6 = arith.constant 256 : i32
    %scan3A_7 = arith.addi %scan3A_2, %scan3A_6 : i32
    %mul3A_8 = arith.constant 16 : i32
    %mul3A_9 = arith.muli %scan3A_7, %mul3A_8 : i32
    %swap3A = arith.index_cast %mul3A_9 : i32 to index
    %swap3A_10 = tpu.vector_load %arg9[%swap3A] {strides = array<i32>} : memref<4112xi32, #tpu.memory_space<vmem>>, vector<16xi32>,
    tpu.vector_store %arg9[%swap3A], %broadcast_in_dim3A_1 {strides = array<i32>} : memref<4112xi32, #tpu.memory_space<vmem>>, vector<16xi32>,
    %scan3A_11 = arith.constant 257 : i32
    %scan3A_12 = arith.constant 0 : i32
    %scan3A_13 = arith.constant 256 : i32
    %scan3A_14 = arith.addi %scan3A_12, %scan3A_13 : i32
    %scan3A_15 = arith.constant 8 : i32
    %scan3A_16 = scf.for %scan3A_64 = %scan3A_12 to %scan3A_14 step %scan3A_15 iter_args(%scan3A_65 = %broadcast_in_dim3A_1) -> (vector<16xi32>)  : i32 {
      %mul3A_66 = arith.constant 16 : i32
      %mul3A_67 = arith.muli %scan3A_64, %mul3A_66 : i32
      %get3A_68 = arith.index_cast %mul3A_67 : i32 to index
      %get3A_69 = tpu.vector_load %arg7[%get3A_68] {strides = array<i32>} : memref<4096xf32, #tpu.memory_space<vmem>>, vector<16xf32>,
      %get3A_70 = arith.index_cast %mul3A_67 : i32 to index
      %get3A_71 = tpu.vector_load %arg6[%get3A_70] {strides = array<i32>} : memref<4096xf32, #tpu.memory_space<vmem>>, vector<16xf32>,
      %sub3A_72 = arith.subf %get3A_69, %get3A_71 : vector<16xf32>
      %get3A_73 = arith.index_cast %mul3A_67 : i32 to index
      %get3A_74 = tpu.vector_load %arg8[%get3A_73] {strides = array<i32>} : memref<4096xi32, #tpu.memory_space<vmem>>, vector<16xi32>,
      %eq3A = arith.constant 1 : i32
      %eq3A_75 = vector.broadcast %eq3A : i32 to vector<16xi32>
      %eq3A_76 = arith.cmpi eq, %get3A_74, %eq3A_75 : vector<16xi32>
      %jit3A = arith.constant -8.000000e+00 : f32
      %jit3A_77 = arith.constant 8.000000e+00 : f32
      %max3A_78 = vector.broadcast %jit3A : f32 to vector<16xf32>
      %max3A_79 = arith.maximumf %max3A_78, %sub3A_72 : vector<16xf32>
      %min3A = vector.broadcast %jit3A_77 : f32 to vector<16xf32>
      %min3A_80 = arith.minimumf %min3A, %max3A_79 : vector<16xf32>
      %add3A_81 = arith.constant 8.000000e+00 : f32
      %add3A_82 = vector.broadcast %add3A_81 : f32 to vector<16xf32>
      %add3A_83 = arith.addf %min3A_80, %add3A_82 : vector<16xf32>
      %mul3A_84 = arith.constant 255.9375 : f32
      %mul3A_85 = vector.broadcast %mul3A_84 : f32 to vector<16xf32>
      %mul3A_86 = arith.mulf %add3A_83, %mul3A_85 : vector<16xf32>
      %min3A_87 = arith.constant 4.095000e+03 : f32
      %min3A_88 = vector.broadcast %min3A_87 : f32 to vector<16xf32>
      %min3A_89 = arith.minimumf %mul3A_86, %min3A_88 : vector<16xf32>
      %convert_element_type3A_90 = arith.fptosi %min3A_89 : vector<16xf32> to vector<16xi32>
      %jit3A_91 = arith.constant 4100 : i32
      %broadcast_in_dim3A_92 = vector.broadcast %jit3A_91 : i32 to vector<16xi32>
      %select_n3A = arith.select %eq3A_76, %convert_element_type3A_90, %broadcast_in_dim3A_92 : vector<16xi1>, vector<16xi32>
      %masked_sort3A = arith.constant dense<true> : vector<16xi1>
      %masked_sort3A_93 = arith.constant -2147483648 : i32
      %masked_sort3A_94 = vector.broadcast %masked_sort3A_93 : i32 to vector<16xi32>
      %masked_sort3A_95 = arith.xori %select_n3A, %masked_sort3A_94 : vector<16xi32>
      %masked_sort3A_96, %masked_sort3A_97, %masked_sort3A_98 = tpu.sort %masked_sort3A_95, %sub3A_72 masked %masked_sort3A : (vector<16xi32>, vector<16xf32>, vector<16xi1>) -> (vector<16xi1>, vector<16xi32>, vector<16xf32>)
      %masked_sort3A_99 = arith.xori %masked_sort3A_97, %masked_sort3A_94 : vector<16xi32>
      %iota3A = tpu.iota {dimensions = array<i32: 0>} : vector<16xi32>
      %sub3A_100 = arith.constant 1 : i32
      %sub3A_101 = vector.broadcast %sub3A_100 : i32 to vector<16xi32>
      %sub3A_102 = arith.subi %iota3A, %sub3A_101 : vector<16xi32>
      %max3A_103 = arith.constant 0 : i32
      %max3A_104 = vector.broadcast %max3A_103 : i32 to vector<16xi32>
      %max3A_105 = arith.maxsi %sub3A_102, %max3A_104 : vector<16xi32>
      %broadcast_in_dim3A_106 = vector.shape_cast %max3A_105 : vector<16xi32> to vector<16x1xi32>
      %gather3A = vector.shape_cast %broadcast_in_dim3A_106 : vector<16x1xi32> to vector<16xi32>
      %gather3A_107 = tpu.dynamic_gather %masked_sort3A_99[%gather3A] in [0] : vector<16xi32>, vector<16xi32> -> vector<16xi32>
      %add3A_108 = arith.constant 1 : i32
      %add3A_109 = vector.broadcast %add3A_108 : i32 to vector<16xi32>
      %add3A_110 = arith.addi %iota3A, %add3A_109 : vector<16xi32>
      %min3A_111 = arith.constant 15 : i32
      %min3A_112 = vector.broadcast %min3A_111 : i32 to vector<16xi32>
      %min3A_113 = arith.minsi %add3A_110, %min3A_112 : vector<16xi32>
      %broadcast_in_dim3A_114 = vector.shape_cast %min3A_113 : vector<16xi32> to vector<16x1xi32>
      %gather3A_115 = vector.shape_cast %broadcast_in_dim3A_114 : vector<16x1xi32> to vector<16xi32>
      %gather3A_116 = tpu.dynamic_gather %masked_sort3A_99[%gather3A_115] in [0] : vector<16xi32>, vector<16xi32> -> vector<16xi32>
      %eq3A_117 = arith.constant 0 : i32
      %eq3A_118 = vector.broadcast %eq3A_117 : i32 to vector<16xi32>
      %eq3A_119 = arith.cmpi eq, %iota3A, %eq3A_118 : vector<16xi32>
      %ne3A = arith.cmpi ne, %masked_sort3A_99, %gather3A_107 : vector<16xi32>
      %or3A = arith.ori %eq3A_119, %ne3A : vector<16xi1>
      %eq3A_120 = arith.constant 15 : i32
      %eq3A_121 = vector.broadcast %eq3A_120 : i32 to vector<16xi32>
      %eq3A_122 = arith.cmpi eq, %iota3A, %eq3A_121 : vector<16xi32>
      %ne3A_123 = arith.cmpi ne, %masked_sort3A_99, %gather3A_116 : vector<16xi32>
      %or3A_124 = arith.ori %eq3A_122, %ne3A_123 : vector<16xi1>
      %jit3A_125 = arith.constant 0 : i32
      %broadcast_in_dim3A_126 = vector.broadcast %jit3A_125 : i32 to vector<16xi32>
      %select_n3A_127 = arith.select %or3A, %iota3A, %broadcast_in_dim3A_126 : vector<16xi1>, vector<16xi32>
      %broadcast_in_dim3A_128 = arith.constant true
      %broadcast_in_dim3A_129 = vector.broadcast %broadcast_in_dim3A_128 : i1 to vector<16xi1>
      %masked_cummax3A = arith.constant -2147483648 : i32
      %masked_cummax3A_130 = vector.broadcast %masked_cummax3A : i32 to vector<16xi32>
      %masked_cummax3A_131 = arith.xori %select_n3A_127, %masked_cummax3A_130 : vector<16xi32>
      %masked_cummax3A_132 = tpu.scan <max>, %masked_cummax3A_131 masked %broadcast_in_dim3A_129 : vector<16xi32>, vector<16xi1> -> vector<16xi32>
      %masked_cummax3A_133 = arith.xori %masked_cummax3A_132, %masked_cummax3A_130 : vector<16xi32>
      %sub3A_134 = arith.subi %iota3A, %masked_cummax3A_133 : vector<16xi32>
      %lt3A = arith.constant 4096 : i32
      %lt3A_135 = vector.broadcast %lt3A : i32 to vector<16xi32>
      %lt3A_136 = arith.cmpi slt, %masked_sort3A_99, %lt3A_135 : vector<16xi32>
      %and3A = arith.andi %or3A_124, %lt3A_136 : vector<16xi1>
      %add3A_137 = arith.constant 1 : i32
      %add3A_138 = vector.broadcast %add3A_137 : i32 to vector<16xi32>
      %add3A_139 = arith.addi %sub3A_134, %add3A_138 : vector<16xi32>
      %jit3A_140 = arith.constant 0 : i32
      %broadcast_in_dim3A_141 = vector.broadcast %jit3A_140 : i32 to vector<16xi32>
      %select_n3A_142 = arith.select %and3A, %add3A_139, %broadcast_in_dim3A_141 : vector<16xi1>, vector<16xi32>
      %min3A_143 = arith.constant 4111 : i32
      %min3A_144 = vector.broadcast %min3A_143 : i32 to vector<16xi32>
      %min3A_145 = arith.minsi %masked_sort3A_99, %min3A_144 : vector<16xi32>
      %gather3A_146 = tpu.vector_load_idx %arg9[%min3A_145] : memref<4112xi32, #tpu.memory_space<vmem>>[vector<16xi32>], vector<16xi32>,
      %and3A_147 = arith.andi %or3A_124, %lt3A_136 : vector<16xi1>
      tpu.vector_store_idx %arg9[%masked_sort3A_99], %select_n3A_142 masked %and3A_147 {add = true} : memref<4112xi32, #tpu.memory_space<vmem>>[vector<16xi32>], vector<16xi32>, vector<16xi1>
      %swap3A_148 = arith.index_cast %mul3A_67 : i32 to index
      %swap3A_149 = tpu.vector_load %arg12[%swap3A_148] {strides = array<i32>} : memref<4096xi32, #tpu.memory_space<vmem>>, vector<16xi32>,
      tpu.vector_store %arg12[%swap3A_148], %min3A_145 {strides = array<i32>} : memref<4096xi32, #tpu.memory_space<vmem>>, vector<16xi32>,
      %swap3A_150 = arith.index_cast %mul3A_67 : i32 to index
      %swap3A_151 = tpu.vector_load %arg13[%swap3A_150] {strides = array<i32>} : memref<4096xf32, #tpu.memory_space<vmem>>, vector<16xf32>,
      tpu.vector_store %arg13[%swap3A_150], %masked_sort3A_98 {strides = array<i32>} : memref<4096xf32, #tpu.memory_space<vmem>>, vector<16xf32>,
      %add3A_152 = arith.addi %gather3A_146, %sub3A_134 : vector<16xi32>
      %swap3A_153 = arith.index_cast %mul3A_67 : i32 to index
      %swap3A_154 = tpu.vector_load %arg14[%swap3A_153] {strides = array<i32>} : memref<4096xi32, #tpu.memory_space<vmem>>, vector<16xi32>,
      tpu.vector_store %arg14[%swap3A_153], %add3A_152 {strides = array<i32>} : memref<4096xi32, #tpu.memory_space<vmem>>, vector<16xi32>,
      %jit3A_155 = arith.constant 1 : i32
      %jit3A_156 = arith.constant 0 : i32
      %broadcast_in_dim3A_157 = vector.broadcast %jit3A_155 : i32 to vector<16xi32>
      %broadcast_in_dim3A_158 = vector.broadcast %jit3A_156 : i32 to vector<16xi32>
      %select_n3A_159 = arith.select %eq3A_76, %broadcast_in_dim3A_157, %broadcast_in_dim3A_158 : vector<16xi1>, vector<16xi32>
      %add3A_160 = arith.addi %scan3A_65, %select_n3A_159 : vector<16xi32>
      %scan3A_161 = arith.constant 1 : i32
      %scan3A_162 = arith.addi %scan3A_64, %scan3A_161 : i32
      %mul3A_163 = arith.constant 16 : i32
      %mul3A_164 = arith.muli %scan3A_162, %mul3A_163 : i32
      %get3A_165 = arith.index_cast %mul3A_164 : i32 to index
      %get3A_166 = tpu.vector_load %arg7[%get3A_165] {strides = array<i32>} : memref<4096xf32, #tpu.memory_space<vmem>>, vector<16xf32>,
      %get3A_167 = arith.index_cast %mul3A_164 : i32 to index
      %get3A_168 = tpu.vector_load %arg6[%get3A_167] {strides = array<i32>} : memref<4096xf32, #tpu.memory_space<vmem>>, vector<16xf32>,
      %sub3A_169 = arith.subf %get3A_166, %get3A_168 : vector<16xf32>
      %get3A_170 = arith.index_cast %mul3A_164 : i32 to index
      %get3A_171 = tpu.vector_load %arg8[%get3A_170] {strides = array<i32>} : memref<4096xi32, #tpu.memory_space<vmem>>, vector<16xi32>,
      %eq3A_172 = arith.constant 1 : i32
      %eq3A_173 = vector.broadcast %eq3A_172 : i32 to vector<16xi32>
      %eq3A_174 = arith.cmpi eq, %get3A_171, %eq3A_173 : vector<16xi32>
      %jit3A_175 = arith.constant -8.000000e+00 : f32
      %jit3A_176 = arith.constant 8.000000e+00 : f32
      %max3A_177 = vector.broadcast %jit3A_175 : f32 to vector<16xf32>
      %max3A_178 = arith.maximumf %max3A_177, %sub3A_169 : vector<16xf32>
      %min3A_179 = vector.broadcast %jit3A_176 : f32 to vector<16xf32>
      %min3A_180 = arith.minimumf %min3A_179, %max3A_178 : vector<16xf32>
      %add3A_181 = arith.constant 8.000000e+00 : f32
      %add3A_182 = vector.broadcast %add3A_181 : f32 to vector<16xf32>
      %add3A_183 = arith.addf %min3A_180, %add3A_182 : vector<16xf32>
      %mul3A_184 = arith.constant 255.9375 : f32
      %mul3A_185 = vector.broadcast %mul3A_184 : f32 to vector<16xf32>
      %mul3A_186 = arith.mulf %add3A_183, %mul3A_185 : vector<16xf32>
      %min3A_187 = arith.constant 4.095000e+03 : f32
      %min3A_188 = vector.broadcast %min3A_187 : f32 to vector<16xf32>
      %min3A_189 = arith.minimumf %mul3A_186, %min3A_188 : vector<16xf32>
      %convert_element_type3A_190 = arith.fptosi %min3A_189 : vector<16xf32> to vector<16xi32>
      %jit3A_191 = arith.constant 4100 : i32
      %broadcast_in_dim3A_192 = vector.broadcast %jit3A_191 : i32 to vector<16xi32>
      %select_n3A_193 = arith.select %eq3A_174, %convert_element_type3A_190, %broadcast_in_dim3A_192 : vector<16xi1>, vector<16xi32>
      %masked_sort3A_194 = arith.constant dense<true> : vector<16xi1>
      %masked_sort3A_195 = arith.constant -2147483648 : i32
      %masked_sort3A_196 = vector.broadcast %masked_sort3A_195 : i32 to vector<16xi32>
      %masked_sort3A_197 = arith.xori %select_n3A_193, %masked_sort3A_196 : vector<16xi32>
      %masked_sort3A_198, %masked_sort3A_199, %masked_sort3A_200 = tpu.sort %masked_sort3A_197, %sub3A_169 masked %masked_sort3A_194 : (vector<16xi32>, vector<16xf32>, vector<16xi1>) -> (vector<16xi1>, vector<16xi32>, vector<16xf32>)
      %masked_sort3A_201 = arith.xori %masked_sort3A_199, %masked_sort3A_196 : vector<16xi32>
      %iota3A_202 = tpu.iota {dimensions = array<i32: 0>} : vector<16xi32>
      %sub3A_203 = arith.constant 1 : i32
      %sub3A_204 = vector.broadcast %sub3A_203 : i32 to vector<16xi32>
      %sub3A_205 = arith.subi %iota3A_202, %sub3A_204 : vector<16xi32>
      %max3A_206 = arith.constant 0 : i32
      %max3A_207 = vector.broadcast %max3A_206 : i32 to vector<16xi32>
      %max3A_208 = arith.maxsi %sub3A_205, %max3A_207 : vector<16xi32>
      %broadcast_in_dim3A_209 = vector.shape_cast %max3A_208 : vector<16xi32> to vector<16x1xi32>
      %gather3A_210 = vector.shape_cast %broadcast_in_dim3A_209 : vector<16x1xi32> to vector<16xi32>
      %gather3A_211 = tpu.dynamic_gather %masked_sort3A_201[%gather3A_210] in [0] : vector<16xi32>, vector<16xi32> -> vector<16xi32>
      %add3A_212 = arith.constant 1 : i32
      %add3A_213 = vector.broadcast %add3A_212 : i32 to vector<16xi32>
      %add3A_214 = arith.addi %iota3A_202, %add3A_213 : vector<16xi32>
      %min3A_215 = arith.constant 15 : i32
      %min3A_216 = vector.broadcast %min3A_215 : i32 to vector<16xi32>
      %min3A_217 = arith.minsi %add3A_214, %min3A_216 : vector<16xi32>
      %broadcast_in_dim3A_218 = vector.shape_cast %min3A_217 : vector<16xi32> to vector<16x1xi32>
      %gather3A_219 = vector.shape_cast %broadcast_in_dim3A_218 : vector<16x1xi32> to vector<16xi32>
      %gather3A_220 = tpu.dynamic_gather %masked_sort3A_201[%gather3A_219] in [0] : vector<16xi32>, vector<16xi32> -> vector<16xi32>
      %eq3A_221 = arith.constant 0 : i32
      %eq3A_222 = vector.broadcast %eq3A_221 : i32 to vector<16xi32>
      %eq3A_223 = arith.cmpi eq, %iota3A_202, %eq3A_222 : vector<16xi32>
      %ne3A_224 = arith.cmpi ne, %masked_sort3A_201, %gather3A_211 : vector<16xi32>
      %or3A_225 = arith.ori %eq3A_223, %ne3A_224 : vector<16xi1>
      %eq3A_226 = arith.constant 15 : i32
      %eq3A_227 = vector.broadcast %eq3A_226 : i32 to vector<16xi32>
      %eq3A_228 = arith.cmpi eq, %iota3A_202, %eq3A_227 : vector<16xi32>
      %ne3A_229 = arith.cmpi ne, %masked_sort3A_201, %gather3A_220 : vector<16xi32>
      %or3A_230 = arith.ori %eq3A_228, %ne3A_229 : vector<16xi1>
      %jit3A_231 = arith.constant 0 : i32
      %broadcast_in_dim3A_232 = vector.broadcast %jit3A_231 : i32 to vector<16xi32>
      %select_n3A_233 = arith.select %or3A_225, %iota3A_202, %broadcast_in_dim3A_232 : vector<16xi1>, vector<16xi32>
      %broadcast_in_dim3A_234 = arith.constant true
      %broadcast_in_dim3A_235 = vector.broadcast %broadcast_in_dim3A_234 : i1 to vector<16xi1>
      %masked_cummax3A_236 = arith.constant -2147483648 : i32
      %masked_cummax3A_237 = vector.broadcast %masked_cummax3A_236 : i32 to vector<16xi32>
      %masked_cummax3A_238 = arith.xori %select_n3A_233, %masked_cummax3A_237 : vector<16xi32>
      %masked_cummax3A_239 = tpu.scan <max>, %masked_cummax3A_238 masked %broadcast_in_dim3A_235 : vector<16xi32>, vector<16xi1> -> vector<16xi32>
      %masked_cummax3A_240 = arith.xori %masked_cummax3A_239, %masked_cummax3A_237 : vector<16xi32>
      %sub3A_241 = arith.subi %iota3A_202, %masked_cummax3A_240 : vector<16xi32>
      %lt3A_242 = arith.constant 4096 : i32
      %lt3A_243 = vector.broadcast %lt3A_242 : i32 to vector<16xi32>
      %lt3A_244 = arith.cmpi slt, %masked_sort3A_201, %lt3A_243 : vector<16xi32>
      %and3A_245 = arith.andi %or3A_230, %lt3A_244 : vector<16xi1>
      %add3A_246 = arith.constant 1 : i32
      %add3A_247 = vector.broadcast %add3A_246 : i32 to vector<16xi32>
      %add3A_248 = arith.addi %sub3A_241, %add3A_247 : vector<16xi32>
      %jit3A_249 = arith.constant 0 : i32
      %broadcast_in_dim3A_250 = vector.broadcast %jit3A_249 : i32 to vector<16xi32>
      %select_n3A_251 = arith.select %and3A_245, %add3A_248, %broadcast_in_dim3A_250 : vector<16xi1>, vector<16xi32>
      %min3A_252 = arith.constant 4111 : i32
      %min3A_253 = vector.broadcast %min3A_252 : i32 to vector<16xi32>
      %min3A_254 = arith.minsi %masked_sort3A_201, %min3A_253 : vector<16xi32>
      %gather3A_255 = tpu.vector_load_idx %arg9[%min3A_254] : memref<4112xi32, #tpu.memory_space<vmem>>[vector<16xi32>], vector<16xi32>,
      %and3A_256 = arith.andi %or3A_230, %lt3A_244 : vector<16xi1>
      tpu.vector_store_idx %arg9[%masked_sort3A_201], %select_n3A_251 masked %and3A_256 {add = true} : memref<4112xi32, #tpu.memory_space<vmem>>[vector<16xi32>], vector<16xi32>, vector<16xi1>
      %swap3A_257 = arith.index_cast %mul3A_164 : i32 to index
      %swap3A_258 = tpu.vector_load %arg12[%swap3A_257] {strides = array<i32>} : memref<4096xi32, #tpu.memory_space<vmem>>, vector<16xi32>,
      tpu.vector_store %arg12[%swap3A_257], %min3A_254 {strides = array<i32>} : memref<4096xi32, #tpu.memory_space<vmem>>, vector<16xi32>,
      %swap3A_259 = arith.index_cast %mul3A_164 : i32 to index
      %swap3A_260 = tpu.vector_load %arg13[%swap3A_259] {strides = array<i32>} : memref<4096xf32, #tpu.memory_space<vmem>>, vector<16xf32>,
      tpu.vector_store %arg13[%swap3A_259], %masked_sort3A_200 {strides = array<i32>} : memref<4096xf32, #tpu.memory_space<vmem>>, vector<16xf32>,
      %add3A_261 = arith.addi %gather3A_255, %sub3A_241 : vector<16xi32>
      %swap3A_262 = arith.index_cast %mul3A_164 : i32 to index
      %swap3A_263 = tpu.vector_load %arg14[%swap3A_262] {strides = array<i32>} : memref<4096xi32, #tpu.memory_space<vmem>>, vector<16xi32>,
      tpu.vector_store %arg14[%swap3A_262], %add3A_261 {strides = array<i32>} : memref<4096xi32, #tpu.memory_space<vmem>>, vector<16xi32>,
      %jit3A_264 = arith.constant 1 : i32
      %jit3A_265 = arith.constant 0 : i32
      %broadcast_in_dim3A_266 = vector.broadcast %jit3A_264 : i32 to vector<16xi32>
      %broadcast_in_dim3A_267 = vector.broadcast %jit3A_265 : i32 to vector<16xi32>
      %select_n3A_268 = arith.select %eq3A_174, %broadcast_in_dim3A_266, %broadcast_in_dim3A_267 : vector<16xi1>, vector<16xi32>
      %add3A_269 = arith.addi %add3A_160, %select_n3A_268 : vector<16xi32>
      %scan3A_270 = arith.constant 2 : i32
      %scan3A_271 = arith.addi %scan3A_64, %scan3A_270 : i32
      %mul3A_272 = arith.constant 16 : i32
      %mul3A_273 = arith.muli %scan3A_271, %mul3A_272 : i32
      %get3A_274 = arith.index_cast %mul3A_273 : i32 to index
      %get3A_275 = tpu.vector_load %arg7[%get3A_274] {strides = array<i32>} : memref<4096xf32, #tpu.memory_space<vmem>>, vector<16xf32>,
      %get3A_276 = arith.index_cast %mul3A_273 : i32 to index
      %get3A_277 = tpu.vector_load %arg6[%get3A_276] {strides = array<i32>} : memref<4096xf32, #tpu.memory_space<vmem>>, vector<16xf32>,
      %sub3A_278 = arith.subf %get3A_275, %get3A_277 : vector<16xf32>
      %get3A_279 = arith.index_cast %mul3A_273 : i32 to index
      %get3A_280 = tpu.vector_load %arg8[%get3A_279] {strides = array<i32>} : memref<4096xi32, #tpu.memory_space<vmem>>, vector<16xi32>,
      %eq3A_281 = arith.constant 1 : i32
      %eq3A_282 = vector.broadcast %eq3A_281 : i32 to vector<16xi32>
      %eq3A_283 = arith.cmpi eq, %get3A_280, %eq3A_282 : vector<16xi32>
      %jit3A_284 = arith.constant -8.000000e+00 : f32
      %jit3A_285 = arith.constant 8.000000e+00 : f32
      %max3A_286 = vector.broadcast %jit3A_284 : f32 to vector<16xf32>
      %max3A_287 = arith.maximumf %max3A_286, %sub3A_278 : vector<16xf32>
      %min3A_288 = vector.broadcast %jit3A_285 : f32 to vector<16xf32>
      %min3A_289 = arith.minimumf %min3A_288, %max3A_287 : vector<16xf32>
      %add3A_290 = arith.constant 8.000000e+00 : f32
      %add3A_291 = vector.broadcast %add3A_290 : f32 to vector<16xf32>
      %add3A_292 = arith.addf %min3A_289, %add3A_291 : vector<16xf32>
      %mul3A_293 = arith.constant 255.9375 : f32
      %mul3A_294 = vector.broadcast %mul3A_293 : f32 to vector<16xf32>
      %mul3A_295 = arith.mulf %add3A_292, %mul3A_294 : vector<16xf32>
      %min3A_296 = arith.constant 4.095000e+03 : f32
      %min3A_297 = vector.broadcast %min3A_296 : f32 to vector<16xf32>
      %min3A_298 = arith.minimumf %mul3A_295, %min3A_297 : vector<16xf32>
      %convert_element_type3A_299 = arith.fptosi %min3A_298 : vector<16xf32> to vector<16xi32>
      %jit3A_300 = arith.constant 4100 : i32
      %broadcast_in_dim3A_301 = vector.broadcast %jit3A_300 : i32 to vector<16xi32>
      %select_n3A_302 = arith.select %eq3A_283, %convert_element_type3A_299, %broadcast_in_dim3A_301 : vector<16xi1>, vector<16xi32>
      %masked_sort3A_303 = arith.constant dense<true> : vector<16xi1>
      %masked_sort3A_304 = arith.constant -2147483648 : i32
      %masked_sort3A_305 = vector.broadcast %masked_sort3A_304 : i32 to vector<16xi32>
      %masked_sort3A_306 = arith.xori %select_n3A_302, %masked_sort3A_305 : vector<16xi32>
      %masked_sort3A_307, %masked_sort3A_308, %masked_sort3A_309 = tpu.sort %masked_sort3A_306, %sub3A_278 masked %masked_sort3A_303 : (vector<16xi32>, vector<16xf32>, vector<16xi1>) -> (vector<16xi1>, vector<16xi32>, vector<16xf32>)
      %masked_sort3A_310 = arith.xori %masked_sort3A_308, %masked_sort3A_305 : vector<16xi32>
      %iota3A_311 = tpu.iota {dimensions = array<i32: 0>} : vector<16xi32>
      %sub3A_312 = arith.constant 1 : i32
      %sub3A_313 = vector.broadcast %sub3A_312 : i32 to vector<16xi32>
      %sub3A_314 = arith.subi %iota3A_311, %sub3A_313 : vector<16xi32>
      %max3A_315 = arith.constant 0 : i32
      %max3A_316 = vector.broadcast %max3A_315 : i32 to vector<16xi32>
      %max3A_317 = arith.maxsi %sub3A_314, %max3A_316 : vector<16xi32>
      %broadcast_in_dim3A_318 = vector.shape_cast %max3A_317 : vector<16xi32> to vector<16x1xi32>
      %gather3A_319 = vector.shape_cast %broadcast_in_dim3A_318 : vector<16x1xi32> to vector<16xi32>
      %gather3A_320 = tpu.dynamic_gather %masked_sort3A_310[%gather3A_319] in [0] : vector<16xi32>, vector<16xi32> -> vector<16xi32>
      %add3A_321 = arith.constant 1 : i32
      %add3A_322 = vector.broadcast %add3A_321 : i32 to vector<16xi32>
      %add3A_323 = arith.addi %iota3A_311, %add3A_322 : vector<16xi32>
      %min3A_324 = arith.constant 15 : i32
      %min3A_325 = vector.broadcast %min3A_324 : i32 to vector<16xi32>
      %min3A_326 = arith.minsi %add3A_323, %min3A_325 : vector<16xi32>
      %broadcast_in_dim3A_327 = vector.shape_cast %min3A_326 : vector<16xi32> to vector<16x1xi32>
      %gather3A_328 = vector.shape_cast %broadcast_in_dim3A_327 : vector<16x1xi32> to vector<16xi32>
      %gather3A_329 = tpu.dynamic_gather %masked_sort3A_310[%gather3A_328] in [0] : vector<16xi32>, vector<16xi32> -> vector<16xi32>
      %eq3A_330 = arith.constant 0 : i32
      %eq3A_331 = vector.broadcast %eq3A_330 : i32 to vector<16xi32>
      %eq3A_332 = arith.cmpi eq, %iota3A_311, %eq3A_331 : vector<16xi32>
      %ne3A_333 = arith.cmpi ne, %masked_sort3A_310, %gather3A_320 : vector<16xi32>
      %or3A_334 = arith.ori %eq3A_332, %ne3A_333 : vector<16xi1>
      %eq3A_335 = arith.constant 15 : i32
      %eq3A_336 = vector.broadcast %eq3A_335 : i32 to vector<16xi32>
      %eq3A_337 = arith.cmpi eq, %iota3A_311, %eq3A_336 : vector<16xi32>
      %ne3A_338 = arith.cmpi ne, %masked_sort3A_310, %gather3A_329 : vector<16xi32>
      %or3A_339 = arith.ori %eq3A_337, %ne3A_338 : vector<16xi1>
      %jit3A_340 = arith.constant 0 : i32
      %broadcast_in_dim3A_341 = vector.broadcast %jit3A_340 : i32 to vector<16xi32>
      %select_n3A_342 = arith.select %or3A_334, %iota3A_311, %broadcast_in_dim3A_341 : vector<16xi1>, vector<16xi32>
      %broadcast_in_dim3A_343 = arith.constant true
      %broadcast_in_dim3A_344 = vector.broadcast %broadcast_in_dim3A_343 : i1 to vector<16xi1>
      %masked_cummax3A_345 = arith.constant -2147483648 : i32
      %masked_cummax3A_346 = vector.broadcast %masked_cummax3A_345 : i32 to vector<16xi32>
      %masked_cummax3A_347 = arith.xori %select_n3A_342, %masked_cummax3A_346 : vector<16xi32>
      %masked_cummax3A_348 = tpu.scan <max>, %masked_cummax3A_347 masked %broadcast_in_dim3A_344 : vector<16xi32>, vector<16xi1> -> vector<16xi32>
      %masked_cummax3A_349 = arith.xori %masked_cummax3A_348, %masked_cummax3A_346 : vector<16xi32>
      %sub3A_350 = arith.subi %iota3A_311, %masked_cummax3A_349 : vector<16xi32>
      %lt3A_351 = arith.constant 4096 : i32
      %lt3A_352 = vector.broadcast %lt3A_351 : i32 to vector<16xi32>
      %lt3A_353 = arith.cmpi slt, %masked_sort3A_310, %lt3A_352 : vector<16xi32>
      %and3A_354 = arith.andi %or3A_339, %lt3A_353 : vector<16xi1>
      %add3A_355 = arith.constant 1 : i32
      %add3A_356 = vector.broadcast %add3A_355 : i32 to vector<16xi32>
      %add3A_357 = arith.addi %sub3A_350, %add3A_356 : vector<16xi32>
      %jit3A_358 = arith.constant 0 : i32
      %broadcast_in_dim3A_359 = vector.broadcast %jit3A_358 : i32 to vector<16xi32>
      %select_n3A_360 = arith.select %and3A_354, %add3A_357, %broadcast_in_dim3A_359 : vector<16xi1>, vector<16xi32>
      %min3A_361 = arith.constant 4111 : i32
      %min3A_362 = vector.broadcast %min3A_361 : i32 to vector<16xi32>
      %min3A_363 = arith.minsi %masked_sort3A_310, %min3A_362 : vector<16xi32>
      %gather3A_364 = tpu.vector_load_idx %arg9[%min3A_363] : memref<4112xi32, #tpu.memory_space<vmem>>[vector<16xi32>], vector<16xi32>,
      %and3A_365 = arith.andi %or3A_339, %lt3A_353 : vector<16xi1>
      tpu.vector_store_idx %arg9[%masked_sort3A_310], %select_n3A_360 masked %and3A_365 {add = true} : memref<4112xi32, #tpu.memory_space<vmem>>[vector<16xi32>], vector<16xi32>, vector<16xi1>
      %swap3A_366 = arith.index_cast %mul3A_273 : i32 to index
      %swap3A_367 = tpu.vector_load %arg12[%swap3A_366] {strides = array<i32>} : memref<4096xi32, #tpu.memory_space<vmem>>, vector<16xi32>,
      tpu.vector_store %arg12[%swap3A_366], %min3A_363 {strides = array<i32>} : memref<4096xi32, #tpu.memory_space<vmem>>, vector<16xi32>,
      %swap3A_368 = arith.index_cast %mul3A_273 : i32 to index
      %swap3A_369 = tpu.vector_load %arg13[%swap3A_368] {strides = array<i32>} : memref<4096xf32, #tpu.memory_space<vmem>>, vector<16xf32>,
      tpu.vector_store %arg13[%swap3A_368], %masked_sort3A_309 {strides = array<i32>} : memref<4096xf32, #tpu.memory_space<vmem>>, vector<16xf32>,
      %add3A_370 = arith.addi %gather3A_364, %sub3A_350 : vector<16xi32>
      %swap3A_371 = arith.index_cast %mul3A_273 : i32 to index
      %swap3A_372 = tpu.vector_load %arg14[%swap3A_371] {strides = array<i32>} : memref<4096xi32, #tpu.memory_space<vmem>>, vector<16xi32>,
      tpu.vector_store %arg14[%swap3A_371], %add3A_370 {strides = array<i32>} : memref<4096xi32, #tpu.memory_space<vmem>>, vector<16xi32>,
      %jit3A_373 = arith.constant 1 : i32
      %jit3A_374 = arith.constant 0 : i32
      %broadcast_in_dim3A_375 = vector.broadcast %jit3A_373 : i32 to vector<16xi32>
      %broadcast_in_dim3A_376 = vector.broadcast %jit3A_374 : i32 to vector<16xi32>
      %select_n3A_377 = arith.select %eq3A_283, %broadcast_in_dim3A_375, %broadcast_in_dim3A_376 : vector<16xi1>, vector<16xi32>
      %add3A_378 = arith.addi %add3A_269, %select_n3A_377 : vector<16xi32>
      %scan3A_379 = arith.constant 3 : i32
      %scan3A_380 = arith.addi %scan3A_64, %scan3A_379 : i32
      %mul3A_381 = arith.constant 16 : i32
      %mul3A_382 = arith.muli %scan3A_380, %mul3A_381 : i32
      %get3A_383 = arith.index_cast %mul3A_382 : i32 to index
      %get3A_384 = tpu.vector_load %arg7[%get3A_383] {strides = array<i32>} : memref<4096xf32, #tpu.memory_space<vmem>>, vector<16xf32>,
      %get3A_385 = arith.index_cast %mul3A_382 : i32 to index
      %get3A_386 = tpu.vector_load %arg6[%get3A_385] {strides = array<i32>} : memref<4096xf32, #tpu.memory_space<vmem>>, vector<16xf32>,
      %sub3A_387 = arith.subf %get3A_384, %get3A_386 : vector<16xf32>
      %get3A_388 = arith.index_cast %mul3A_382 : i32 to index
      %get3A_389 = tpu.vector_load %arg8[%get3A_388] {strides = array<i32>} : memref<4096xi32, #tpu.memory_space<vmem>>, vector<16xi32>,
      %eq3A_390 = arith.constant 1 : i32
      %eq3A_391 = vector.broadcast %eq3A_390 : i32 to vector<16xi32>
      %eq3A_392 = arith.cmpi eq, %get3A_389, %eq3A_391 : vector<16xi32>
      %jit3A_393 = arith.constant -8.000000e+00 : f32
      %jit3A_394 = arith.constant 8.000000e+00 : f32
      %max3A_395 = vector.broadcast %jit3A_393 : f32 to vector<16xf32>
      %max3A_396 = arith.maximumf %max3A_395, %sub3A_387 : vector<16xf32>
      %min3A_397 = vector.broadcast %jit3A_394 : f32 to vector<16xf32>
      %min3A_398 = arith.minimumf %min3A_397, %max3A_396 : vector<16xf32>
      %add3A_399 = arith.constant 8.000000e+00 : f32
      %add3A_400 = vector.broadcast %add3A_399 : f32 to vector<16xf32>
      %add3A_401 = arith.addf %min3A_398, %add3A_400 : vector<16xf32>
      %mul3A_402 = arith.constant 255.9375 : f32
      %mul3A_403 = vector.broadcast %mul3A_402 : f32 to vector<16xf32>
      %mul3A_404 = arith.mulf %add3A_401, %mul3A_403 : vector<16xf32>
      %min3A_405 = arith.constant 4.095000e+03 : f32
      %min3A_406 = vector.broadcast %min3A_405 : f32 to vector<16xf32>
      %min3A_407 = arith.minimumf %mul3A_404, %min3A_406 : vector<16xf32>
      %convert_element_type3A_408 = arith.fptosi %min3A_407 : vector<16xf32> to vector<16xi32>
      %jit3A_409 = arith.constant 4100 : i32
      %broadcast_in_dim3A_410 = vector.broadcast %jit3A_409 : i32 to vector<16xi32>
      %select_n3A_411 = arith.select %eq3A_392, %convert_element_type3A_408, %broadcast_in_dim3A_410 : vector<16xi1>, vector<16xi32>
      %masked_sort3A_412 = arith.constant dense<true> : vector<16xi1>
      %masked_sort3A_413 = arith.constant -2147483648 : i32
      %masked_sort3A_414 = vector.broadcast %masked_sort3A_413 : i32 to vector<16xi32>
      %masked_sort3A_415 = arith.xori %select_n3A_411, %masked_sort3A_414 : vector<16xi32>
      %masked_sort3A_416, %masked_sort3A_417, %masked_sort3A_418 = tpu.sort %masked_sort3A_415, %sub3A_387 masked %masked_sort3A_412 : (vector<16xi32>, vector<16xf32>, vector<16xi1>) -> (vector<16xi1>, vector<16xi32>, vector<16xf32>)
      %masked_sort3A_419 = arith.xori %masked_sort3A_417, %masked_sort3A_414 : vector<16xi32>
      %iota3A_420 = tpu.iota {dimensions = array<i32: 0>} : vector<16xi32>
      %sub3A_421 = arith.constant 1 : i32
      %sub3A_422 = vector.broadcast %sub3A_421 : i32 to vector<16xi32>
      %sub3A_423 = arith.subi %iota3A_420, %sub3A_422 : vector<16xi32>
      %max3A_424 = arith.constant 0 : i32
      %max3A_425 = vector.broadcast %max3A_424 : i32 to vector<16xi32>
      %max3A_426 = arith.maxsi %sub3A_423, %max3A_425 : vector<16xi32>
      %broadcast_in_dim3A_427 = vector.shape_cast %max3A_426 : vector<16xi32> to vector<16x1xi32>
      %gather3A_428 = vector.shape_cast %broadcast_in_dim3A_427 : vector<16x1xi32> to vector<16xi32>
      %gather3A_429 = tpu.dynamic_gather %masked_sort3A_419[%gather3A_428] in [0] : vector<16xi32>, vector<16xi32> -> vector<16xi32>
      %add3A_430 = arith.constant 1 : i32
      %add3A_431 = vector.broadcast %add3A_430 : i32 to vector<16xi32>
      %add3A_432 = arith.addi %iota3A_420, %add3A_431 : vector<16xi32>
      %min3A_433 = arith.constant 15 : i32
      %min3A_434 = vector.broadcast %min3A_433 : i32 to vector<16xi32>
      %min3A_435 = arith.minsi %add3A_432, %min3A_434 : vector<16xi32>
      %broadcast_in_dim3A_436 = vector.shape_cast %min3A_435 : vector<16xi32> to vector<16x1xi32>
      %gather3A_437 = vector.shape_cast %broadcast_in_dim3A_436 : vector<16x1xi32> to vector<16xi32>
      %gather3A_438 = tpu.dynamic_gather %masked_sort3A_419[%gather3A_437] in [0] : vector<16xi32>, vector<16xi32> -> vector<16xi32>
      %eq3A_439 = arith.constant 0 : i32
      %eq3A_440 = vector.broadcast %eq3A_439 : i32 to vector<16xi32>
      %eq3A_441 = arith.cmpi eq, %iota3A_420, %eq3A_440 : vector<16xi32>
      %ne3A_442 = arith.cmpi ne, %masked_sort3A_419, %gather3A_429 : vector<16xi32>
      %or3A_443 = arith.ori %eq3A_441, %ne3A_442 : vector<16xi1>
      %eq3A_444 = arith.constant 15 : i32
      %eq3A_445 = vector.broadcast %eq3A_444 : i32 to vector<16xi32>
      %eq3A_446 = arith.cmpi eq, %iota3A_420, %eq3A_445 : vector<16xi32>
      %ne3A_447 = arith.cmpi ne, %masked_sort3A_419, %gather3A_438 : vector<16xi32>
      %or3A_448 = arith.ori %eq3A_446, %ne3A_447 : vector<16xi1>
      %jit3A_449 = arith.constant 0 : i32
      %broadcast_in_dim3A_450 = vector.broadcast %jit3A_449 : i32 to vector<16xi32>
      %select_n3A_451 = arith.select %or3A_443, %iota3A_420, %broadcast_in_dim3A_450 : vector<16xi1>, vector<16xi32>
      %broadcast_in_dim3A_452 = arith.constant true
      %broadcast_in_dim3A_453 = vector.broadcast %broadcast_in_dim3A_452 : i1 to vector<16xi1>
      %masked_cummax3A_454 = arith.constant -2147483648 : i32
      %masked_cummax3A_455 = vector.broadcast %masked_cummax3A_454 : i32 to vector<16xi32>
      %masked_cummax3A_456 = arith.xori %select_n3A_451, %masked_cummax3A_455 : vector<16xi32>
      %masked_cummax3A_457 = tpu.scan <max>, %masked_cummax3A_456 masked %broadcast_in_dim3A_453 : vector<16xi32>, vector<16xi1> -> vector<16xi32>
      %masked_cummax3A_458 = arith.xori %masked_cummax3A_457, %masked_cummax3A_455 : vector<16xi32>
      %sub3A_459 = arith.subi %iota3A_420, %masked_cummax3A_458 : vector<16xi32>
      %lt3A_460 = arith.constant 4096 : i32
      %lt3A_461 = vector.broadcast %lt3A_460 : i32 to vector<16xi32>
      %lt3A_462 = arith.cmpi slt, %masked_sort3A_419, %lt3A_461 : vector<16xi32>
      %and3A_463 = arith.andi %or3A_448, %lt3A_462 : vector<16xi1>
      %add3A_464 = arith.constant 1 : i32
      %add3A_465 = vector.broadcast %add3A_464 : i32 to vector<16xi32>
      %add3A_466 = arith.addi %sub3A_459, %add3A_465 : vector<16xi32>
      %jit3A_467 = arith.constant 0 : i32
      %broadcast_in_dim3A_468 = vector.broadcast %jit3A_467 : i32 to vector<16xi32>
      %select_n3A_469 = arith.select %and3A_463, %add3A_466, %broadcast_in_dim3A_468 : vector<16xi1>, vector<16xi32>
      %min3A_470 = arith.constant 4111 : i32
      %min3A_471 = vector.broadcast %min3A_470 : i32 to vector<16xi32>
      %min3A_472 = arith.minsi %masked_sort3A_419, %min3A_471 : vector<16xi32>
      %gather3A_473 = tpu.vector_load_idx %arg9[%min3A_472] : memref<4112xi32, #tpu.memory_space<vmem>>[vector<16xi32>], vector<16xi32>,
      %and3A_474 = arith.andi %or3A_448, %lt3A_462 : vector<16xi1>
      tpu.vector_store_idx %arg9[%masked_sort3A_419], %select_n3A_469 masked %and3A_474 {add = true} : memref<4112xi32, #tpu.memory_space<vmem>>[vector<16xi32>], vector<16xi32>, vector<16xi1>
      %swap3A_475 = arith.index_cast %mul3A_382 : i32 to index
      %swap3A_476 = tpu.vector_load %arg12[%swap3A_475] {strides = array<i32>} : memref<4096xi32, #tpu.memory_space<vmem>>, vector<16xi32>,
      tpu.vector_store %arg12[%swap3A_475], %min3A_472 {strides = array<i32>} : memref<4096xi32, #tpu.memory_space<vmem>>, vector<16xi32>,
      %swap3A_477 = arith.index_cast %mul3A_382 : i32 to index
      %swap3A_478 = tpu.vector_load %arg13[%swap3A_477] {strides = array<i32>} : memref<4096xf32, #tpu.memory_space<vmem>>, vector<16xf32>,
      tpu.vector_store %arg13[%swap3A_477], %masked_sort3A_418 {strides = array<i32>} : memref<4096xf32, #tpu.memory_space<vmem>>, vector<16xf32>,
      %add3A_479 = arith.addi %gather3A_473, %sub3A_459 : vector<16xi32>
      %swap3A_480 = arith.index_cast %mul3A_382 : i32 to index
      %swap3A_481 = tpu.vector_load %arg14[%swap3A_480] {strides = array<i32>} : memref<4096xi32, #tpu.memory_space<vmem>>, vector<16xi32>,
      tpu.vector_store %arg14[%swap3A_480], %add3A_479 {strides = array<i32>} : memref<4096xi32, #tpu.memory_space<vmem>>, vector<16xi32>,
      %jit3A_482 = arith.constant 1 : i32
      %jit3A_483 = arith.constant 0 : i32
      %broadcast_in_dim3A_484 = vector.broadcast %jit3A_482 : i32 to vector<16xi32>
      %broadcast_in_dim3A_485 = vector.broadcast %jit3A_483 : i32 to vector<16xi32>
      %select_n3A_486 = arith.select %eq3A_392, %broadcast_in_dim3A_484, %broadcast_in_dim3A_485 : vector<16xi1>, vector<16xi32>
      %add3A_487 = arith.addi %add3A_378, %select_n3A_486 : vector<16xi32>
      %scan3A_488 = arith.constant 4 : i32
      %scan3A_489 = arith.addi %scan3A_64, %scan3A_488 : i32
      %mul3A_490 = arith.constant 16 : i32
      %mul3A_491 = arith.muli %scan3A_489, %mul3A_490 : i32
      %get3A_492 = arith.index_cast %mul3A_491 : i32 to index
      %get3A_493 = tpu.vector_load %arg7[%get3A_492] {strides = array<i32>} : memref<4096xf32, #tpu.memory_space<vmem>>, vector<16xf32>,
      %get3A_494 = arith.index_cast %mul3A_491 : i32 to index
      %get3A_495 = tpu.vector_load %arg6[%get3A_494] {strides = array<i32>} : memref<4096xf32, #tpu.memory_space<vmem>>, vector<16xf32>,
      %sub3A_496 = arith.subf %get3A_493, %get3A_495 : vector<16xf32>
      %get3A_497 = arith.index_cast %mul3A_491 : i32 to index
      %get3A_498 = tpu.vector_load %arg8[%get3A_497] {strides = array<i32>} : memref<4096xi32, #tpu.memory_space<vmem>>, vector<16xi32>,
      %eq3A_499 = arith.constant 1 : i32
      %eq3A_500 = vector.broadcast %eq3A_499 : i32 to vector<16xi32>
      %eq3A_501 = arith.cmpi eq, %get3A_498, %eq3A_500 : vector<16xi32>
      %jit3A_502 = arith.constant -8.000000e+00 : f32
      %jit3A_503 = arith.constant 8.000000e+00 : f32
      %max3A_504 = vector.broadcast %jit3A_502 : f32 to vector<16xf32>
      %max3A_505 = arith.maximumf %max3A_504, %sub3A_496 : vector<16xf32>
      %min3A_506 = vector.broadcast %jit3A_503 : f32 to vector<16xf32>
      %min3A_507 = arith.minimumf %min3A_506, %max3A_505 : vector<16xf32>
      %add3A_508 = arith.constant 8.000000e+00 : f32
      %add3A_509 = vector.broadcast %add3A_508 : f32 to vector<16xf32>
      %add3A_510 = arith.addf %min3A_507, %add3A_509 : vector<16xf32>
      %mul3A_511 = arith.constant 255.9375 : f32
      %mul3A_512 = vector.broadcast %mul3A_511 : f32 to vector<16xf32>
      %mul3A_513 = arith.mulf %add3A_510, %mul3A_512 : vector<16xf32>
      %min3A_514 = arith.constant 4.095000e+03 : f32
      %min3A_515 = vector.broadcast %min3A_514 : f32 to vector<16xf32>
      %min3A_516 = arith.minimumf %mul3A_513, %min3A_515 : vector<16xf32>
      %convert_element_type3A_517 = arith.fptosi %min3A_516 : vector<16xf32> to vector<16xi32>
      %jit3A_518 = arith.constant 4100 : i32
      %broadcast_in_dim3A_519 = vector.broadcast %jit3A_518 : i32 to vector<16xi32>
      %select_n3A_520 = arith.select %eq3A_501, %convert_element_type3A_517, %broadcast_in_dim3A_519 : vector<16xi1>, vector<16xi32>
      %masked_sort3A_521 = arith.constant dense<true> : vector<16xi1>
      %masked_sort3A_522 = arith.constant -2147483648 : i32
      %masked_sort3A_523 = vector.broadcast %masked_sort3A_522 : i32 to vector<16xi32>
      %masked_sort3A_524 = arith.xori %select_n3A_520, %masked_sort3A_523 : vector<16xi32>
      %masked_sort3A_525, %masked_sort3A_526, %masked_sort3A_527 = tpu.sort %masked_sort3A_524, %sub3A_496 masked %masked_sort3A_521 : (vector<16xi32>, vector<16xf32>, vector<16xi1>) -> (vector<16xi1>, vector<16xi32>, vector<16xf32>)
      %masked_sort3A_528 = arith.xori %masked_sort3A_526, %masked_sort3A_523 : vector<16xi32>
      %iota3A_529 = tpu.iota {dimensions = array<i32: 0>} : vector<16xi32>
      %sub3A_530 = arith.constant 1 : i32
      %sub3A_531 = vector.broadcast %sub3A_530 : i32 to vector<16xi32>
      %sub3A_532 = arith.subi %iota3A_529, %sub3A_531 : vector<16xi32>
      %max3A_533 = arith.constant 0 : i32
      %max3A_534 = vector.broadcast %max3A_533 : i32 to vector<16xi32>
      %max3A_535 = arith.maxsi %sub3A_532, %max3A_534 : vector<16xi32>
      %broadcast_in_dim3A_536 = vector.shape_cast %max3A_535 : vector<16xi32> to vector<16x1xi32>
      %gather3A_537 = vector.shape_cast %broadcast_in_dim3A_536 : vector<16x1xi32> to vector<16xi32>
      %gather3A_538 = tpu.dynamic_gather %masked_sort3A_528[%gather3A_537] in [0] : vector<16xi32>, vector<16xi32> -> vector<16xi32>
      %add3A_539 = arith.constant 1 : i32
      %add3A_540 = vector.broadcast %add3A_539 : i32 to vector<16xi32>
      %add3A_541 = arith.addi %iota3A_529, %add3A_540 : vector<16xi32>
      %min3A_542 = arith.constant 15 : i32
      %min3A_543 = vector.broadcast %min3A_542 : i32 to vector<16xi32>
      %min3A_544 = arith.minsi %add3A_541, %min3A_543 : vector<16xi32>
      %broadcast_in_dim3A_545 = vector.shape_cast %min3A_544 : vector<16xi32> to vector<16x1xi32>
      %gather3A_546 = vector.shape_cast %broadcast_in_dim3A_545 : vector<16x1xi32> to vector<16xi32>
      %gather3A_547 = tpu.dynamic_gather %masked_sort3A_528[%gather3A_546] in [0] : vector<16xi32>, vector<16xi32> -> vector<16xi32>
      %eq3A_548 = arith.constant 0 : i32
      %eq3A_549 = vector.broadcast %eq3A_548 : i32 to vector<16xi32>
      %eq3A_550 = arith.cmpi eq, %iota3A_529, %eq3A_549 : vector<16xi32>
      %ne3A_551 = arith.cmpi ne, %masked_sort3A_528, %gather3A_538 : vector<16xi32>
      %or3A_552 = arith.ori %eq3A_550, %ne3A_551 : vector<16xi1>
      %eq3A_553 = arith.constant 15 : i32
      %eq3A_554 = vector.broadcast %eq3A_553 : i32 to vector<16xi32>
      %eq3A_555 = arith.cmpi eq, %iota3A_529, %eq3A_554 : vector<16xi32>
      %ne3A_556 = arith.cmpi ne, %masked_sort3A_528, %gather3A_547 : vector<16xi32>
      %or3A_557 = arith.ori %eq3A_555, %ne3A_556 : vector<16xi1>
      %jit3A_558 = arith.constant 0 : i32
      %broadcast_in_dim3A_559 = vector.broadcast %jit3A_558 : i32 to vector<16xi32>
      %select_n3A_560 = arith.select %or3A_552, %iota3A_529, %broadcast_in_dim3A_559 : vector<16xi1>, vector<16xi32>
      %broadcast_in_dim3A_561 = arith.constant true
      %broadcast_in_dim3A_562 = vector.broadcast %broadcast_in_dim3A_561 : i1 to vector<16xi1>
      %masked_cummax3A_563 = arith.constant -2147483648 : i32
      %masked_cummax3A_564 = vector.broadcast %masked_cummax3A_563 : i32 to vector<16xi32>
      %masked_cummax3A_565 = arith.xori %select_n3A_560, %masked_cummax3A_564 : vector<16xi32>
      %masked_cummax3A_566 = tpu.scan <max>, %masked_cummax3A_565 masked %broadcast_in_dim3A_562 : vector<16xi32>, vector<16xi1> -> vector<16xi32>
      %masked_cummax3A_567 = arith.xori %masked_cummax3A_566, %masked_cummax3A_564 : vector<16xi32>
      %sub3A_568 = arith.subi %iota3A_529, %masked_cummax3A_567 : vector<16xi32>
      %lt3A_569 = arith.constant 4096 : i32
      %lt3A_570 = vector.broadcast %lt3A_569 : i32 to vector<16xi32>
      %lt3A_571 = arith.cmpi slt, %masked_sort3A_528, %lt3A_570 : vector<16xi32>
      %and3A_572 = arith.andi %or3A_557, %lt3A_571 : vector<16xi1>
      %add3A_573 = arith.constant 1 : i32
      %add3A_574 = vector.broadcast %add3A_573 : i32 to vector<16xi32>
      %add3A_575 = arith.addi %sub3A_568, %add3A_574 : vector<16xi32>
      %jit3A_576 = arith.constant 0 : i32
      %broadcast_in_dim3A_577 = vector.broadcast %jit3A_576 : i32 to vector<16xi32>
      %select_n3A_578 = arith.select %and3A_572, %add3A_575, %broadcast_in_dim3A_577 : vector<16xi1>, vector<16xi32>
      %min3A_579 = arith.constant 4111 : i32
      %min3A_580 = vector.broadcast %min3A_579 : i32 to vector<16xi32>
      %min3A_581 = arith.minsi %masked_sort3A_528, %min3A_580 : vector<16xi32>
      %gather3A_582 = tpu.vector_load_idx %arg9[%min3A_581] : memref<4112xi32, #tpu.memory_space<vmem>>[vector<16xi32>], vector<16xi32>,
      %and3A_583 = arith.andi %or3A_557, %lt3A_571 : vector<16xi1>
      tpu.vector_store_idx %arg9[%masked_sort3A_528], %select_n3A_578 masked %and3A_583 {add = true} : memref<4112xi32, #tpu.memory_space<vmem>>[vector<16xi32>], vector<16xi32>, vector<16xi1>
      %swap3A_584 = arith.index_cast %mul3A_491 : i32 to index
      %swap3A_585 = tpu.vector_load %arg12[%swap3A_584] {strides = array<i32>} : memref<4096xi32, #tpu.memory_space<vmem>>, vector<16xi32>,
      tpu.vector_store %arg12[%swap3A_584], %min3A_581 {strides = array<i32>} : memref<4096xi32, #tpu.memory_space<vmem>>, vector<16xi32>,
      %swap3A_586 = arith.index_cast %mul3A_491 : i32 to index
      %swap3A_587 = tpu.vector_load %arg13[%swap3A_586] {strides = array<i32>} : memref<4096xf32, #tpu.memory_space<vmem>>, vector<16xf32>,
      tpu.vector_store %arg13[%swap3A_586], %masked_sort3A_527 {strides = array<i32>} : memref<4096xf32, #tpu.memory_space<vmem>>, vector<16xf32>,
      %add3A_588 = arith.addi %gather3A_582, %sub3A_568 : vector<16xi32>
      %swap3A_589 = arith.index_cast %mul3A_491 : i32 to index
      %swap3A_590 = tpu.vector_load %arg14[%swap3A_589] {strides = array<i32>} : memref<4096xi32, #tpu.memory_space<vmem>>, vector<16xi32>,
      tpu.vector_store %arg14[%swap3A_589], %add3A_588 {strides = array<i32>} : memref<4096xi32, #tpu.memory_space<vmem>>, vector<16xi32>,
      %jit3A_591 = arith.constant 1 : i32
      %jit3A_592 = arith.constant 0 : i32
      %broadcast_in_dim3A_593 = vector.broadcast %jit3A_591 : i32 to vector<16xi32>
      %broadcast_in_dim3A_594 = vector.broadcast %jit3A_592 : i32 to vector<16xi32>
      %select_n3A_595 = arith.select %eq3A_501, %broadcast_in_dim3A_593, %broadcast_in_dim3A_594 : vector<16xi1>, vector<16xi32>
      %add3A_596 = arith.addi %add3A_487, %select_n3A_595 : vector<16xi32>
      %scan3A_597 = arith.constant 5 : i32
      %scan3A_598 = arith.addi %scan3A_64, %scan3A_597 : i32
      %mul3A_599 = arith.constant 16 : i32
      %mul3A_600 = arith.muli %scan3A_598, %mul3A_599 : i32
      %get3A_601 = arith.index_cast %mul3A_600 : i32 to index
      %get3A_602 = tpu.vector_load %arg7[%get3A_601] {strides = array<i32>} : memref<4096xf32, #tpu.memory_space<vmem>>, vector<16xf32>,
      %get3A_603 = arith.index_cast %mul3A_600 : i32 to index
      %get3A_604 = tpu.vector_load %arg6[%get3A_603] {strides = array<i32>} : memref<4096xf32, #tpu.memory_space<vmem>>, vector<16xf32>,
      %sub3A_605 = arith.subf %get3A_602, %get3A_604 : vector<16xf32>
      %get3A_606 = arith.index_cast %mul3A_600 : i32 to index
      %get3A_607 = tpu.vector_load %arg8[%get3A_606] {strides = array<i32>} : memref<4096xi32, #tpu.memory_space<vmem>>, vector<16xi32>,
      %eq3A_608 = arith.constant 1 : i32
      %eq3A_609 = vector.broadcast %eq3A_608 : i32 to vector<16xi32>
      %eq3A_610 = arith.cmpi eq, %get3A_607, %eq3A_609 : vector<16xi32>
      %jit3A_611 = arith.constant -8.000000e+00 : f32
      %jit3A_612 = arith.constant 8.000000e+00 : f32
      %max3A_613 = vector.broadcast %jit3A_611 : f32 to vector<16xf32>
      %max3A_614 = arith.maximumf %max3A_613, %sub3A_605 : vector<16xf32>
      %min3A_615 = vector.broadcast %jit3A_612 : f32 to vector<16xf32>
      %min3A_616 = arith.minimumf %min3A_615, %max3A_614 : vector<16xf32>
      %add3A_617 = arith.constant 8.000000e+00 : f32
      %add3A_618 = vector.broadcast %add3A_617 : f32 to vector<16xf32>
      %add3A_619 = arith.addf %min3A_616, %add3A_618 : vector<16xf32>
      %mul3A_620 = arith.constant 255.9375 : f32
      %mul3A_621 = vector.broadcast %mul3A_620 : f32 to vector<16xf32>
      %mul3A_622 = arith.mulf %add3A_619, %mul3A_621 : vector<16xf32>
      %min3A_623 = arith.constant 4.095000e+03 : f32
      %min3A_624 = vector.broadcast %min3A_623 : f32 to vector<16xf32>
      %min3A_625 = arith.minimumf %mul3A_622, %min3A_624 : vector<16xf32>
      %convert_element_type3A_626 = arith.fptosi %min3A_625 : vector<16xf32> to vector<16xi32>
      %jit3A_627 = arith.constant 4100 : i32
      %broadcast_in_dim3A_628 = vector.broadcast %jit3A_627 : i32 to vector<16xi32>
      %select_n3A_629 = arith.select %eq3A_610, %convert_element_type3A_626, %broadcast_in_dim3A_628 : vector<16xi1>, vector<16xi32>
      %masked_sort3A_630 = arith.constant dense<true> : vector<16xi1>
      %masked_sort3A_631 = arith.constant -2147483648 : i32
      %masked_sort3A_632 = vector.broadcast %masked_sort3A_631 : i32 to vector<16xi32>
      %masked_sort3A_633 = arith.xori %select_n3A_629, %masked_sort3A_632 : vector<16xi32>
      %masked_sort3A_634, %masked_sort3A_635, %masked_sort3A_636 = tpu.sort %masked_sort3A_633, %sub3A_605 masked %masked_sort3A_630 : (vector<16xi32>, vector<16xf32>, vector<16xi1>) -> (vector<16xi1>, vector<16xi32>, vector<16xf32>)
      %masked_sort3A_637 = arith.xori %masked_sort3A_635, %masked_sort3A_632 : vector<16xi32>
      %iota3A_638 = tpu.iota {dimensions = array<i32: 0>} : vector<16xi32>
      %sub3A_639 = arith.constant 1 : i32
      %sub3A_640 = vector.broadcast %sub3A_639 : i32 to vector<16xi32>
      %sub3A_641 = arith.subi %iota3A_638, %sub3A_640 : vector<16xi32>
      %max3A_642 = arith.constant 0 : i32
      %max3A_643 = vector.broadcast %max3A_642 : i32 to vector<16xi32>
      %max3A_644 = arith.maxsi %sub3A_641, %max3A_643 : vector<16xi32>
      %broadcast_in_dim3A_645 = vector.shape_cast %max3A_644 : vector<16xi32> to vector<16x1xi32>
      %gather3A_646 = vector.shape_cast %broadcast_in_dim3A_645 : vector<16x1xi32> to vector<16xi32>
      %gather3A_647 = tpu.dynamic_gather %masked_sort3A_637[%gather3A_646] in [0] : vector<16xi32>, vector<16xi32> -> vector<16xi32>
      %add3A_648 = arith.constant 1 : i32
      %add3A_649 = vector.broadcast %add3A_648 : i32 to vector<16xi32>
      %add3A_650 = arith.addi %iota3A_638, %add3A_649 : vector<16xi32>
      %min3A_651 = arith.constant 15 : i32
      %min3A_652 = vector.broadcast %min3A_651 : i32 to vector<16xi32>
      %min3A_653 = arith.minsi %add3A_650, %min3A_652 : vector<16xi32>
      %broadcast_in_dim3A_654 = vector.shape_cast %min3A_653 : vector<16xi32> to vector<16x1xi32>
      %gather3A_655 = vector.shape_cast %broadcast_in_dim3A_654 : vector<16x1xi32> to vector<16xi32>
      %gather3A_656 = tpu.dynamic_gather %masked_sort3A_637[%gather3A_655] in [0] : vector<16xi32>, vector<16xi32> -> vector<16xi32>
      %eq3A_657 = arith.constant 0 : i32
      %eq3A_658 = vector.broadcast %eq3A_657 : i32 to vector<16xi32>
      %eq3A_659 = arith.cmpi eq, %iota3A_638, %eq3A_658 : vector<16xi32>
      %ne3A_660 = arith.cmpi ne, %masked_sort3A_637, %gather3A_647 : vector<16xi32>
      %or3A_661 = arith.ori %eq3A_659, %ne3A_660 : vector<16xi1>
      %eq3A_662 = arith.constant 15 : i32
      %eq3A_663 = vector.broadcast %eq3A_662 : i32 to vector<16xi32>
      %eq3A_664 = arith.cmpi eq, %iota3A_638, %eq3A_663 : vector<16xi32>
      %ne3A_665 = arith.cmpi ne, %masked_sort3A_637, %gather3A_656 : vector<16xi32>
      %or3A_666 = arith.ori %eq3A_664, %ne3A_665 : vector<16xi1>
      %jit3A_667 = arith.constant 0 : i32
      %broadcast_in_dim3A_668 = vector.broadcast %jit3A_667 : i32 to vector<16xi32>
      %select_n3A_669 = arith.select %or3A_661, %iota3A_638, %broadcast_in_dim3A_668 : vector<16xi1>, vector<16xi32>
      %broadcast_in_dim3A_670 = arith.constant true
      %broadcast_in_dim3A_671 = vector.broadcast %broadcast_in_dim3A_670 : i1 to vector<16xi1>
      %masked_cummax3A_672 = arith.constant -2147483648 : i32
      %masked_cummax3A_673 = vector.broadcast %masked_cummax3A_672 : i32 to vector<16xi32>
      %masked_cummax3A_674 = arith.xori %select_n3A_669, %masked_cummax3A_673 : vector<16xi32>
      %masked_cummax3A_675 = tpu.scan <max>, %masked_cummax3A_674 masked %broadcast_in_dim3A_671 : vector<16xi32>, vector<16xi1> -> vector<16xi32>
      %masked_cummax3A_676 = arith.xori %masked_cummax3A_675, %masked_cummax3A_673 : vector<16xi32>
      %sub3A_677 = arith.subi %iota3A_638, %masked_cummax3A_676 : vector<16xi32>
      %lt3A_678 = arith.constant 4096 : i32
      %lt3A_679 = vector.broadcast %lt3A_678 : i32 to vector<16xi32>
      %lt3A_680 = arith.cmpi slt, %masked_sort3A_637, %lt3A_679 : vector<16xi32>
      %and3A_681 = arith.andi %or3A_666, %lt3A_680 : vector<16xi1>
      %add3A_682 = arith.constant 1 : i32
      %add3A_683 = vector.broadcast %add3A_682 : i32 to vector<16xi32>
      %add3A_684 = arith.addi %sub3A_677, %add3A_683 : vector<16xi32>
      %jit3A_685 = arith.constant 0 : i32
      %broadcast_in_dim3A_686 = vector.broadcast %jit3A_685 : i32 to vector<16xi32>
      %select_n3A_687 = arith.select %and3A_681, %add3A_684, %broadcast_in_dim3A_686 : vector<16xi1>, vector<16xi32>
      %min3A_688 = arith.constant 4111 : i32
      %min3A_689 = vector.broadcast %min3A_688 : i32 to vector<16xi32>
      %min3A_690 = arith.minsi %masked_sort3A_637, %min3A_689 : vector<16xi32>
      %gather3A_691 = tpu.vector_load_idx %arg9[%min3A_690] : memref<4112xi32, #tpu.memory_space<vmem>>[vector<16xi32>], vector<16xi32>,
      %and3A_692 = arith.andi %or3A_666, %lt3A_680 : vector<16xi1>
      tpu.vector_store_idx %arg9[%masked_sort3A_637], %select_n3A_687 masked %and3A_692 {add = true} : memref<4112xi32, #tpu.memory_space<vmem>>[vector<16xi32>], vector<16xi32>, vector<16xi1>
      %swap3A_693 = arith.index_cast %mul3A_600 : i32 to index
      %swap3A_694 = tpu.vector_load %arg12[%swap3A_693] {strides = array<i32>} : memref<4096xi32, #tpu.memory_space<vmem>>, vector<16xi32>,
      tpu.vector_store %arg12[%swap3A_693], %min3A_690 {strides = array<i32>} : memref<4096xi32, #tpu.memory_space<vmem>>, vector<16xi32>,
      %swap3A_695 = arith.index_cast %mul3A_600 : i32 to index
      %swap3A_696 = tpu.vector_load %arg13[%swap3A_695] {strides = array<i32>} : memref<4096xf32, #tpu.memory_space<vmem>>, vector<16xf32>,
      tpu.vector_store %arg13[%swap3A_695], %masked_sort3A_636 {strides = array<i32>} : memref<4096xf32, #tpu.memory_space<vmem>>, vector<16xf32>,
      %add3A_697 = arith.addi %gather3A_691, %sub3A_677 : vector<16xi32>
      %swap3A_698 = arith.index_cast %mul3A_600 : i32 to index
      %swap3A_699 = tpu.vector_load %arg14[%swap3A_698] {strides = array<i32>} : memref<4096xi32, #tpu.memory_space<vmem>>, vector<16xi32>,
      tpu.vector_store %arg14[%swap3A_698], %add3A_697 {strides = array<i32>} : memref<4096xi32, #tpu.memory_space<vmem>>, vector<16xi32>,
      %jit3A_700 = arith.constant 1 : i32
      %jit3A_701 = arith.constant 0 : i32
      %broadcast_in_dim3A_702 = vector.broadcast %jit3A_700 : i32 to vector<16xi32>
      %broadcast_in_dim3A_703 = vector.broadcast %jit3A_701 : i32 to vector<16xi32>
      %select_n3A_704 = arith.select %eq3A_610, %broadcast_in_dim3A_702, %broadcast_in_dim3A_703 : vector<16xi1>, vector<16xi32>
      %add3A_705 = arith.addi %add3A_596, %select_n3A_704 : vector<16xi32>
      %scan3A_706 = arith.constant 6 : i32
      %scan3A_707 = arith.addi %scan3A_64, %scan3A_706 : i32
      %mul3A_708 = arith.constant 16 : i32
      %mul3A_709 = arith.muli %scan3A_707, %mul3A_708 : i32
      %get3A_710 = arith.index_cast %mul3A_709 : i32 to index
      %get3A_711 = tpu.vector_load %arg7[%get3A_710] {strides = array<i32>} : memref<4096xf32, #tpu.memory_space<vmem>>, vector<16xf32>,
      %get3A_712 = arith.index_cast %mul3A_709 : i32 to index
      %get3A_713 = tpu.vector_load %arg6[%get3A_712] {strides = array<i32>} : memref<4096xf32, #tpu.memory_space<vmem>>, vector<16xf32>,
      %sub3A_714 = arith.subf %get3A_711, %get3A_713 : vector<16xf32>
      %get3A_715 = arith.index_cast %mul3A_709 : i32 to index
      %get3A_716 = tpu.vector_load %arg8[%get3A_715] {strides = array<i32>} : memref<4096xi32, #tpu.memory_space<vmem>>, vector<16xi32>,
      %eq3A_717 = arith.constant 1 : i32
      %eq3A_718 = vector.broadcast %eq3A_717 : i32 to vector<16xi32>
      %eq3A_719 = arith.cmpi eq, %get3A_716, %eq3A_718 : vector<16xi32>
      %jit3A_720 = arith.constant -8.000000e+00 : f32
      %jit3A_721 = arith.constant 8.000000e+00 : f32
      %max3A_722 = vector.broadcast %jit3A_720 : f32 to vector<16xf32>
      %max3A_723 = arith.maximumf %max3A_722, %sub3A_714 : vector<16xf32>
      %min3A_724 = vector.broadcast %jit3A_721 : f32 to vector<16xf32>
      %min3A_725 = arith.minimumf %min3A_724, %max3A_723 : vector<16xf32>
      %add3A_726 = arith.constant 8.000000e+00 : f32
      %add3A_727 = vector.broadcast %add3A_726 : f32 to vector<16xf32>
      %add3A_728 = arith.addf %min3A_725, %add3A_727 : vector<16xf32>
      %mul3A_729 = arith.constant 255.9375 : f32
      %mul3A_730 = vector.broadcast %mul3A_729 : f32 to vector<16xf32>
      %mul3A_731 = arith.mulf %add3A_728, %mul3A_730 : vector<16xf32>
      %min3A_732 = arith.constant 4.095000e+03 : f32
      %min3A_733 = vector.broadcast %min3A_732 : f32 to vector<16xf32>
      %min3A_734 = arith.minimumf %mul3A_731, %min3A_733 : vector<16xf32>
      %convert_element_type3A_735 = arith.fptosi %min3A_734 : vector<16xf32> to vector<16xi32>
      %jit3A_736 = arith.constant 4100 : i32
      %broadcast_in_dim3A_737 = vector.broadcast %jit3A_736 : i32 to vector<16xi32>
      %select_n3A_738 = arith.select %eq3A_719, %convert_element_type3A_735, %broadcast_in_dim3A_737 : vector<16xi1>, vector<16xi32>
      %masked_sort3A_739 = arith.constant dense<true> : vector<16xi1>
      %masked_sort3A_740 = arith.constant -2147483648 : i32
      %masked_sort3A_741 = vector.broadcast %masked_sort3A_740 : i32 to vector<16xi32>
      %masked_sort3A_742 = arith.xori %select_n3A_738, %masked_sort3A_741 : vector<16xi32>
      %masked_sort3A_743, %masked_sort3A_744, %masked_sort3A_745 = tpu.sort %masked_sort3A_742, %sub3A_714 masked %masked_sort3A_739 : (vector<16xi32>, vector<16xf32>, vector<16xi1>) -> (vector<16xi1>, vector<16xi32>, vector<16xf32>)
      %masked_sort3A_746 = arith.xori %masked_sort3A_744, %masked_sort3A_741 : vector<16xi32>
      %iota3A_747 = tpu.iota {dimensions = array<i32: 0>} : vector<16xi32>
      %sub3A_748 = arith.constant 1 : i32
      %sub3A_749 = vector.broadcast %sub3A_748 : i32 to vector<16xi32>
      %sub3A_750 = arith.subi %iota3A_747, %sub3A_749 : vector<16xi32>
      %max3A_751 = arith.constant 0 : i32
      %max3A_752 = vector.broadcast %max3A_751 : i32 to vector<16xi32>
      %max3A_753 = arith.maxsi %sub3A_750, %max3A_752 : vector<16xi32>
      %broadcast_in_dim3A_754 = vector.shape_cast %max3A_753 : vector<16xi32> to vector<16x1xi32>
      %gather3A_755 = vector.shape_cast %broadcast_in_dim3A_754 : vector<16x1xi32> to vector<16xi32>
      %gather3A_756 = tpu.dynamic_gather %masked_sort3A_746[%gather3A_755] in [0] : vector<16xi32>, vector<16xi32> -> vector<16xi32>
      %add3A_757 = arith.constant 1 : i32
      %add3A_758 = vector.broadcast %add3A_757 : i32 to vector<16xi32>
      %add3A_759 = arith.addi %iota3A_747, %add3A_758 : vector<16xi32>
      %min3A_760 = arith.constant 15 : i32
      %min3A_761 = vector.broadcast %min3A_760 : i32 to vector<16xi32>
      %min3A_762 = arith.minsi %add3A_759, %min3A_761 : vector<16xi32>
      %broadcast_in_dim3A_763 = vector.shape_cast %min3A_762 : vector<16xi32> to vector<16x1xi32>
      %gather3A_764 = vector.shape_cast %broadcast_in_dim3A_763 : vector<16x1xi32> to vector<16xi32>
      %gather3A_765 = tpu.dynamic_gather %masked_sort3A_746[%gather3A_764] in [0] : vector<16xi32>, vector<16xi32> -> vector<16xi32>
      %eq3A_766 = arith.constant 0 : i32
      %eq3A_767 = vector.broadcast %eq3A_766 : i32 to vector<16xi32>
      %eq3A_768 = arith.cmpi eq, %iota3A_747, %eq3A_767 : vector<16xi32>
      %ne3A_769 = arith.cmpi ne, %masked_sort3A_746, %gather3A_756 : vector<16xi32>
      %or3A_770 = arith.ori %eq3A_768, %ne3A_769 : vector<16xi1>
      %eq3A_771 = arith.constant 15 : i32
      %eq3A_772 = vector.broadcast %eq3A_771 : i32 to vector<16xi32>
      %eq3A_773 = arith.cmpi eq, %iota3A_747, %eq3A_772 : vector<16xi32>
      %ne3A_774 = arith.cmpi ne, %masked_sort3A_746, %gather3A_765 : vector<16xi32>
      %or3A_775 = arith.ori %eq3A_773, %ne3A_774 : vector<16xi1>
      %jit3A_776 = arith.constant 0 : i32
      %broadcast_in_dim3A_777 = vector.broadcast %jit3A_776 : i32 to vector<16xi32>
      %select_n3A_778 = arith.select %or3A_770, %iota3A_747, %broadcast_in_dim3A_777 : vector<16xi1>, vector<16xi32>
      %broadcast_in_dim3A_779 = arith.constant true
      %broadcast_in_dim3A_780 = vector.broadcast %broadcast_in_dim3A_779 : i1 to vector<16xi1>
      %masked_cummax3A_781 = arith.constant -2147483648 : i32
      %masked_cummax3A_782 = vector.broadcast %masked_cummax3A_781 : i32 to vector<16xi32>
      %masked_cummax3A_783 = arith.xori %select_n3A_778, %masked_cummax3A_782 : vector<16xi32>
      %masked_cummax3A_784 = tpu.scan <max>, %masked_cummax3A_783 masked %broadcast_in_dim3A_780 : vector<16xi32>, vector<16xi1> -> vector<16xi32>
      %masked_cummax3A_785 = arith.xori %masked_cummax3A_784, %masked_cummax3A_782 : vector<16xi32>
      %sub3A_786 = arith.subi %iota3A_747, %masked_cummax3A_785 : vector<16xi32>
      %lt3A_787 = arith.constant 4096 : i32
      %lt3A_788 = vector.broadcast %lt3A_787 : i32 to vector<16xi32>
      %lt3A_789 = arith.cmpi slt, %masked_sort3A_746, %lt3A_788 : vector<16xi32>
      %and3A_790 = arith.andi %or3A_775, %lt3A_789 : vector<16xi1>
      %add3A_791 = arith.constant 1 : i32
      %add3A_792 = vector.broadcast %add3A_791 : i32 to vector<16xi32>
      %add3A_793 = arith.addi %sub3A_786, %add3A_792 : vector<16xi32>
      %jit3A_794 = arith.constant 0 : i32
      %broadcast_in_dim3A_795 = vector.broadcast %jit3A_794 : i32 to vector<16xi32>
      %select_n3A_796 = arith.select %and3A_790, %add3A_793, %broadcast_in_dim3A_795 : vector<16xi1>, vector<16xi32>
      %min3A_797 = arith.constant 4111 : i32
      %min3A_798 = vector.broadcast %min3A_797 : i32 to vector<16xi32>
      %min3A_799 = arith.minsi %masked_sort3A_746, %min3A_798 : vector<16xi32>
      %gather3A_800 = tpu.vector_load_idx %arg9[%min3A_799] : memref<4112xi32, #tpu.memory_space<vmem>>[vector<16xi32>], vector<16xi32>,
      %and3A_801 = arith.andi %or3A_775, %lt3A_789 : vector<16xi1>
      tpu.vector_store_idx %arg9[%masked_sort3A_746], %select_n3A_796 masked %and3A_801 {add = true} : memref<4112xi32, #tpu.memory_space<vmem>>[vector<16xi32>], vector<16xi32>, vector<16xi1>
      %swap3A_802 = arith.index_cast %mul3A_709 : i32 to index
      %swap3A_803 = tpu.vector_load %arg12[%swap3A_802] {strides = array<i32>} : memref<4096xi32, #tpu.memory_space<vmem>>, vector<16xi32>,
      tpu.vector_store %arg12[%swap3A_802], %min3A_799 {strides = array<i32>} : memref<4096xi32, #tpu.memory_space<vmem>>, vector<16xi32>,
      %swap3A_804 = arith.index_cast %mul3A_709 : i32 to index
      %swap3A_805 = tpu.vector_load %arg13[%swap3A_804] {strides = array<i32>} : memref<4096xf32, #tpu.memory_space<vmem>>, vector<16xf32>,
      tpu.vector_store %arg13[%swap3A_804], %masked_sort3A_745 {strides = array<i32>} : memref<4096xf32, #tpu.memory_space<vmem>>, vector<16xf32>,
      %add3A_806 = arith.addi %gather3A_800, %sub3A_786 : vector<16xi32>
      %swap3A_807 = arith.index_cast %mul3A_709 : i32 to index
      %swap3A_808 = tpu.vector_load %arg14[%swap3A_807] {strides = array<i32>} : memref<4096xi32, #tpu.memory_space<vmem>>, vector<16xi32>,
      tpu.vector_store %arg14[%swap3A_807], %add3A_806 {strides = array<i32>} : memref<4096xi32, #tpu.memory_space<vmem>>, vector<16xi32>,
      %jit3A_809 = arith.constant 1 : i32
      %jit3A_810 = arith.constant 0 : i32
      %broadcast_in_dim3A_811 = vector.broadcast %jit3A_809 : i32 to vector<16xi32>
      %broadcast_in_dim3A_812 = vector.broadcast %jit3A_810 : i32 to vector<16xi32>
      %select_n3A_813 = arith.select %eq3A_719, %broadcast_in_dim3A_811, %broadcast_in_dim3A_812 : vector<16xi1>, vector<16xi32>
      %add3A_814 = arith.addi %add3A_705, %select_n3A_813 : vector<16xi32>
      %scan3A_815 = arith.constant 7 : i32
      %scan3A_816 = arith.addi %scan3A_64, %scan3A_815 : i32
      %mul3A_817 = arith.constant 16 : i32
      %mul3A_818 = arith.muli %scan3A_816, %mul3A_817 : i32
      %get3A_819 = arith.index_cast %mul3A_818 : i32 to index
      %get3A_820 = tpu.vector_load %arg7[%get3A_819] {strides = array<i32>} : memref<4096xf32, #tpu.memory_space<vmem>>, vector<16xf32>,
      %get3A_821 = arith.index_cast %mul3A_818 : i32 to index
      %get3A_822 = tpu.vector_load %arg6[%get3A_821] {strides = array<i32>} : memref<4096xf32, #tpu.memory_space<vmem>>, vector<16xf32>,
      %sub3A_823 = arith.subf %get3A_820, %get3A_822 : vector<16xf32>
      %get3A_824 = arith.index_cast %mul3A_818 : i32 to index
      %get3A_825 = tpu.vector_load %arg8[%get3A_824] {strides = array<i32>} : memref<4096xi32, #tpu.memory_space<vmem>>, vector<16xi32>,
      %eq3A_826 = arith.constant 1 : i32
      %eq3A_827 = vector.broadcast %eq3A_826 : i32 to vector<16xi32>
      %eq3A_828 = arith.cmpi eq, %get3A_825, %eq3A_827 : vector<16xi32>
      %jit3A_829 = arith.constant -8.000000e+00 : f32
      %jit3A_830 = arith.constant 8.000000e+00 : f32
      %max3A_831 = vector.broadcast %jit3A_829 : f32 to vector<16xf32>
      %max3A_832 = arith.maximumf %max3A_831, %sub3A_823 : vector<16xf32>
      %min3A_833 = vector.broadcast %jit3A_830 : f32 to vector<16xf32>
      %min3A_834 = arith.minimumf %min3A_833, %max3A_832 : vector<16xf32>
      %add3A_835 = arith.constant 8.000000e+00 : f32
      %add3A_836 = vector.broadcast %add3A_835 : f32 to vector<16xf32>
      %add3A_837 = arith.addf %min3A_834, %add3A_836 : vector<16xf32>
      %mul3A_838 = arith.constant 255.9375 : f32
      %mul3A_839 = vector.broadcast %mul3A_838 : f32 to vector<16xf32>
      %mul3A_840 = arith.mulf %add3A_837, %mul3A_839 : vector<16xf32>
      %min3A_841 = arith.constant 4.095000e+03 : f32
      %min3A_842 = vector.broadcast %min3A_841 : f32 to vector<16xf32>
      %min3A_843 = arith.minimumf %mul3A_840, %min3A_842 : vector<16xf32>
      %convert_element_type3A_844 = arith.fptosi %min3A_843 : vector<16xf32> to vector<16xi32>
      %jit3A_845 = arith.constant 4100 : i32
      %broadcast_in_dim3A_846 = vector.broadcast %jit3A_845 : i32 to vector<16xi32>
      %select_n3A_847 = arith.select %eq3A_828, %convert_element_type3A_844, %broadcast_in_dim3A_846 : vector<16xi1>, vector<16xi32>
      %masked_sort3A_848 = arith.constant dense<true> : vector<16xi1>
      %masked_sort3A_849 = arith.constant -2147483648 : i32
      %masked_sort3A_850 = vector.broadcast %masked_sort3A_849 : i32 to vector<16xi32>
      %masked_sort3A_851 = arith.xori %select_n3A_847, %masked_sort3A_850 : vector<16xi32>
      %masked_sort3A_852, %masked_sort3A_853, %masked_sort3A_854 = tpu.sort %masked_sort3A_851, %sub3A_823 masked %masked_sort3A_848 : (vector<16xi32>, vector<16xf32>, vector<16xi1>) -> (vector<16xi1>, vector<16xi32>, vector<16xf32>)
      %masked_sort3A_855 = arith.xori %masked_sort3A_853, %masked_sort3A_850 : vector<16xi32>
      %iota3A_856 = tpu.iota {dimensions = array<i32: 0>} : vector<16xi32>
      %sub3A_857 = arith.constant 1 : i32
      %sub3A_858 = vector.broadcast %sub3A_857 : i32 to vector<16xi32>
      %sub3A_859 = arith.subi %iota3A_856, %sub3A_858 : vector<16xi32>
      %max3A_860 = arith.constant 0 : i32
      %max3A_861 = vector.broadcast %max3A_860 : i32 to vector<16xi32>
      %max3A_862 = arith.maxsi %sub3A_859, %max3A_861 : vector<16xi32>
      %broadcast_in_dim3A_863 = vector.shape_cast %max3A_862 : vector<16xi32> to vector<16x1xi32>
      %gather3A_864 = vector.shape_cast %broadcast_in_dim3A_863 : vector<16x1xi32> to vector<16xi32>
      %gather3A_865 = tpu.dynamic_gather %masked_sort3A_855[%gather3A_864] in [0] : vector<16xi32>, vector<16xi32> -> vector<16xi32>
      %add3A_866 = arith.constant 1 : i32
      %add3A_867 = vector.broadcast %add3A_866 : i32 to vector<16xi32>
      %add3A_868 = arith.addi %iota3A_856, %add3A_867 : vector<16xi32>
      %min3A_869 = arith.constant 15 : i32
      %min3A_870 = vector.broadcast %min3A_869 : i32 to vector<16xi32>
      %min3A_871 = arith.minsi %add3A_868, %min3A_870 : vector<16xi32>
      %broadcast_in_dim3A_872 = vector.shape_cast %min3A_871 : vector<16xi32> to vector<16x1xi32>
      %gather3A_873 = vector.shape_cast %broadcast_in_dim3A_872 : vector<16x1xi32> to vector<16xi32>
      %gather3A_874 = tpu.dynamic_gather %masked_sort3A_855[%gather3A_873] in [0] : vector<16xi32>, vector<16xi32> -> vector<16xi32>
      %eq3A_875 = arith.constant 0 : i32
      %eq3A_876 = vector.broadcast %eq3A_875 : i32 to vector<16xi32>
      %eq3A_877 = arith.cmpi eq, %iota3A_856, %eq3A_876 : vector<16xi32>
      %ne3A_878 = arith.cmpi ne, %masked_sort3A_855, %gather3A_865 : vector<16xi32>
      %or3A_879 = arith.ori %eq3A_877, %ne3A_878 : vector<16xi1>
      %eq3A_880 = arith.constant 15 : i32
      %eq3A_881 = vector.broadcast %eq3A_880 : i32 to vector<16xi32>
      %eq3A_882 = arith.cmpi eq, %iota3A_856, %eq3A_881 : vector<16xi32>
      %ne3A_883 = arith.cmpi ne, %masked_sort3A_855, %gather3A_874 : vector<16xi32>
      %or3A_884 = arith.ori %eq3A_882, %ne3A_883 : vector<16xi1>
      %jit3A_885 = arith.constant 0 : i32
      %broadcast_in_dim3A_886 = vector.broadcast %jit3A_885 : i32 to vector<16xi32>
      %select_n3A_887 = arith.select %or3A_879, %iota3A_856, %broadcast_in_dim3A_886 : vector<16xi1>, vector<16xi32>
      %broadcast_in_dim3A_888 = arith.constant true
      %broadcast_in_dim3A_889 = vector.broadcast %broadcast_in_dim3A_888 : i1 to vector<16xi1>
      %masked_cummax3A_890 = arith.constant -2147483648 : i32
      %masked_cummax3A_891 = vector.broadcast %masked_cummax3A_890 : i32 to vector<16xi32>
      %masked_cummax3A_892 = arith.xori %select_n3A_887, %masked_cummax3A_891 : vector<16xi32>
      %masked_cummax3A_893 = tpu.scan <max>, %masked_cummax3A_892 masked %broadcast_in_dim3A_889 : vector<16xi32>, vector<16xi1> -> vector<16xi32>
      %masked_cummax3A_894 = arith.xori %masked_cummax3A_893, %masked_cummax3A_891 : vector<16xi32>
      %sub3A_895 = arith.subi %iota3A_856, %masked_cummax3A_894 : vector<16xi32>
      %lt3A_896 = arith.constant 4096 : i32
      %lt3A_897 = vector.broadcast %lt3A_896 : i32 to vector<16xi32>
      %lt3A_898 = arith.cmpi slt, %masked_sort3A_855, %lt3A_897 : vector<16xi32>
      %and3A_899 = arith.andi %or3A_884, %lt3A_898 : vector<16xi1>
      %add3A_900 = arith.constant 1 : i32
      %add3A_901 = vector.broadcast %add3A_900 : i32 to vector<16xi32>
      %add3A_902 = arith.addi %sub3A_895, %add3A_901 : vector<16xi32>
      %jit3A_903 = arith.constant 0 : i32
      %broadcast_in_dim3A_904 = vector.broadcast %jit3A_903 : i32 to vector<16xi32>
      %select_n3A_905 = arith.select %and3A_899, %add3A_902, %broadcast_in_dim3A_904 : vector<16xi1>, vector<16xi32>
      %min3A_906 = arith.constant 4111 : i32
      %min3A_907 = vector.broadcast %min3A_906 : i32 to vector<16xi32>
      %min3A_908 = arith.minsi %masked_sort3A_855, %min3A_907 : vector<16xi32>
      %gather3A_909 = tpu.vector_load_idx %arg9[%min3A_908] : memref<4112xi32, #tpu.memory_space<vmem>>[vector<16xi32>], vector<16xi32>,
      %and3A_910 = arith.andi %or3A_884, %lt3A_898 : vector<16xi1>
      tpu.vector_store_idx %arg9[%masked_sort3A_855], %select_n3A_905 masked %and3A_910 {add = true} : memref<4112xi32, #tpu.memory_space<vmem>>[vector<16xi32>], vector<16xi32>, vector<16xi1>
      %swap3A_911 = arith.index_cast %mul3A_818 : i32 to index
      %swap3A_912 = tpu.vector_load %arg12[%swap3A_911] {strides = array<i32>} : memref<4096xi32, #tpu.memory_space<vmem>>, vector<16xi32>,
      tpu.vector_store %arg12[%swap3A_911], %min3A_908 {strides = array<i32>} : memref<4096xi32, #tpu.memory_space<vmem>>, vector<16xi32>,
      %swap3A_913 = arith.index_cast %mul3A_818 : i32 to index
      %swap3A_914 = tpu.vector_load %arg13[%swap3A_913] {strides = array<i32>} : memref<4096xf32, #tpu.memory_space<vmem>>, vector<16xf32>,
      tpu.vector_store %arg13[%swap3A_913], %masked_sort3A_854 {strides = array<i32>} : memref<4096xf32, #tpu.memory_space<vmem>>, vector<16xf32>,
      %add3A_915 = arith.addi %gather3A_909, %sub3A_895 : vector<16xi32>
      %swap3A_916 = arith.index_cast %mul3A_818 : i32 to index
      %swap3A_917 = tpu.vector_load %arg14[%swap3A_916] {strides = array<i32>} : memref<4096xi32, #tpu.memory_space<vmem>>, vector<16xi32>,
      tpu.vector_store %arg14[%swap3A_916], %add3A_915 {strides = array<i32>} : memref<4096xi32, #tpu.memory_space<vmem>>, vector<16xi32>,
      %jit3A_918 = arith.constant 1 : i32
      %jit3A_919 = arith.constant 0 : i32
      %broadcast_in_dim3A_920 = vector.broadcast %jit3A_918 : i32 to vector<16xi32>
      %broadcast_in_dim3A_921 = vector.broadcast %jit3A_919 : i32 to vector<16xi32>
      %select_n3A_922 = arith.select %eq3A_828, %broadcast_in_dim3A_920, %broadcast_in_dim3A_921 : vector<16xi1>, vector<16xi32>
      %add3A_923 = arith.addi %add3A_814, %select_n3A_922 : vector<16xi32>
      scf.yield %add3A_923 : vector<16xi32>
    }
    %scan3A_17 = arith.constant 256 : i32
    %reduce_sum3A = arith.constant true
    %reduce_sum3A_18 = vector.broadcast %reduce_sum3A : i1 to vector<16xi1>
    %reduce_sum3A_19 = tpu.scan <sum>, %scan3A_16 masked %reduce_sum3A_18 : vector<16xi32>, vector<16xi1> -> vector<16xi32>
    %reduce_sum3A_20 = vector.extract %reduce_sum3A_19[15] : i32 from vector<16xi32>
    %scan3A_21 = arith.constant 0 : i32
    %scan3A_22 = arith.constant 0 : i32
    %scan3A_23 = arith.constant 256 : i32
    %scan3A_24 = arith.addi %scan3A_22, %scan3A_23 : i32
    %scan3A_25 = arith.constant 8 : i32
    %scan3A_26 = scf.for %scan3A_64 = %scan3A_22 to %scan3A_24 step %scan3A_25 iter_args(%scan3A_65 = %scan3A_21) -> (i32)  : i32 {
      %mul3A_66 = arith.constant 16 : i32
      %mul3A_67 = arith.muli %scan3A_64, %mul3A_66 : i32
      %get3A_68 = arith.index_cast %mul3A_67 : i32 to index
      %get3A_69 = tpu.vector_load %arg9[%get3A_68] {strides = array<i32>} : memref<4112xi32, #tpu.memory_space<vmem>>, vector<16xi32>,
      %broadcast_in_dim3A_70 = arith.constant true
      %broadcast_in_dim3A_71 = vector.broadcast %broadcast_in_dim3A_70 : i1 to vector<16xi1>
      %masked_cumsum3A_72 = tpu.scan <sum>, %get3A_69 masked %broadcast_in_dim3A_71 : vector<16xi32>, vector<16xi1> -> vector<16xi32>
      %add3A_73 = vector.broadcast %scan3A_65 : i32 to vector<16xi32>
      %add3A_74 = arith.addi %masked_cumsum3A_72, %add3A_73 : vector<16xi32>
      %sub3A_75 = arith.subi %add3A_74, %get3A_69 : vector<16xi32>
      %mul3A_76 = arith.constant 16 : i32
      %mul3A_77 = arith.muli %scan3A_64, %mul3A_76 : i32
      %swap3A_78 = arith.index_cast %mul3A_77 : i32 to index
      %swap3A_79 = tpu.vector_load %arg10[%swap3A_78] {strides = array<i32>} : memref<4112xi32, #tpu.memory_space<vmem>>, vector<16xi32>,
      tpu.vector_store %arg10[%swap3A_78], %sub3A_75 {strides = array<i32>} : memref<4112xi32, #tpu.memory_space<vmem>>, vector<16xi32>,
      %reduce_sum3A_80 = arith.constant true
      %reduce_sum3A_81 = vector.broadcast %reduce_sum3A_80 : i1 to vector<16xi1>
      %reduce_sum3A_82 = tpu.scan <sum>, %get3A_69 masked %reduce_sum3A_81 : vector<16xi32>, vector<16xi1> -> vector<16xi32>
      %reduce_sum3A_83 = vector.extract %reduce_sum3A_82[15] : i32 from vector<16xi32>
      %add3A_84 = arith.addi %scan3A_65, %reduce_sum3A_83 : i32
      %scan3A_85 = arith.constant 1 : i32
      %scan3A_86 = arith.addi %scan3A_64, %scan3A_85 : i32
      %mul3A_87 = arith.constant 16 : i32
      %mul3A_88 = arith.muli %scan3A_86, %mul3A_87 : i32
      %get3A_89 = arith.index_cast %mul3A_88 : i32 to index
      %get3A_90 = tpu.vector_load %arg9[%get3A_89] {strides = array<i32>} : memref<4112xi32, #tpu.memory_space<vmem>>, vector<16xi32>,
      %broadcast_in_dim3A_91 = arith.constant true
      %broadcast_in_dim3A_92 = vector.broadcast %broadcast_in_dim3A_91 : i1 to vector<16xi1>
      %masked_cumsum3A_93 = tpu.scan <sum>, %get3A_90 masked %broadcast_in_dim3A_92 : vector<16xi32>, vector<16xi1> -> vector<16xi32>
      %add3A_94 = vector.broadcast %add3A_84 : i32 to vector<16xi32>
      %add3A_95 = arith.addi %masked_cumsum3A_93, %add3A_94 : vector<16xi32>
      %sub3A_96 = arith.subi %add3A_95, %get3A_90 : vector<16xi32>
      %mul3A_97 = arith.constant 16 : i32
      %mul3A_98 = arith.muli %scan3A_86, %mul3A_97 : i32
      %swap3A_99 = arith.index_cast %mul3A_98 : i32 to index
      %swap3A_100 = tpu.vector_load %arg10[%swap3A_99] {strides = array<i32>} : memref<4112xi32, #tpu.memory_space<vmem>>, vector<16xi32>,
      tpu.vector_store %arg10[%swap3A_99], %sub3A_96 {strides = array<i32>} : memref<4112xi32, #tpu.memory_space<vmem>>, vector<16xi32>,
      %reduce_sum3A_101 = arith.constant true
      %reduce_sum3A_102 = vector.broadcast %reduce_sum3A_101 : i1 to vector<16xi1>
      %reduce_sum3A_103 = tpu.scan <sum>, %get3A_90 masked %reduce_sum3A_102 : vector<16xi32>, vector<16xi1> -> vector<16xi32>
      %reduce_sum3A_104 = vector.extract %reduce_sum3A_103[15] : i32 from vector<16xi32>
      %add3A_105 = arith.addi %add3A_84, %reduce_sum3A_104 : i32
      %scan3A_106 = arith.constant 2 : i32
      %scan3A_107 = arith.addi %scan3A_64, %scan3A_106 : i32
      %mul3A_108 = arith.constant 16 : i32
      %mul3A_109 = arith.muli %scan3A_107, %mul3A_108 : i32
      %get3A_110 = arith.index_cast %mul3A_109 : i32 to index
      %get3A_111 = tpu.vector_load %arg9[%get3A_110] {strides = array<i32>} : memref<4112xi32, #tpu.memory_space<vmem>>, vector<16xi32>,
      %broadcast_in_dim3A_112 = arith.constant true
      %broadcast_in_dim3A_113 = vector.broadcast %broadcast_in_dim3A_112 : i1 to vector<16xi1>
      %masked_cumsum3A_114 = tpu.scan <sum>, %get3A_111 masked %broadcast_in_dim3A_113 : vector<16xi32>, vector<16xi1> -> vector<16xi32>
      %add3A_115 = vector.broadcast %add3A_105 : i32 to vector<16xi32>
      %add3A_116 = arith.addi %masked_cumsum3A_114, %add3A_115 : vector<16xi32>
      %sub3A_117 = arith.subi %add3A_116, %get3A_111 : vector<16xi32>
      %mul3A_118 = arith.constant 16 : i32
      %mul3A_119 = arith.muli %scan3A_107, %mul3A_118 : i32
      %swap3A_120 = arith.index_cast %mul3A_119 : i32 to index
      %swap3A_121 = tpu.vector_load %arg10[%swap3A_120] {strides = array<i32>} : memref<4112xi32, #tpu.memory_space<vmem>>, vector<16xi32>,
      tpu.vector_store %arg10[%swap3A_120], %sub3A_117 {strides = array<i32>} : memref<4112xi32, #tpu.memory_space<vmem>>, vector<16xi32>,
      %reduce_sum3A_122 = arith.constant true
      %reduce_sum3A_123 = vector.broadcast %reduce_sum3A_122 : i1 to vector<16xi1>
      %reduce_sum3A_124 = tpu.scan <sum>, %get3A_111 masked %reduce_sum3A_123 : vector<16xi32>, vector<16xi1> -> vector<16xi32>
      %reduce_sum3A_125 = vector.extract %reduce_sum3A_124[15] : i32 from vector<16xi32>
      %add3A_126 = arith.addi %add3A_105, %reduce_sum3A_125 : i32
      %scan3A_127 = arith.constant 3 : i32
      %scan3A_128 = arith.addi %scan3A_64, %scan3A_127 : i32
      %mul3A_129 = arith.constant 16 : i32
      %mul3A_130 = arith.muli %scan3A_128, %mul3A_129 : i32
      %get3A_131 = arith.index_cast %mul3A_130 : i32 to index
      %get3A_132 = tpu.vector_load %arg9[%get3A_131] {strides = array<i32>} : memref<4112xi32, #tpu.memory_space<vmem>>, vector<16xi32>,
      %broadcast_in_dim3A_133 = arith.constant true
      %broadcast_in_dim3A_134 = vector.broadcast %broadcast_in_dim3A_133 : i1 to vector<16xi1>
      %masked_cumsum3A_135 = tpu.scan <sum>, %get3A_132 masked %broadcast_in_dim3A_134 : vector<16xi32>, vector<16xi1> -> vector<16xi32>
      %add3A_136 = vector.broadcast %add3A_126 : i32 to vector<16xi32>
      %add3A_137 = arith.addi %masked_cumsum3A_135, %add3A_136 : vector<16xi32>
      %sub3A_138 = arith.subi %add3A_137, %get3A_132 : vector<16xi32>
      %mul3A_139 = arith.constant 16 : i32
      %mul3A_140 = arith.muli %scan3A_128, %mul3A_139 : i32
      %swap3A_141 = arith.index_cast %mul3A_140 : i32 to index
      %swap3A_142 = tpu.vector_load %arg10[%swap3A_141] {strides = array<i32>} : memref<4112xi32, #tpu.memory_space<vmem>>, vector<16xi32>,
      tpu.vector_store %arg10[%swap3A_141], %sub3A_138 {strides = array<i32>} : memref<4112xi32, #tpu.memory_space<vmem>>, vector<16xi32>,
      %reduce_sum3A_143 = arith.constant true
      %reduce_sum3A_144 = vector.broadcast %reduce_sum3A_143 : i1 to vector<16xi1>
      %reduce_sum3A_145 = tpu.scan <sum>, %get3A_132 masked %reduce_sum3A_144 : vector<16xi32>, vector<16xi1> -> vector<16xi32>
      %reduce_sum3A_146 = vector.extract %reduce_sum3A_145[15] : i32 from vector<16xi32>
      %add3A_147 = arith.addi %add3A_126, %reduce_sum3A_146 : i32
      %scan3A_148 = arith.constant 4 : i32
      %scan3A_149 = arith.addi %scan3A_64, %scan3A_148 : i32
      %mul3A_150 = arith.constant 16 : i32
      %mul3A_151 = arith.muli %scan3A_149, %mul3A_150 : i32
      %get3A_152 = arith.index_cast %mul3A_151 : i32 to index
      %get3A_153 = tpu.vector_load %arg9[%get3A_152] {strides = array<i32>} : memref<4112xi32, #tpu.memory_space<vmem>>, vector<16xi32>,
      %broadcast_in_dim3A_154 = arith.constant true
      %broadcast_in_dim3A_155 = vector.broadcast %broadcast_in_dim3A_154 : i1 to vector<16xi1>
      %masked_cumsum3A_156 = tpu.scan <sum>, %get3A_153 masked %broadcast_in_dim3A_155 : vector<16xi32>, vector<16xi1> -> vector<16xi32>
      %add3A_157 = vector.broadcast %add3A_147 : i32 to vector<16xi32>
      %add3A_158 = arith.addi %masked_cumsum3A_156, %add3A_157 : vector<16xi32>
      %sub3A_159 = arith.subi %add3A_158, %get3A_153 : vector<16xi32>
      %mul3A_160 = arith.constant 16 : i32
      %mul3A_161 = arith.muli %scan3A_149, %mul3A_160 : i32
      %swap3A_162 = arith.index_cast %mul3A_161 : i32 to index
      %swap3A_163 = tpu.vector_load %arg10[%swap3A_162] {strides = array<i32>} : memref<4112xi32, #tpu.memory_space<vmem>>, vector<16xi32>,
      tpu.vector_store %arg10[%swap3A_162], %sub3A_159 {strides = array<i32>} : memref<4112xi32, #tpu.memory_space<vmem>>, vector<16xi32>,
      %reduce_sum3A_164 = arith.constant true
      %reduce_sum3A_165 = vector.broadcast %reduce_sum3A_164 : i1 to vector<16xi1>
      %reduce_sum3A_166 = tpu.scan <sum>, %get3A_153 masked %reduce_sum3A_165 : vector<16xi32>, vector<16xi1> -> vector<16xi32>
      %reduce_sum3A_167 = vector.extract %reduce_sum3A_166[15] : i32 from vector<16xi32>
      %add3A_168 = arith.addi %add3A_147, %reduce_sum3A_167 : i32
      %scan3A_169 = arith.constant 5 : i32
      %scan3A_170 = arith.addi %scan3A_64, %scan3A_169 : i32
      %mul3A_171 = arith.constant 16 : i32
      %mul3A_172 = arith.muli %scan3A_170, %mul3A_171 : i32
      %get3A_173 = arith.index_cast %mul3A_172 : i32 to index
      %get3A_174 = tpu.vector_load %arg9[%get3A_173] {strides = array<i32>} : memref<4112xi32, #tpu.memory_space<vmem>>, vector<16xi32>,
      %broadcast_in_dim3A_175 = arith.constant true
      %broadcast_in_dim3A_176 = vector.broadcast %broadcast_in_dim3A_175 : i1 to vector<16xi1>
      %masked_cumsum3A_177 = tpu.scan <sum>, %get3A_174 masked %broadcast_in_dim3A_176 : vector<16xi32>, vector<16xi1> -> vector<16xi32>
      %add3A_178 = vector.broadcast %add3A_168 : i32 to vector<16xi32>
      %add3A_179 = arith.addi %masked_cumsum3A_177, %add3A_178 : vector<16xi32>
      %sub3A_180 = arith.subi %add3A_179, %get3A_174 : vector<16xi32>
      %mul3A_181 = arith.constant 16 : i32
      %mul3A_182 = arith.muli %scan3A_170, %mul3A_181 : i32
      %swap3A_183 = arith.index_cast %mul3A_182 : i32 to index
      %swap3A_184 = tpu.vector_load %arg10[%swap3A_183] {strides = array<i32>} : memref<4112xi32, #tpu.memory_space<vmem>>, vector<16xi32>,
      tpu.vector_store %arg10[%swap3A_183], %sub3A_180 {strides = array<i32>} : memref<4112xi32, #tpu.memory_space<vmem>>, vector<16xi32>,
      %reduce_sum3A_185 = arith.constant true
      %reduce_sum3A_186 = vector.broadcast %reduce_sum3A_185 : i1 to vector<16xi1>
      %reduce_sum3A_187 = tpu.scan <sum>, %get3A_174 masked %reduce_sum3A_186 : vector<16xi32>, vector<16xi1> -> vector<16xi32>
      %reduce_sum3A_188 = vector.extract %reduce_sum3A_187[15] : i32 from vector<16xi32>
      %add3A_189 = arith.addi %add3A_168, %reduce_sum3A_188 : i32
      %scan3A_190 = arith.constant 6 : i32
      %scan3A_191 = arith.addi %scan3A_64, %scan3A_190 : i32
      %mul3A_192 = arith.constant 16 : i32
      %mul3A_193 = arith.muli %scan3A_191, %mul3A_192 : i32
      %get3A_194 = arith.index_cast %mul3A_193 : i32 to index
      %get3A_195 = tpu.vector_load %arg9[%get3A_194] {strides = array<i32>} : memref<4112xi32, #tpu.memory_space<vmem>>, vector<16xi32>,
      %broadcast_in_dim3A_196 = arith.constant true
      %broadcast_in_dim3A_197 = vector.broadcast %broadcast_in_dim3A_196 : i1 to vector<16xi1>
      %masked_cumsum3A_198 = tpu.scan <sum>, %get3A_195 masked %broadcast_in_dim3A_197 : vector<16xi32>, vector<16xi1> -> vector<16xi32>
      %add3A_199 = vector.broadcast %add3A_189 : i32 to vector<16xi32>
      %add3A_200 = arith.addi %masked_cumsum3A_198, %add3A_199 : vector<16xi32>
      %sub3A_201 = arith.subi %add3A_200, %get3A_195 : vector<16xi32>
      %mul3A_202 = arith.constant 16 : i32
      %mul3A_203 = arith.muli %scan3A_191, %mul3A_202 : i32
      %swap3A_204 = arith.index_cast %mul3A_203 : i32 to index
      %swap3A_205 = tpu.vector_load %arg10[%swap3A_204] {strides = array<i32>} : memref<4112xi32, #tpu.memory_space<vmem>>, vector<16xi32>,
      tpu.vector_store %arg10[%swap3A_204], %sub3A_201 {strides = array<i32>} : memref<4112xi32, #tpu.memory_space<vmem>>, vector<16xi32>,
      %reduce_sum3A_206 = arith.constant true
      %reduce_sum3A_207 = vector.broadcast %reduce_sum3A_206 : i1 to vector<16xi1>
      %reduce_sum3A_208 = tpu.scan <sum>, %get3A_195 masked %reduce_sum3A_207 : vector<16xi32>, vector<16xi1> -> vector<16xi32>
      %reduce_sum3A_209 = vector.extract %reduce_sum3A_208[15] : i32 from vector<16xi32>
      %add3A_210 = arith.addi %add3A_189, %reduce_sum3A_209 : i32
      %scan3A_211 = arith.constant 7 : i32
      %scan3A_212 = arith.addi %scan3A_64, %scan3A_211 : i32
      %mul3A_213 = arith.constant 16 : i32
      %mul3A_214 = arith.muli %scan3A_212, %mul3A_213 : i32
      %get3A_215 = arith.index_cast %mul3A_214 : i32 to index
      %get3A_216 = tpu.vector_load %arg9[%get3A_215] {strides = array<i32>} : memref<4112xi32, #tpu.memory_space<vmem>>, vector<16xi32>,
      %broadcast_in_dim3A_217 = arith.constant true
      %broadcast_in_dim3A_218 = vector.broadcast %broadcast_in_dim3A_217 : i1 to vector<16xi1>
      %masked_cumsum3A_219 = tpu.scan <sum>, %get3A_216 masked %broadcast_in_dim3A_218 : vector<16xi32>, vector<16xi1> -> vector<16xi32>
      %add3A_220 = vector.broadcast %add3A_210 : i32 to vector<16xi32>
      %add3A_221 = arith.addi %masked_cumsum3A_219, %add3A_220 : vector<16xi32>
      %sub3A_222 = arith.subi %add3A_221, %get3A_216 : vector<16xi32>
      %mul3A_223 = arith.constant 16 : i32
      %mul3A_224 = arith.muli %scan3A_212, %mul3A_223 : i32
      %swap3A_225 = arith.index_cast %mul3A_224 : i32 to index
      %swap3A_226 = tpu.vector_load %arg10[%swap3A_225] {strides = array<i32>} : memref<4112xi32, #tpu.memory_space<vmem>>, vector<16xi32>,
      tpu.vector_store %arg10[%swap3A_225], %sub3A_222 {strides = array<i32>} : memref<4112xi32, #tpu.memory_space<vmem>>, vector<16xi32>,
      %reduce_sum3A_227 = arith.constant true
      %reduce_sum3A_228 = vector.broadcast %reduce_sum3A_227 : i1 to vector<16xi1>
      %reduce_sum3A_229 = tpu.scan <sum>, %get3A_216 masked %reduce_sum3A_228 : vector<16xi32>, vector<16xi1> -> vector<16xi32>
      %reduce_sum3A_230 = vector.extract %reduce_sum3A_229[15] : i32 from vector<16xi32>
      %add3A_231 = arith.addi %add3A_210, %reduce_sum3A_230 : i32
      scf.yield %add3A_231 : i32
    }
    %scan3A_27 = arith.constant 256 : i32
    %scan3A_28 = arith.addi %scan3A_22, %scan3A_27 : i32
    %mul3A_29 = arith.constant 16 : i32
    %mul3A_30 = arith.muli %scan3A_28, %mul3A_29 : i32
    %get3A = arith.index_cast %mul3A_30 : i32 to index
    %get3A_31 = tpu.vector_load %arg9[%get3A] {strides = array<i32>} : memref<4112xi32, #tpu.memory_space<vmem>>, vector<16xi32>,
    %broadcast_in_dim3A_32 = arith.constant true
    %broadcast_in_dim3A_33 = vector.broadcast %broadcast_in_dim3A_32 : i1 to vector<16xi1>
    %masked_cumsum3A = tpu.scan <sum>, %get3A_31 masked %broadcast_in_dim3A_33 : vector<16xi32>, vector<16xi1> -> vector<16xi32>
    %add3A_34 = vector.broadcast %scan3A_26 : i32 to vector<16xi32>
    %add3A_35 = arith.addi %masked_cumsum3A, %add3A_34 : vector<16xi32>
    %sub3A = arith.subi %add3A_35, %get3A_31 : vector<16xi32>
    %mul3A_36 = arith.constant 16 : i32
    %mul3A_37 = arith.muli %scan3A_28, %mul3A_36 : i32
    %swap3A_38 = arith.index_cast %mul3A_37 : i32 to index
    %swap3A_39 = tpu.vector_load %arg10[%swap3A_38] {strides = array<i32>} : memref<4112xi32, #tpu.memory_space<vmem>>, vector<16xi32>,
    tpu.vector_store %arg10[%swap3A_38], %sub3A {strides = array<i32>} : memref<4112xi32, #tpu.memory_space<vmem>>, vector<16xi32>,
    %reduce_sum3A_40 = arith.constant true
    %reduce_sum3A_41 = vector.broadcast %reduce_sum3A_40 : i1 to vector<16xi1>
    %reduce_sum3A_42 = tpu.scan <sum>, %get3A_31 masked %reduce_sum3A_41 : vector<16xi32>, vector<16xi1> -> vector<16xi32>
    %reduce_sum3A_43 = vector.extract %reduce_sum3A_42[15] : i32 from vector<16xi32>
    %add3A_44 = arith.addi %scan3A_26, %reduce_sum3A_43 : i32
    %scan3A_45 = arith.constant 257 : i32
    %scan3A_46 = arith.constant 0 : i32
    %scan3A_47 = arith.constant 256 : i32
    %scan3A_48 = arith.addi %scan3A_46, %scan3A_47 : i32
    %scan3A_49 = arith.constant 8 : i32
    scf.for %scan3A_64 = %scan3A_46 to %scan3A_48 step %scan3A_49  : i32 {
      %mul3A_65 = arith.constant 1 : i32
      %mul3A_66 = arith.muli %scan3A_64, %mul3A_65 : i32
      %add3A_67 = arith.constant 0 : i32
      %add3A_68 = arith.addi %add3A_67, %mul3A_66 : i32
      %mul3A_69 = arith.constant 16 : i32
      %mul3A_70 = arith.muli %add3A_68, %mul3A_69 : i32
      %get3A_71 = arith.index_cast %mul3A_70 : i32 to index
      %get3A_72 = tpu.vector_load %arg12[%get3A_71] {strides = array<i32>} : memref<4096xi32, #tpu.memory_space<vmem>>, vector<16xi32>,
      %lt3A = arith.constant 4096 : i32
      %lt3A_73 = vector.broadcast %lt3A : i32 to vector<16xi32>
      %lt3A_74 = arith.cmpi slt, %get3A_72, %lt3A_73 : vector<16xi32>
      %gather3A = tpu.vector_load_idx %arg10[%get3A_72] : memref<4112xi32, #tpu.memory_space<vmem>>[vector<16xi32>], vector<16xi32>,
      %get3A_75 = arith.index_cast %mul3A_70 : i32 to index
      %get3A_76 = tpu.vector_load %arg14[%get3A_75] {strides = array<i32>} : memref<4096xi32, #tpu.memory_space<vmem>>, vector<16xi32>,
      %add3A_77 = arith.addi %gather3A, %get3A_76 : vector<16xi32>
      %min3A = arith.constant 4095 : i32
      %min3A_78 = vector.broadcast %min3A : i32 to vector<16xi32>
      %min3A_79 = arith.minsi %add3A_77, %min3A_78 : vector<16xi32>
      %get3A_80 = arith.index_cast %mul3A_70 : i32 to index
      %get3A_81 = tpu.vector_load %arg13[%get3A_80] {strides = array<i32>} : memref<4096xf32, #tpu.memory_space<vmem>>, vector<16xf32>,
      tpu.vector_store_idx %arg11[%min3A_79], %get3A_81 masked %lt3A_74 : memref<4096xf32, #tpu.memory_space<vmem>>[vector<16xi32>], vector<16xf32>, vector<16xi1>
      %scan3A_82 = arith.constant 1 : i32
      %scan3A_83 = arith.addi %scan3A_64, %scan3A_82 : i32
      %mul3A_84 = arith.constant 1 : i32
      %mul3A_85 = arith.muli %scan3A_83, %mul3A_84 : i32
      %add3A_86 = arith.constant 0 : i32
      %add3A_87 = arith.addi %add3A_86, %mul3A_85 : i32
      %mul3A_88 = arith.constant 16 : i32
      %mul3A_89 = arith.muli %add3A_87, %mul3A_88 : i32
      %get3A_90 = arith.index_cast %mul3A_89 : i32 to index
      %get3A_91 = tpu.vector_load %arg12[%get3A_90] {strides = array<i32>} : memref<4096xi32, #tpu.memory_space<vmem>>, vector<16xi32>,
      %lt3A_92 = arith.constant 4096 : i32
      %lt3A_93 = vector.broadcast %lt3A_92 : i32 to vector<16xi32>
      %lt3A_94 = arith.cmpi slt, %get3A_91, %lt3A_93 : vector<16xi32>
      %gather3A_95 = tpu.vector_load_idx %arg10[%get3A_91] : memref<4112xi32, #tpu.memory_space<vmem>>[vector<16xi32>], vector<16xi32>,
      %get3A_96 = arith.index_cast %mul3A_89 : i32 to index
      %get3A_97 = tpu.vector_load %arg14[%get3A_96] {strides = array<i32>} : memref<4096xi32, #tpu.memory_space<vmem>>, vector<16xi32>,
      %add3A_98 = arith.addi %gather3A_95, %get3A_97 : vector<16xi32>
      %min3A_99 = arith.constant 4095 : i32
      %min3A_100 = vector.broadcast %min3A_99 : i32 to vector<16xi32>
      %min3A_101 = arith.minsi %add3A_98, %min3A_100 : vector<16xi32>
      %get3A_102 = arith.index_cast %mul3A_89 : i32 to index
      %get3A_103 = tpu.vector_load %arg13[%get3A_102] {strides = array<i32>} : memref<4096xf32, #tpu.memory_space<vmem>>, vector<16xf32>,
      tpu.vector_store_idx %arg11[%min3A_101], %get3A_103 masked %lt3A_94 : memref<4096xf32, #tpu.memory_space<vmem>>[vector<16xi32>], vector<16xf32>, vector<16xi1>
      %scan3A_104 = arith.constant 2 : i32
      %scan3A_105 = arith.addi %scan3A_64, %scan3A_104 : i32
      %mul3A_106 = arith.constant 1 : i32
      %mul3A_107 = arith.muli %scan3A_105, %mul3A_106 : i32
      %add3A_108 = arith.constant 0 : i32
      %add3A_109 = arith.addi %add3A_108, %mul3A_107 : i32
      %mul3A_110 = arith.constant 16 : i32
      %mul3A_111 = arith.muli %add3A_109, %mul3A_110 : i32
      %get3A_112 = arith.index_cast %mul3A_111 : i32 to index
      %get3A_113 = tpu.vector_load %arg12[%get3A_112] {strides = array<i32>} : memref<4096xi32, #tpu.memory_space<vmem>>, vector<16xi32>,
      %lt3A_114 = arith.constant 4096 : i32
      %lt3A_115 = vector.broadcast %lt3A_114 : i32 to vector<16xi32>
      %lt3A_116 = arith.cmpi slt, %get3A_113, %lt3A_115 : vector<16xi32>
      %gather3A_117 = tpu.vector_load_idx %arg10[%get3A_113] : memref<4112xi32, #tpu.memory_space<vmem>>[vector<16xi32>], vector<16xi32>,
      %get3A_118 = arith.index_cast %mul3A_111 : i32 to index
      %get3A_119 = tpu.vector_load %arg14[%get3A_118] {strides = array<i32>} : memref<4096xi32, #tpu.memory_space<vmem>>, vector<16xi32>,
      %add3A_120 = arith.addi %gather3A_117, %get3A_119 : vector<16xi32>
      %min3A_121 = arith.constant 4095 : i32
      %min3A_122 = vector.broadcast %min3A_121 : i32 to vector<16xi32>
      %min3A_123 = arith.minsi %add3A_120, %min3A_122 : vector<16xi32>
      %get3A_124 = arith.index_cast %mul3A_111 : i32 to index
      %get3A_125 = tpu.vector_load %arg13[%get3A_124] {strides = array<i32>} : memref<4096xf32, #tpu.memory_space<vmem>>, vector<16xf32>,
      tpu.vector_store_idx %arg11[%min3A_123], %get3A_125 masked %lt3A_116 : memref<4096xf32, #tpu.memory_space<vmem>>[vector<16xi32>], vector<16xf32>, vector<16xi1>
      %scan3A_126 = arith.constant 3 : i32
      %scan3A_127 = arith.addi %scan3A_64, %scan3A_126 : i32
      %mul3A_128 = arith.constant 1 : i32
      %mul3A_129 = arith.muli %scan3A_127, %mul3A_128 : i32
      %add3A_130 = arith.constant 0 : i32
      %add3A_131 = arith.addi %add3A_130, %mul3A_129 : i32
      %mul3A_132 = arith.constant 16 : i32
      %mul3A_133 = arith.muli %add3A_131, %mul3A_132 : i32
      %get3A_134 = arith.index_cast %mul3A_133 : i32 to index
      %get3A_135 = tpu.vector_load %arg12[%get3A_134] {strides = array<i32>} : memref<4096xi32, #tpu.memory_space<vmem>>, vector<16xi32>,
      %lt3A_136 = arith.constant 4096 : i32
      %lt3A_137 = vector.broadcast %lt3A_136 : i32 to vector<16xi32>
      %lt3A_138 = arith.cmpi slt, %get3A_135, %lt3A_137 : vector<16xi32>
      %gather3A_139 = tpu.vector_load_idx %arg10[%get3A_135] : memref<4112xi32, #tpu.memory_space<vmem>>[vector<16xi32>], vector<16xi32>,
      %get3A_140 = arith.index_cast %mul3A_133 : i32 to index
      %get3A_141 = tpu.vector_load %arg14[%get3A_140] {strides = array<i32>} : memref<4096xi32, #tpu.memory_space<vmem>>, vector<16xi32>,
      %add3A_142 = arith.addi %gather3A_139, %get3A_141 : vector<16xi32>
      %min3A_143 = arith.constant 4095 : i32
      %min3A_144 = vector.broadcast %min3A_143 : i32 to vector<16xi32>
      %min3A_145 = arith.minsi %add3A_142, %min3A_144 : vector<16xi32>
      %get3A_146 = arith.index_cast %mul3A_133 : i32 to index
      %get3A_147 = tpu.vector_load %arg13[%get3A_146] {strides = array<i32>} : memref<4096xf32, #tpu.memory_space<vmem>>, vector<16xf32>,
      tpu.vector_store_idx %arg11[%min3A_145], %get3A_147 masked %lt3A_138 : memref<4096xf32, #tpu.memory_space<vmem>>[vector<16xi32>], vector<16xf32>, vector<16xi1>
      %scan3A_148 = arith.constant 4 : i32
      %scan3A_149 = arith.addi %scan3A_64, %scan3A_148 : i32
      %mul3A_150 = arith.constant 1 : i32
      %mul3A_151 = arith.muli %scan3A_149, %mul3A_150 : i32
      %add3A_152 = arith.constant 0 : i32
      %add3A_153 = arith.addi %add3A_152, %mul3A_151 : i32
      %mul3A_154 = arith.constant 16 : i32
      %mul3A_155 = arith.muli %add3A_153, %mul3A_154 : i32
      %get3A_156 = arith.index_cast %mul3A_155 : i32 to index
      %get3A_157 = tpu.vector_load %arg12[%get3A_156] {strides = array<i32>} : memref<4096xi32, #tpu.memory_space<vmem>>, vector<16xi32>,
      %lt3A_158 = arith.constant 4096 : i32
      %lt3A_159 = vector.broadcast %lt3A_158 : i32 to vector<16xi32>
      %lt3A_160 = arith.cmpi slt, %get3A_157, %lt3A_159 : vector<16xi32>
      %gather3A_161 = tpu.vector_load_idx %arg10[%get3A_157] : memref<4112xi32, #tpu.memory_space<vmem>>[vector<16xi32>], vector<16xi32>,
      %get3A_162 = arith.index_cast %mul3A_155 : i32 to index
      %get3A_163 = tpu.vector_load %arg14[%get3A_162] {strides = array<i32>} : memref<4096xi32, #tpu.memory_space<vmem>>, vector<16xi32>,
      %add3A_164 = arith.addi %gather3A_161, %get3A_163 : vector<16xi32>
      %min3A_165 = arith.constant 4095 : i32
      %min3A_166 = vector.broadcast %min3A_165 : i32 to vector<16xi32>
      %min3A_167 = arith.minsi %add3A_164, %min3A_166 : vector<16xi32>
      %get3A_168 = arith.index_cast %mul3A_155 : i32 to index
      %get3A_169 = tpu.vector_load %arg13[%get3A_168] {strides = array<i32>} : memref<4096xf32, #tpu.memory_space<vmem>>, vector<16xf32>,
      tpu.vector_store_idx %arg11[%min3A_167], %get3A_169 masked %lt3A_160 : memref<4096xf32, #tpu.memory_space<vmem>>[vector<16xi32>], vector<16xf32>, vector<16xi1>
      %scan3A_170 = arith.constant 5 : i32
      %scan3A_171 = arith.addi %scan3A_64, %scan3A_170 : i32
      %mul3A_172 = arith.constant 1 : i32
      %mul3A_173 = arith.muli %scan3A_171, %mul3A_172 : i32
      %add3A_174 = arith.constant 0 : i32
      %add3A_175 = arith.addi %add3A_174, %mul3A_173 : i32
      %mul3A_176 = arith.constant 16 : i32
      %mul3A_177 = arith.muli %add3A_175, %mul3A_176 : i32
      %get3A_178 = arith.index_cast %mul3A_177 : i32 to index
      %get3A_179 = tpu.vector_load %arg12[%get3A_178] {strides = array<i32>} : memref<4096xi32, #tpu.memory_space<vmem>>, vector<16xi32>,
      %lt3A_180 = arith.constant 4096 : i32
      %lt3A_181 = vector.broadcast %lt3A_180 : i32 to vector<16xi32>
      %lt3A_182 = arith.cmpi slt, %get3A_179, %lt3A_181 : vector<16xi32>
      %gather3A_183 = tpu.vector_load_idx %arg10[%get3A_179] : memref<4112xi32, #tpu.memory_space<vmem>>[vector<16xi32>], vector<16xi32>,
      %get3A_184 = arith.index_cast %mul3A_177 : i32 to index
      %get3A_185 = tpu.vector_load %arg14[%get3A_184] {strides = array<i32>} : memref<4096xi32, #tpu.memory_space<vmem>>, vector<16xi32>,
      %add3A_186 = arith.addi %gather3A_183, %get3A_185 : vector<16xi32>
      %min3A_187 = arith.constant 4095 : i32
      %min3A_188 = vector.broadcast %min3A_187 : i32 to vector<16xi32>
      %min3A_189 = arith.minsi %add3A_186, %min3A_188 : vector<16xi32>
      %get3A_190 = arith.index_cast %mul3A_177 : i32 to index
      %get3A_191 = tpu.vector_load %arg13[%get3A_190] {strides = array<i32>} : memref<4096xf32, #tpu.memory_space<vmem>>, vector<16xf32>,
      tpu.vector_store_idx %arg11[%min3A_189], %get3A_191 masked %lt3A_182 : memref<4096xf32, #tpu.memory_space<vmem>>[vector<16xi32>], vector<16xf32>, vector<16xi1>
      %scan3A_192 = arith.constant 6 : i32
      %scan3A_193 = arith.addi %scan3A_64, %scan3A_192 : i32
      %mul3A_194 = arith.constant 1 : i32
      %mul3A_195 = arith.muli %scan3A_193, %mul3A_194 : i32
      %add3A_196 = arith.constant 0 : i32
      %add3A_197 = arith.addi %add3A_196, %mul3A_195 : i32
      %mul3A_198 = arith.constant 16 : i32
      %mul3A_199 = arith.muli %add3A_197, %mul3A_198 : i32
      %get3A_200 = arith.index_cast %mul3A_199 : i32 to index
      %get3A_201 = tpu.vector_load %arg12[%get3A_200] {strides = array<i32>} : memref<4096xi32, #tpu.memory_space<vmem>>, vector<16xi32>,
      %lt3A_202 = arith.constant 4096 : i32
      %lt3A_203 = vector.broadcast %lt3A_202 : i32 to vector<16xi32>
      %lt3A_204 = arith.cmpi slt, %get3A_201, %lt3A_203 : vector<16xi32>
      %gather3A_205 = tpu.vector_load_idx %arg10[%get3A_201] : memref<4112xi32, #tpu.memory_space<vmem>>[vector<16xi32>], vector<16xi32>,
      %get3A_206 = arith.index_cast %mul3A_199 : i32 to index
      %get3A_207 = tpu.vector_load %arg14[%get3A_206] {strides = array<i32>} : memref<4096xi32, #tpu.memory_space<vmem>>, vector<16xi32>,
      %add3A_208 = arith.addi %gather3A_205, %get3A_207 : vector<16xi32>
      %min3A_209 = arith.constant 4095 : i32
      %min3A_210 = vector.broadcast %min3A_209 : i32 to vector<16xi32>
      %min3A_211 = arith.minsi %add3A_208, %min3A_210 : vector<16xi32>
      %get3A_212 = arith.index_cast %mul3A_199 : i32 to index
      %get3A_213 = tpu.vector_load %arg13[%get3A_212] {strides = array<i32>} : memref<4096xf32, #tpu.memory_space<vmem>>, vector<16xf32>,
      tpu.vector_store_idx %arg11[%min3A_211], %get3A_213 masked %lt3A_204 : memref<4096xf32, #tpu.memory_space<vmem>>[vector<16xi32>], vector<16xf32>, vector<16xi1>
      %scan3A_214 = arith.constant 7 : i32
      %scan3A_215 = arith.addi %scan3A_64, %scan3A_214 : i32
      %mul3A_216 = arith.constant 1 : i32
      %mul3A_217 = arith.muli %scan3A_215, %mul3A_216 : i32
      %add3A_218 = arith.constant 0 : i32
      %add3A_219 = arith.addi %add3A_218, %mul3A_217 : i32
      %mul3A_220 = arith.constant 16 : i32
      %mul3A_221 = arith.muli %add3A_219, %mul3A_220 : i32
      %get3A_222 = arith.index_cast %mul3A_221 : i32 to index
      %get3A_223 = tpu.vector_load %arg12[%get3A_222] {strides = array<i32>} : memref<4096xi32, #tpu.memory_space<vmem>>, vector<16xi32>,
      %lt3A_224 = arith.constant 4096 : i32
      %lt3A_225 = vector.broadcast %lt3A_224 : i32 to vector<16xi32>
      %lt3A_226 = arith.cmpi slt, %get3A_223, %lt3A_225 : vector<16xi32>
      %gather3A_227 = tpu.vector_load_idx %arg10[%get3A_223] : memref<4112xi32, #tpu.memory_space<vmem>>[vector<16xi32>], vector<16xi32>,
      %get3A_228 = arith.index_cast %mul3A_221 : i32 to index
      %get3A_229 = tpu.vector_load %arg14[%get3A_228] {strides = array<i32>} : memref<4096xi32, #tpu.memory_space<vmem>>, vector<16xi32>,
      %add3A_230 = arith.addi %gather3A_227, %get3A_229 : vector<16xi32>
      %min3A_231 = arith.constant 4095 : i32
      %min3A_232 = vector.broadcast %min3A_231 : i32 to vector<16xi32>
      %min3A_233 = arith.minsi %add3A_230, %min3A_232 : vector<16xi32>
      %get3A_234 = arith.index_cast %mul3A_221 : i32 to index
      %get3A_235 = tpu.vector_load %arg13[%get3A_234] {strides = array<i32>} : memref<4096xf32, #tpu.memory_space<vmem>>, vector<16xf32>,
      tpu.vector_store_idx %arg11[%min3A_233], %get3A_235 masked %lt3A_226 : memref<4096xf32, #tpu.memory_space<vmem>>[vector<16xi32>], vector<16xf32>, vector<16xi1>
    }
    %scan3A_50 = arith.constant 256 : i32
    %convert_element_type3A = arith.sitofp %reduce_sum3A_20 : i32 to f32
    %max3A = arith.constant 1.000000e+00 : f32
    %max3A_51 = arith.maximumf %convert_element_type3A, %max3A : f32
    %broadcast_in_dim3A_52 = arith.constant 0.000000e+00 : f32
    %broadcast_in_dim3A_53 = vector.broadcast %broadcast_in_dim3A_52 : f32 to vector<16xf32>
    %scan3A_54 = arith.constant 0 : i32
    %scan3A_55 = arith.constant 8 : i32
    %scan3A_56 = arith.addi %scan3A_54, %scan3A_55 : i32
    %scan3A_57 = arith.constant 2 : i32
    %scan3A_58 = scf.for %scan3A_64 = %scan3A_54 to %scan3A_56 step %scan3A_57 iter_args(%scan3A_65 = %broadcast_in_dim3A_53) -> (vector<16xf32>)  : i32 {
      %mul3A_66 = arith.constant 128 : i32
      %mul3A_67 = arith.muli %add3A, %mul3A_66 : i32
      %mul3A_68 = arith.constant 16 : i32
      %mul3A_69 = arith.muli %scan3A_64, %mul3A_68 : i32
      %add3A_70 = arith.addi %mul3A_67, %mul3A_69 : i32
      %get3A_71 = arith.index_cast %add3A_70 : i32 to index
      %get3A_72 = tpu.vector_load %arg7[%get3A_71] {strides = array<i32>} : memref<4096xf32, #tpu.memory_space<vmem>>, vector<16xf32>,
      %get3A_73 = arith.index_cast %add3A_70 : i32 to index
      %get3A_74 = tpu.vector_load %arg6[%get3A_73] {strides = array<i32>} : memref<4096xf32, #tpu.memory_space<vmem>>, vector<16xf32>,
      %sub3A_75 = arith.subf %get3A_72, %get3A_74 : vector<16xf32>
      %get3A_76 = arith.index_cast %add3A_70 : i32 to index
      %get3A_77 = tpu.vector_load %arg8[%get3A_76] {strides = array<i32>} : memref<4096xi32, #tpu.memory_space<vmem>>, vector<16xi32>,
      %eq3A = arith.constant 0 : i32
      %eq3A_78 = vector.broadcast %eq3A : i32 to vector<16xi32>
      %eq3A_79 = arith.cmpi eq, %get3A_77, %eq3A_78 : vector<16xi32>
      %jit3A = arith.constant -8.000000e+00 : f32
      %jit3A_80 = arith.constant 8.000000e+00 : f32
      %max3A_81 = vector.broadcast %jit3A : f32 to vector<16xf32>
      %max3A_82 = arith.maximumf %max3A_81, %sub3A_75 : vector<16xf32>
      %min3A = vector.broadcast %jit3A_80 : f32 to vector<16xf32>
      %min3A_83 = arith.minimumf %min3A, %max3A_82 : vector<16xf32>
      %add3A_84 = arith.constant 8.000000e+00 : f32
      %add3A_85 = vector.broadcast %add3A_84 : f32 to vector<16xf32>
      %add3A_86 = arith.addf %min3A_83, %add3A_85 : vector<16xf32>
      %mul3A_87 = arith.constant 255.9375 : f32
      %mul3A_88 = vector.broadcast %mul3A_87 : f32 to vector<16xf32>
      %mul3A_89 = arith.mulf %add3A_86, %mul3A_88 : vector<16xf32>
      %min3A_90 = arith.constant 4.095000e+03 : f32
      %min3A_91 = vector.broadcast %min3A_90 : f32 to vector<16xf32>
      %min3A_92 = arith.minimumf %mul3A_89, %min3A_91 : vector<16xf32>
      %convert_element_type3A_93 = arith.fptosi %min3A_92 : vector<16xf32> to vector<16xi32>
      %gather3A = tpu.vector_load_idx %arg10[%convert_element_type3A_93] : memref<4112xi32, #tpu.memory_space<vmem>>[vector<16xi32>], vector<16xi32>,
      %gather3A_94 = tpu.vector_load_idx %arg9[%convert_element_type3A_93] : memref<4112xi32, #tpu.memory_space<vmem>>[vector<16xi32>], vector<16xi32>,
      %reduce_max3A = arith.constant true
      %reduce_max3A_95 = vector.broadcast %reduce_max3A : i1 to vector<16xi1>
      %reduce_max3A_96 = arith.constant -2147483648 : i32
      %reduce_max3A_97 = vector.broadcast %reduce_max3A_96 : i32 to vector<16xi32>
      %reduce_max3A_98 = arith.xori %gather3A_94, %reduce_max3A_97 : vector<16xi32>
      %reduce_max3A_99 = tpu.scan <max>, %reduce_max3A_98 masked %reduce_max3A_95 : vector<16xi32>, vector<16xi1> -> vector<16xi32>
      %reduce_max3A_100 = arith.xori %reduce_max3A_99, %reduce_max3A_97 : vector<16xi32>
      %reduce_max3A_101 = vector.extract %reduce_max3A_100[15] : i32 from vector<16xi32>
      %add3A_102 = arith.constant 1 : i32
      %add3A_103 = arith.addi %reduce_max3A_101, %add3A_102 : i32
      %jit3A_104 = arith.constant 2 : i32
      %div3A = arith.divsi %add3A_103, %jit3A_104 : i32
      %sign3A = arith.constant 0 : i32
      %sign3A_105 = arith.cmpi sgt, %add3A_103, %sign3A : i32
      %sign3A_106 = arith.extui %sign3A_105 : i1 to i32
      %sign3A_107 = arith.constant 0 : i32
      %sign3A_108 = arith.cmpi slt, %add3A_103, %sign3A_107 : i32
      %sign3A_109 = arith.extui %sign3A_108 : i1 to i32
      %sign3A_110 = arith.subi %sign3A_106, %sign3A_109 : i32
      %sign3A_111 = arith.constant 0 : i32
      %sign3A_112 = arith.cmpi sgt, %jit3A_104, %sign3A_111 : i32
      %sign3A_113 = arith.extui %sign3A_112 : i1 to i32
      %sign3A_114 = arith.constant 0 : i32
      %sign3A_115 = arith.cmpi slt, %jit3A_104, %sign3A_114 : i32
      %sign3A_116 = arith.extui %sign3A_115 : i1 to i32
      %sign3A_117 = arith.subi %sign3A_113, %sign3A_116 : i32
      %ne3A = arith.cmpi ne, %sign3A_110, %sign3A_117 : i32
      %rem3A = arith.remsi %add3A_103, %jit3A_104 : i32
      %ne3A_118 = arith.constant 0 : i32
      %ne3A_119 = arith.cmpi ne, %rem3A, %ne3A_118 : i32
      %and3A = arith.andi %ne3A, %ne3A_119 : i1
      %sub3A_120 = arith.constant 1 : i32
      %sub3A_121 = arith.subi %div3A, %sub3A_120 : i32
      %select_n3A = arith.select %and3A, %sub3A_121, %div3A : i32
      %while3A = arith.constant 0 : i32
      %while3A_122 = arith.subi %select_n3A, %while3A : i32
      %while3A_123 = arith.addi %while3A, %while3A_122 : i32
      %while3A_124 = arith.constant 1 : i32
      %while3A_125 = arith.divsi %while3A_122, %while3A_124 : i32
      %while3A_126 = arith.muli %while3A_125, %while3A_124 : i32
      %while3A_127 = arith.addi %while3A, %while3A_126 : i32
      %while3A_128 = arith.constant 1 : i32
      %while3A_129 = scf.for %while3A_247 = %while3A to %while3A_127 step %while3A_128 iter_args(%while3A_248 = %broadcast_in_dim3A_1) -> (vector<16xi32>)  : i32 {
        %mul3A_249 = arith.constant 2 : i32
        %mul3A_250 = arith.muli %while3A_247, %mul3A_249 : i32
        %add3A_251 = vector.broadcast %mul3A_250 : i32 to vector<16xi32>
        %add3A_252 = arith.addi %gather3A, %add3A_251 : vector<16xi32>
        %min3A_253 = arith.constant 4095 : i32
        %min3A_254 = vector.broadcast %min3A_253 : i32 to vector<16xi32>
        %min3A_255 = arith.minsi %add3A_252, %min3A_254 : vector<16xi32>
        %add3A_256 = vector.broadcast %mul3A_250 : i32 to vector<16xi32>
        %add3A_257 = arith.addi %gather3A, %add3A_256 : vector<16xi32>
        %add3A_258 = arith.constant 1 : i32
        %add3A_259 = vector.broadcast %add3A_258 : i32 to vector<16xi32>
        %add3A_260 = arith.addi %add3A_257, %add3A_259 : vector<16xi32>
        %min3A_261 = arith.constant 4095 : i32
        %min3A_262 = vector.broadcast %min3A_261 : i32 to vector<16xi32>
        %min3A_263 = arith.minsi %add3A_260, %min3A_262 : vector<16xi32>
        %gather3A_264 = tpu.vector_load_idx %arg11[%min3A_255] : memref<4096xf32, #tpu.memory_space<vmem>>[vector<16xi32>], vector<16xf32>,
        %gather3A_265 = tpu.vector_load_idx %arg11[%min3A_263] : memref<4096xf32, #tpu.memory_space<vmem>>[vector<16xi32>], vector<16xf32>,
        %lt3A = vector.broadcast %mul3A_250 : i32 to vector<16xi32>
        %lt3A_266 = arith.cmpi slt, %lt3A, %gather3A_94 : vector<16xi32>
        %gt3A = arith.cmpf ogt, %gather3A_264, %sub3A_75 : vector<16xf32>
        %and3A_267 = arith.andi %lt3A_266, %gt3A : vector<16xi1>
        %jit3A_268 = arith.constant 1 : i32
        %jit3A_269 = arith.constant 0 : i32
        %broadcast_in_dim3A_270 = vector.broadcast %jit3A_268 : i32 to vector<16xi32>
        %broadcast_in_dim3A_271 = vector.broadcast %jit3A_269 : i32 to vector<16xi32>
        %select_n3A_272 = arith.select %and3A_267, %broadcast_in_dim3A_270, %broadcast_in_dim3A_271 : vector<16xi1>, vector<16xi32>
        %add3A_273 = arith.addi %while3A_248, %select_n3A_272 : vector<16xi32>
        %add3A_274 = arith.constant 1 : i32
        %add3A_275 = arith.addi %mul3A_250, %add3A_274 : i32
        %lt3A_276 = vector.broadcast %add3A_275 : i32 to vector<16xi32>
        %lt3A_277 = arith.cmpi slt, %lt3A_276, %gather3A_94 : vector<16xi32>
        %gt3A_278 = arith.cmpf ogt, %gather3A_265, %sub3A_75 : vector<16xf32>
        %and3A_279 = arith.andi %lt3A_277, %gt3A_278 : vector<16xi1>
        %jit3A_280 = arith.constant 1 : i32
        %jit3A_281 = arith.constant 0 : i32
        %broadcast_in_dim3A_282 = vector.broadcast %jit3A_280 : i32 to vector<16xi32>
        %broadcast_in_dim3A_283 = vector.broadcast %jit3A_281 : i32 to vector<16xi32>
        %select_n3A_284 = arith.select %and3A_279, %broadcast_in_dim3A_282, %broadcast_in_dim3A_283 : vector<16xi1>, vector<16xi32>
        %add3A_285 = arith.addi %add3A_273, %select_n3A_284 : vector<16xi32>
        scf.yield %add3A_285 : vector<16xi32>
      }
      %while3A_130 = arith.constant 1 : i32
      %while3A_131 = scf.for %while3A_247 = %while3A_127 to %while3A_123 step %while3A_130 iter_args(%while3A_248 = %while3A_129) -> (vector<16xi32>)  : i32 {
        %mul3A_249 = arith.constant 2 : i32
        %mul3A_250 = arith.muli %while3A_247, %mul3A_249 : i32
        %add3A_251 = vector.broadcast %mul3A_250 : i32 to vector<16xi32>
        %add3A_252 = arith.addi %gather3A, %add3A_251 : vector<16xi32>
        %min3A_253 = arith.constant 4095 : i32
        %min3A_254 = vector.broadcast %min3A_253 : i32 to vector<16xi32>
        %min3A_255 = arith.minsi %add3A_252, %min3A_254 : vector<16xi32>
        %add3A_256 = vector.broadcast %mul3A_250 : i32 to vector<16xi32>
        %add3A_257 = arith.addi %gather3A, %add3A_256 : vector<16xi32>
        %add3A_258 = arith.constant 1 : i32
        %add3A_259 = vector.broadcast %add3A_258 : i32 to vector<16xi32>
        %add3A_260 = arith.addi %add3A_257, %add3A_259 : vector<16xi32>
        %min3A_261 = arith.constant 4095 : i32
        %min3A_262 = vector.broadcast %min3A_261 : i32 to vector<16xi32>
        %min3A_263 = arith.minsi %add3A_260, %min3A_262 : vector<16xi32>
        %gather3A_264 = tpu.vector_load_idx %arg11[%min3A_255] : memref<4096xf32, #tpu.memory_space<vmem>>[vector<16xi32>], vector<16xf32>,
        %gather3A_265 = tpu.vector_load_idx %arg11[%min3A_263] : memref<4096xf32, #tpu.memory_space<vmem>>[vector<16xi32>], vector<16xf32>,
        %lt3A = vector.broadcast %mul3A_250 : i32 to vector<16xi32>
        %lt3A_266 = arith.cmpi slt, %lt3A, %gather3A_94 : vector<16xi32>
        %gt3A = arith.cmpf ogt, %gather3A_264, %sub3A_75 : vector<16xf32>
        %and3A_267 = arith.andi %lt3A_266, %gt3A : vector<16xi1>
        %jit3A_268 = arith.constant 1 : i32
        %jit3A_269 = arith.constant 0 : i32
        %broadcast_in_dim3A_270 = vector.broadcast %jit3A_268 : i32 to vector<16xi32>
        %broadcast_in_dim3A_271 = vector.broadcast %jit3A_269 : i32 to vector<16xi32>
        %select_n3A_272 = arith.select %and3A_267, %broadcast_in_dim3A_270, %broadcast_in_dim3A_271 : vector<16xi1>, vector<16xi32>
        %add3A_273 = arith.addi %while3A_248, %select_n3A_272 : vector<16xi32>
        %add3A_274 = arith.constant 1 : i32
        %add3A_275 = arith.addi %mul3A_250, %add3A_274 : i32
        %lt3A_276 = vector.broadcast %add3A_275 : i32 to vector<16xi32>
        %lt3A_277 = arith.cmpi slt, %lt3A_276, %gather3A_94 : vector<16xi32>
        %gt3A_278 = arith.cmpf ogt, %gather3A_265, %sub3A_75 : vector<16xf32>
        %and3A_279 = arith.andi %lt3A_277, %gt3A_278 : vector<16xi1>
        %jit3A_280 = arith.constant 1 : i32
        %jit3A_281 = arith.constant 0 : i32
        %broadcast_in_dim3A_282 = vector.broadcast %jit3A_280 : i32 to vector<16xi32>
        %broadcast_in_dim3A_283 = vector.broadcast %jit3A_281 : i32 to vector<16xi32>
        %select_n3A_284 = arith.select %and3A_279, %broadcast_in_dim3A_282, %broadcast_in_dim3A_283 : vector<16xi1>, vector<16xi32>
        %add3A_285 = arith.addi %add3A_273, %select_n3A_284 : vector<16xi32>
        scf.yield %add3A_285 : vector<16xi32>
      }
      %sub3A_132 = vector.broadcast %reduce_sum3A_20 : i32 to vector<16xi32>
      %sub3A_133 = arith.subi %sub3A_132, %gather3A : vector<16xi32>
      %sub3A_134 = arith.subi %sub3A_133, %gather3A_94 : vector<16xi32>
      %add3A_135 = arith.addi %sub3A_134, %while3A_131 : vector<16xi32>
      %convert_element_type3A_136 = arith.sitofp %add3A_135 : vector<16xi32> to vector<16xf32>
      %div3A_137 = vector.broadcast %max3A_51 : f32 to vector<16xf32>
      %div3A_138 = arith.divf %convert_element_type3A_136, %div3A_137 : vector<16xf32>
      %ge3A = arith.constant 0.949999988 : f32
      %ge3A_139 = vector.broadcast %ge3A : f32 to vector<16xf32>
      %ge3A_140 = arith.cmpf oge, %div3A_138, %ge3A_139 : vector<16xf32>
      %and3A_141 = arith.andi %ge3A_140, %eq3A_79 : vector<16xi1>
      %sub3A_142 = arith.constant 0.949999988 : f32
      %sub3A_143 = vector.broadcast %sub3A_142 : f32 to vector<16xf32>
      %sub3A_144 = arith.subf %div3A_138, %sub3A_143 : vector<16xf32>
      %jit3A_145 = arith.constant 0.000000e+00 : f32
      %broadcast_in_dim3A_146 = vector.broadcast %jit3A_145 : f32 to vector<16xf32>
      %select_n3A_147 = arith.select %and3A_141, %sub3A_144, %broadcast_in_dim3A_146 : vector<16xi1>, vector<16xf32>
      %add3A_148 = arith.addf %scan3A_65, %select_n3A_147 : vector<16xf32>
      %scan3A_149 = arith.constant 1 : i32
      %scan3A_150 = arith.addi %scan3A_64, %scan3A_149 : i32
      %mul3A_151 = arith.constant 128 : i32
      %mul3A_152 = arith.muli %add3A, %mul3A_151 : i32
      %mul3A_153 = arith.constant 16 : i32
      %mul3A_154 = arith.muli %scan3A_150, %mul3A_153 : i32
      %add3A_155 = arith.addi %mul3A_152, %mul3A_154 : i32
      %get3A_156 = arith.index_cast %add3A_155 : i32 to index
      %get3A_157 = tpu.vector_load %arg7[%get3A_156] {strides = array<i32>} : memref<4096xf32, #tpu.memory_space<vmem>>, vector<16xf32>,
      %get3A_158 = arith.index_cast %add3A_155 : i32 to index
      %get3A_159 = tpu.vector_load %arg6[%get3A_158] {strides = array<i32>} : memref<4096xf32, #tpu.memory_space<vmem>>, vector<16xf32>,
      %sub3A_160 = arith.subf %get3A_157, %get3A_159 : vector<16xf32>
      %get3A_161 = arith.index_cast %add3A_155 : i32 to index
      %get3A_162 = tpu.vector_load %arg8[%get3A_161] {strides = array<i32>} : memref<4096xi32, #tpu.memory_space<vmem>>, vector<16xi32>,
      %eq3A_163 = arith.constant 0 : i32
      %eq3A_164 = vector.broadcast %eq3A_163 : i32 to vector<16xi32>
      %eq3A_165 = arith.cmpi eq, %get3A_162, %eq3A_164 : vector<16xi32>
      %jit3A_166 = arith.constant -8.000000e+00 : f32
      %jit3A_167 = arith.constant 8.000000e+00 : f32
      %max3A_168 = vector.broadcast %jit3A_166 : f32 to vector<16xf32>
      %max3A_169 = arith.maximumf %max3A_168, %sub3A_160 : vector<16xf32>
      %min3A_170 = vector.broadcast %jit3A_167 : f32 to vector<16xf32>
      %min3A_171 = arith.minimumf %min3A_170, %max3A_169 : vector<16xf32>
      %add3A_172 = arith.constant 8.000000e+00 : f32
      %add3A_173 = vector.broadcast %add3A_172 : f32 to vector<16xf32>
      %add3A_174 = arith.addf %min3A_171, %add3A_173 : vector<16xf32>
      %mul3A_175 = arith.constant 255.9375 : f32
      %mul3A_176 = vector.broadcast %mul3A_175 : f32 to vector<16xf32>
      %mul3A_177 = arith.mulf %add3A_174, %mul3A_176 : vector<16xf32>
      %min3A_178 = arith.constant 4.095000e+03 : f32
      %min3A_179 = vector.broadcast %min3A_178 : f32 to vector<16xf32>
      %min3A_180 = arith.minimumf %mul3A_177, %min3A_179 : vector<16xf32>
      %convert_element_type3A_181 = arith.fptosi %min3A_180 : vector<16xf32> to vector<16xi32>
      %gather3A_182 = tpu.vector_load_idx %arg10[%convert_element_type3A_181] : memref<4112xi32, #tpu.memory_space<vmem>>[vector<16xi32>], vector<16xi32>,
      %gather3A_183 = tpu.vector_load_idx %arg9[%convert_element_type3A_181] : memref<4112xi32, #tpu.memory_space<vmem>>[vector<16xi32>], vector<16xi32>,
      %reduce_max3A_184 = arith.constant true
      %reduce_max3A_185 = vector.broadcast %reduce_max3A_184 : i1 to vector<16xi1>
      %reduce_max3A_186 = arith.constant -2147483648 : i32
      %reduce_max3A_187 = vector.broadcast %reduce_max3A_186 : i32 to vector<16xi32>
      %reduce_max3A_188 = arith.xori %gather3A_183, %reduce_max3A_187 : vector<16xi32>
      %reduce_max3A_189 = tpu.scan <max>, %reduce_max3A_188 masked %reduce_max3A_185 : vector<16xi32>, vector<16xi1> -> vector<16xi32>
      %reduce_max3A_190 = arith.xori %reduce_max3A_189, %reduce_max3A_187 : vector<16xi32>
      %reduce_max3A_191 = vector.extract %reduce_max3A_190[15] : i32 from vector<16xi32>
      %add3A_192 = arith.constant 1 : i32
      %add3A_193 = arith.addi %reduce_max3A_191, %add3A_192 : i32
      %jit3A_194 = arith.constant 2 : i32
      %div3A_195 = arith.divsi %add3A_193, %jit3A_194 : i32
      %sign3A_196 = arith.constant 0 : i32
      %sign3A_197 = arith.cmpi sgt, %add3A_193, %sign3A_196 : i32
      %sign3A_198 = arith.extui %sign3A_197 : i1 to i32
      %sign3A_199 = arith.constant 0 : i32
      %sign3A_200 = arith.cmpi slt, %add3A_193, %sign3A_199 : i32
      %sign3A_201 = arith.extui %sign3A_200 : i1 to i32
      %sign3A_202 = arith.subi %sign3A_198, %sign3A_201 : i32
      %sign3A_203 = arith.constant 0 : i32
      %sign3A_204 = arith.cmpi sgt, %jit3A_194, %sign3A_203 : i32
      %sign3A_205 = arith.extui %sign3A_204 : i1 to i32
      %sign3A_206 = arith.constant 0 : i32
      %sign3A_207 = arith.cmpi slt, %jit3A_194, %sign3A_206 : i32
      %sign3A_208 = arith.extui %sign3A_207 : i1 to i32
      %sign3A_209 = arith.subi %sign3A_205, %sign3A_208 : i32
      %ne3A_210 = arith.cmpi ne, %sign3A_202, %sign3A_209 : i32
      %rem3A_211 = arith.remsi %add3A_193, %jit3A_194 : i32
      %ne3A_212 = arith.constant 0 : i32
      %ne3A_213 = arith.cmpi ne, %rem3A_211, %ne3A_212 : i32
      %and3A_214 = arith.andi %ne3A_210, %ne3A_213 : i1
      %sub3A_215 = arith.constant 1 : i32
      %sub3A_216 = arith.subi %div3A_195, %sub3A_215 : i32
      %select_n3A_217 = arith.select %and3A_214, %sub3A_216, %div3A_195 : i32
      %while3A_218 = arith.constant 0 : i32
      %while3A_219 = arith.subi %select_n3A_217, %while3A_218 : i32
      %while3A_220 = arith.addi %while3A_218, %while3A_219 : i32
      %while3A_221 = arith.constant 1 : i32
      %while3A_222 = arith.divsi %while3A_219, %while3A_221 : i32
      %while3A_223 = arith.muli %while3A_222, %while3A_221 : i32
      %while3A_224 = arith.addi %while3A_218, %while3A_223 : i32
      %while3A_225 = arith.constant 1 : i32
      %while3A_226 = scf.for %while3A_247 = %while3A_218 to %while3A_224 step %while3A_225 iter_args(%while3A_248 = %broadcast_in_dim3A_1) -> (vector<16xi32>)  : i32 {
        %mul3A_249 = arith.constant 2 : i32
        %mul3A_250 = arith.muli %while3A_247, %mul3A_249 : i32
        %add3A_251 = vector.broadcast %mul3A_250 : i32 to vector<16xi32>
        %add3A_252 = arith.addi %gather3A_182, %add3A_251 : vector<16xi32>
        %min3A_253 = arith.constant 4095 : i32
        %min3A_254 = vector.broadcast %min3A_253 : i32 to vector<16xi32>
        %min3A_255 = arith.minsi %add3A_252, %min3A_254 : vector<16xi32>
        %add3A_256 = vector.broadcast %mul3A_250 : i32 to vector<16xi32>
        %add3A_257 = arith.addi %gather3A_182, %add3A_256 : vector<16xi32>
        %add3A_258 = arith.constant 1 : i32
        %add3A_259 = vector.broadcast %add3A_258 : i32 to vector<16xi32>
        %add3A_260 = arith.addi %add3A_257, %add3A_259 : vector<16xi32>
        %min3A_261 = arith.constant 4095 : i32
        %min3A_262 = vector.broadcast %min3A_261 : i32 to vector<16xi32>
        %min3A_263 = arith.minsi %add3A_260, %min3A_262 : vector<16xi32>
        %gather3A_264 = tpu.vector_load_idx %arg11[%min3A_255] : memref<4096xf32, #tpu.memory_space<vmem>>[vector<16xi32>], vector<16xf32>,
        %gather3A_265 = tpu.vector_load_idx %arg11[%min3A_263] : memref<4096xf32, #tpu.memory_space<vmem>>[vector<16xi32>], vector<16xf32>,
        %lt3A = vector.broadcast %mul3A_250 : i32 to vector<16xi32>
        %lt3A_266 = arith.cmpi slt, %lt3A, %gather3A_183 : vector<16xi32>
        %gt3A = arith.cmpf ogt, %gather3A_264, %sub3A_160 : vector<16xf32>
        %and3A_267 = arith.andi %lt3A_266, %gt3A : vector<16xi1>
        %jit3A_268 = arith.constant 1 : i32
        %jit3A_269 = arith.constant 0 : i32
        %broadcast_in_dim3A_270 = vector.broadcast %jit3A_268 : i32 to vector<16xi32>
        %broadcast_in_dim3A_271 = vector.broadcast %jit3A_269 : i32 to vector<16xi32>
        %select_n3A_272 = arith.select %and3A_267, %broadcast_in_dim3A_270, %broadcast_in_dim3A_271 : vector<16xi1>, vector<16xi32>
        %add3A_273 = arith.addi %while3A_248, %select_n3A_272 : vector<16xi32>
        %add3A_274 = arith.constant 1 : i32
        %add3A_275 = arith.addi %mul3A_250, %add3A_274 : i32
        %lt3A_276 = vector.broadcast %add3A_275 : i32 to vector<16xi32>
        %lt3A_277 = arith.cmpi slt, %lt3A_276, %gather3A_183 : vector<16xi32>
        %gt3A_278 = arith.cmpf ogt, %gather3A_265, %sub3A_160 : vector<16xf32>
        %and3A_279 = arith.andi %lt3A_277, %gt3A_278 : vector<16xi1>
        %jit3A_280 = arith.constant 1 : i32
        %jit3A_281 = arith.constant 0 : i32
        %broadcast_in_dim3A_282 = vector.broadcast %jit3A_280 : i32 to vector<16xi32>
        %broadcast_in_dim3A_283 = vector.broadcast %jit3A_281 : i32 to vector<16xi32>
        %select_n3A_284 = arith.select %and3A_279, %broadcast_in_dim3A_282, %broadcast_in_dim3A_283 : vector<16xi1>, vector<16xi32>
        %add3A_285 = arith.addi %add3A_273, %select_n3A_284 : vector<16xi32>
        scf.yield %add3A_285 : vector<16xi32>
      }
      %while3A_227 = arith.constant 1 : i32
      %while3A_228 = scf.for %while3A_247 = %while3A_224 to %while3A_220 step %while3A_227 iter_args(%while3A_248 = %while3A_226) -> (vector<16xi32>)  : i32 {
        %mul3A_249 = arith.constant 2 : i32
        %mul3A_250 = arith.muli %while3A_247, %mul3A_249 : i32
        %add3A_251 = vector.broadcast %mul3A_250 : i32 to vector<16xi32>
        %add3A_252 = arith.addi %gather3A_182, %add3A_251 : vector<16xi32>
        %min3A_253 = arith.constant 4095 : i32
        %min3A_254 = vector.broadcast %min3A_253 : i32 to vector<16xi32>
        %min3A_255 = arith.minsi %add3A_252, %min3A_254 : vector<16xi32>
        %add3A_256 = vector.broadcast %mul3A_250 : i32 to vector<16xi32>
        %add3A_257 = arith.addi %gather3A_182, %add3A_256 : vector<16xi32>
        %add3A_258 = arith.constant 1 : i32
        %add3A_259 = vector.broadcast %add3A_258 : i32 to vector<16xi32>
        %add3A_260 = arith.addi %add3A_257, %add3A_259 : vector<16xi32>
        %min3A_261 = arith.constant 4095 : i32
        %min3A_262 = vector.broadcast %min3A_261 : i32 to vector<16xi32>
        %min3A_263 = arith.minsi %add3A_260, %min3A_262 : vector<16xi32>
        %gather3A_264 = tpu.vector_load_idx %arg11[%min3A_255] : memref<4096xf32, #tpu.memory_space<vmem>>[vector<16xi32>], vector<16xf32>,
        %gather3A_265 = tpu.vector_load_idx %arg11[%min3A_263] : memref<4096xf32, #tpu.memory_space<vmem>>[vector<16xi32>], vector<16xf32>,
        %lt3A = vector.broadcast %mul3A_250 : i32 to vector<16xi32>
        %lt3A_266 = arith.cmpi slt, %lt3A, %gather3A_183 : vector<16xi32>
        %gt3A = arith.cmpf ogt, %gather3A_264, %sub3A_160 : vector<16xf32>
        %and3A_267 = arith.andi %lt3A_266, %gt3A : vector<16xi1>
        %jit3A_268 = arith.constant 1 : i32
        %jit3A_269 = arith.constant 0 : i32
        %broadcast_in_dim3A_270 = vector.broadcast %jit3A_268 : i32 to vector<16xi32>
        %broadcast_in_dim3A_271 = vector.broadcast %jit3A_269 : i32 to vector<16xi32>
        %select_n3A_272 = arith.select %and3A_267, %broadcast_in_dim3A_270, %broadcast_in_dim3A_271 : vector<16xi1>, vector<16xi32>
        %add3A_273 = arith.addi %while3A_248, %select_n3A_272 : vector<16xi32>
        %add3A_274 = arith.constant 1 : i32
        %add3A_275 = arith.addi %mul3A_250, %add3A_274 : i32
        %lt3A_276 = vector.broadcast %add3A_275 : i32 to vector<16xi32>
        %lt3A_277 = arith.cmpi slt, %lt3A_276, %gather3A_183 : vector<16xi32>
        %gt3A_278 = arith.cmpf ogt, %gather3A_265, %sub3A_160 : vector<16xf32>
        %and3A_279 = arith.andi %lt3A_277, %gt3A_278 : vector<16xi1>
        %jit3A_280 = arith.constant 1 : i32
        %jit3A_281 = arith.constant 0 : i32
        %broadcast_in_dim3A_282 = vector.broadcast %jit3A_280 : i32 to vector<16xi32>
        %broadcast_in_dim3A_283 = vector.broadcast %jit3A_281 : i32 to vector<16xi32>
        %select_n3A_284 = arith.select %and3A_279, %broadcast_in_dim3A_282, %broadcast_in_dim3A_283 : vector<16xi1>, vector<16xi32>
        %add3A_285 = arith.addi %add3A_273, %select_n3A_284 : vector<16xi32>
        scf.yield %add3A_285 : vector<16xi32>
      }
      %sub3A_229 = vector.broadcast %reduce_sum3A_20 : i32 to vector<16xi32>
      %sub3A_230 = arith.subi %sub3A_229, %gather3A_182 : vector<16xi32>
      %sub3A_231 = arith.subi %sub3A_230, %gather3A_183 : vector<16xi32>
      %add3A_232 = arith.addi %sub3A_231, %while3A_228 : vector<16xi32>
      %convert_element_type3A_233 = arith.sitofp %add3A_232 : vector<16xi32> to vector<16xf32>
      %div3A_234 = vector.broadcast %max3A_51 : f32 to vector<16xf32>
      %div3A_235 = arith.divf %convert_element_type3A_233, %div3A_234 : vector<16xf32>
      %ge3A_236 = arith.constant 0.949999988 : f32
      %ge3A_237 = vector.broadcast %ge3A_236 : f32 to vector<16xf32>
      %ge3A_238 = arith.cmpf oge, %div3A_235, %ge3A_237 : vector<16xf32>
      %and3A_239 = arith.andi %ge3A_238, %eq3A_165 : vector<16xi1>
      %sub3A_240 = arith.constant 0.949999988 : f32
      %sub3A_241 = vector.broadcast %sub3A_240 : f32 to vector<16xf32>
      %sub3A_242 = arith.subf %div3A_235, %sub3A_241 : vector<16xf32>
      %jit3A_243 = arith.constant 0.000000e+00 : f32
      %broadcast_in_dim3A_244 = vector.broadcast %jit3A_243 : f32 to vector<16xf32>
      %select_n3A_245 = arith.select %and3A_239, %sub3A_242, %broadcast_in_dim3A_244 : vector<16xi1>, vector<16xf32>
      %add3A_246 = arith.addf %add3A_148, %select_n3A_245 : vector<16xf32>
      scf.yield %add3A_246 : vector<16xf32>
    }
    %scan3A_59 = arith.constant 8 : i32
    %swap3A_60 = arith.constant 0 : index
    %swap3A_61 = tpu.vector_load %arg15[%swap3A_60] {strides = array<i32>} : memref<16xf32, #tpu.memory_space<vmem>>, vector<16xf32>,
    tpu.vector_store %arg15[%swap3A_60], %scan3A_58 {strides = array<i32>} : memref<16xf32, #tpu.memory_space<vmem>>, vector<16xf32>,
    %mul3A_62 = arith.constant 16 : i32
    %mul3A_63 = arith.muli %add3A, %mul3A_62 : i32
    "tpu.region"() ({
      %run_scoped3A = tpu.sem_alloc : memref<!tpu.dma_semaphore, #tpu.memory_space<semaphore_mem>>
      %dma_start3A = tpu.memref_slice %arg5[%mul3A_63] : memref<512xf32, #tpu.memory_space<hbm>> -> memref<16xf32, #tpu.memory_space<hbm>>
      %dma_start3A_64 = tpu.memref_slice %arg5[%mul3A_63] : memref<512xf32, #tpu.memory_space<hbm>> -> memref<16xf32, #tpu.memory_space<hbm>>
      tpu.enqueue_dma source(%arg15 : memref<16xf32, #tpu.memory_space<vmem>>) target(%dma_start3A_64 : memref<16xf32, #tpu.memory_space<hbm>>) target_semaphore(%run_scoped3A : memref<!tpu.dma_semaphore, #tpu.memory_space<semaphore_mem>>)
      %dma_wait3A = tpu.memref_slice %arg5[%mul3A_63] : memref<512xf32, #tpu.memory_space<hbm>> -> memref<16xf32, #tpu.memory_space<hbm>>
      %dma_wait3A_65 = tpu.memref_slice %arg5[%mul3A_63] : memref<512xf32, #tpu.memory_space<hbm>> -> memref<16xf32, #tpu.memory_space<hbm>>
      tpu.wait_dma2 semaphore(%run_scoped3A : memref<!tpu.dma_semaphore, #tpu.memory_space<semaphore_mem>>) src(%arg15 : memref<16xf32, #tpu.memory_space<vmem>>) dst(%dma_wait3A_65 : memref<16xf32, #tpu.memory_space<hbm>>)
      tpu.yield
    }) : () -> ()
    return
  }
}

module attributes {stable_mosaic.version = 14 : i64} {
  func.func @_combine_kernel(%arg0: memref<1x4096xf32, #tpu.memory_space<vmem>>, %arg1: memref<1x4096xf32, #tpu.memory_space<vmem>>, %arg2: memref<1x4096xi32, #tpu.memory_space<vmem>>, %arg3: memref<1x2xf32, #tpu.memory_space<vmem>>, %arg4: memref<4x128xf32, #tpu.memory_space<vmem>>, %arg5: memref<1x1xf32, #tpu.memory_space<smem>>) attributes {dimension_semantics = [], scalar_prefetch = 0 : i64, scratch_operands = 0 : i64, tpu.core_type = #tpu.core_type<tc>} {
    %get3A = arith.constant 0 : index
    %get3A_0 = arith.constant 0 : index
    %get3A_1 = vector.load %arg0[%get3A, %get3A_0] : memref<1x4096xf32, #tpu.memory_space<vmem>>, vector<1x4096xf32>
    %get3A_2 = arith.constant 0 : index
    %get3A_3 = arith.constant 0 : index
    %get3A_4 = vector.load %arg1[%get3A_2, %get3A_3] : memref<1x4096xf32, #tpu.memory_space<vmem>>, vector<1x4096xf32>
    %get3A_5 = arith.constant 0 : index
    %get3A_6 = arith.constant 0 : index
    %get3A_7 = vector.load %arg2[%get3A_5, %get3A_6] : memref<1x4096xi32, #tpu.memory_space<vmem>>, vector<1x4096xi32>
    %max3A = arith.maximumf %get3A_1, %get3A_4 : vector<1x4096xf32>
    %sub3A = arith.subf %get3A_1, %max3A : vector<1x4096xf32>
    %exp3A = math.exp %sub3A : vector<1x4096xf32>
    %sub3A_8 = arith.subf %get3A_4, %max3A : vector<1x4096xf32>
    %exp3A_9 = math.exp %sub3A_8 : vector<1x4096xf32>
    %add3A = arith.addf %exp3A, %exp3A_9 : vector<1x4096xf32>
    %eq3A = arith.constant 1 : i32
    %eq3A_10 = vector.broadcast %eq3A : i32 to vector<1x4096xi32>
    %eq3A_11 = arith.cmpi eq, %get3A_7, %eq3A_10 : vector<1x4096xi32>
    %convert_element_type3A = arith.extui %eq3A_11 : vector<1x4096xi1> to vector<1x4096xi32>
    %convert_element_type3A_12 = arith.sitofp %convert_element_type3A : vector<1x4096xi32> to vector<1x4096xf32>
    %reduce_sum3A = vector.shape_cast %convert_element_type3A_12 : vector<1x4096xf32> to vector<1x1x4096xf32>
    %reduce_sum3A_13 = arith.constant dense<0.000000e+00> : vector<1xf32>
    %reduce_sum3A_14 = vector.multi_reduction <add>, %reduce_sum3A, %reduce_sum3A_13 [1, 2] : vector<1x1x4096xf32> to vector<1xf32>
    %reduce_sum3A_15 = vector.shape_cast %reduce_sum3A_14 : vector<1xf32> to vector<1x1x1xf32>
    %reduce_sum3A_16 = vector.extract %reduce_sum3A_15[0, 0, 0] : f32 from vector<1x1x1xf32>
    %sub3A_17 = arith.constant 4.096000e+03 : f32
    %sub3A_18 = arith.subf %sub3A_17, %reduce_sum3A_16 : f32
    %get3A_19 = arith.constant 0 : index
    %get3A_20 = arith.constant 0 : index
    %get3A_21 = vector.load %arg3[%get3A_19, %get3A_20] : memref<1x2xf32, #tpu.memory_space<vmem>>, vector<1x1xf32>
    %get3A_22 = vector.extract %get3A_21[0, 0] : f32 from vector<1x1xf32>
    %get3A_23 = arith.constant 0 : index
    %get3A_24 = arith.constant 1 : index
    %get3A_25 = vector.load %arg3[%get3A_23, %get3A_24] : memref<1x2xf32, #tpu.memory_space<vmem>>, vector<1x1xf32>
    %get3A_26 = vector.extract %get3A_25[0, 0] : f32 from vector<1x1xf32>
    %log3A = math.log %add3A : vector<1x4096xf32>
    %add3A_27 = arith.addf %max3A, %log3A : vector<1x4096xf32>
    %mul3A = arith.constant 0.899999976 : f32
    %mul3A_28 = vector.broadcast %mul3A : f32 to vector<1x4096xf32>
    %mul3A_29 = arith.mulf %mul3A_28, %convert_element_type3A_12 : vector<1x4096xf32>
    %add3A_30 = arith.constant 5.000000e-02 : f32
    %add3A_31 = vector.broadcast %add3A_30 : f32 to vector<1x4096xf32>
    %add3A_32 = arith.addf %mul3A_29, %add3A_31 : vector<1x4096xf32>
    %sub3A_33 = arith.constant 1.000000e+00 : f32
    %sub3A_34 = vector.broadcast %sub3A_33 : f32 to vector<1x4096xf32>
    %sub3A_35 = arith.subf %sub3A_34, %add3A_32 : vector<1x4096xf32>
    %sub3A_36 = arith.subf %get3A_1, %add3A_27 : vector<1x4096xf32>
    %mul3A_37 = arith.mulf %sub3A_35, %sub3A_36 : vector<1x4096xf32>
    %mul3A_38 = vector.broadcast %get3A_22 : f32 to vector<1x4096xf32>
    %mul3A_39 = arith.mulf %mul3A_37, %mul3A_38 : vector<1x4096xf32>
    %sub3A_40 = arith.subf %get3A_4, %add3A_27 : vector<1x4096xf32>
    %mul3A_41 = arith.mulf %add3A_32, %sub3A_40 : vector<1x4096xf32>
    %mul3A_42 = vector.broadcast %get3A_26 : f32 to vector<1x4096xf32>
    %mul3A_43 = arith.mulf %mul3A_41, %mul3A_42 : vector<1x4096xf32>
    %add3A_44 = arith.addf %mul3A_39, %mul3A_43 : vector<1x4096xf32>
    %reduce_sum3A_45 = vector.shape_cast %add3A_44 : vector<1x4096xf32> to vector<1x1x4096xf32>
    %reduce_sum3A_46 = arith.constant dense<0.000000e+00> : vector<1xf32>
    %reduce_sum3A_47 = vector.multi_reduction <add>, %reduce_sum3A_45, %reduce_sum3A_46 [1, 2] : vector<1x1x4096xf32> to vector<1xf32>
    %reduce_sum3A_48 = vector.shape_cast %reduce_sum3A_47 : vector<1xf32> to vector<1x1x1xf32>
    %reduce_sum3A_49 = vector.extract %reduce_sum3A_48[0, 0, 0] : f32 from vector<1x1x1xf32>
    %neg3A = arith.constant 0.000000e+00 : f32
    %neg3A_50 = arith.subf %neg3A, %reduce_sum3A_49 : f32
    %div3A = arith.constant 4.096000e+03 : f32
    %div3A_51 = arith.divf %neg3A_50, %div3A : f32
    %get3A_52 = arith.constant 0 : index
    %get3A_53 = arith.constant 0 : index
    %get3A_54 = vector.load %arg4[%get3A_52, %get3A_53] : memref<4x128xf32, #tpu.memory_space<vmem>>, vector<4x128xf32>
    %reduce_sum3A_55 = vector.shape_cast %get3A_54 : vector<4x128xf32> to vector<1x4x128xf32>
    %reduce_sum3A_56 = arith.constant dense<0.000000e+00> : vector<1xf32>
    %reduce_sum3A_57 = vector.multi_reduction <add>, %reduce_sum3A_55, %reduce_sum3A_56 [1, 2] : vector<1x4x128xf32> to vector<1xf32>
    %reduce_sum3A_58 = vector.shape_cast %reduce_sum3A_57 : vector<1xf32> to vector<1x1x1xf32>
    %reduce_sum3A_59 = vector.extract %reduce_sum3A_58[0, 0, 0] : f32 from vector<1x1x1xf32>
    %max3A_60 = arith.constant 1.000000e+00 : f32
    %max3A_61 = arith.maximumf %sub3A_18, %max3A_60 : f32
    %div3A_62 = arith.divf %reduce_sum3A_59, %max3A_61 : f32
    %mul3A_63 = arith.mulf %div3A_62, %get3A_26 : f32
    %add3A_64 = arith.addf %get3A_22, %get3A_26 : f32
    %mul3A_65 = arith.constant 5.000000e-02 : f32
    %mul3A_66 = arith.mulf %add3A_64, %mul3A_65 : f32
    %div3A_67 = arith.divf %mul3A_63, %mul3A_66 : f32
    %jit3A = arith.constant 0.000000e+00 : f32
    %jit3A_68 = arith.constant 1.000000e+00 : f32
    %max3A_69 = arith.maximumf %jit3A, %div3A_67 : f32
    %min3A = arith.minimumf %jit3A_68, %max3A_69 : f32
    %mul3A_70 = arith.constant 5.000000e-01 : f32
    %mul3A_71 = arith.mulf %mul3A_70, %div3A_51 : f32
    %mul3A_72 = arith.mulf %min3A, %min3A : f32
    %sub3A_73 = arith.constant 1.000000e+00 : f32
    %sub3A_74 = arith.subf %sub3A_73, %mul3A_72 : f32
    %mul3A_75 = arith.constant 5.000000e-01 : f32
    %mul3A_76 = arith.mulf %mul3A_75, %sub3A_74 : f32
    %add3A_77 = arith.addf %mul3A_71, %mul3A_76 : f32
    %swap3A = arith.constant 0 : index
    %swap3A_78 = arith.constant 0 : index
    %swap3A_79 = memref.load %arg5[%swap3A, %swap3A_78] : memref<1x1xf32, #tpu.memory_space<smem>>
    memref.store %add3A_77, %arg5[%swap3A, %swap3A_78] : memref<1x1xf32, #tpu.memory_space<smem>>
    return
  }
}

</mosaic_0001>

<sc_bundles>
// kernel: kernel.4.cloned.1.call-start
scs
__scs_entry_jumppad:
0x0: {  	(pc) =	sbr.rel $0x88, $3  }
0x1: {  	(tag) =	ssettag $0x0;
	lr =	simm.s32 $0x1  }
0x2: {  	[smem:$0x3F9E] =	sst lr;
	_ =	strace $0xD0000000  }
0x3: {  	_ = 	snop  }
0x4: {  	_ = 	snop  }
0x5: {  	_ = 	snop  }
0x6: {  	_ = 	snop  }
0x7: {  	_ = 	snop  }
__scs_overlays_trampoline_lowered:
0x8: {  	[smem:$0x3FAD] =	sst s0  }
0x9: {  	[smem:$0x3FAE] =	sst s1  }
0xa: {  	[smem:$0x3FAF] =	sst s2  }
0xb: {  	[smem:$0x3FB0] =	sst s3  }
0xc: {  	[smem:$0x3FB1] =	sst s4  }
0xd: {  	[smem:$0x3FB2] =	sst s5  }
0xe: {  	[smem:$0x3FB3] =	sst s6  }
0xf: {  	[smem:$0x3FB4] =	sst s7  }
0x10: {  	[smem:$0x3FB5] =	sst s8  }
0x11: {  	[smem:$0x3FB6] =	sst s9;
	s0 =	simm.s32 @!p0 $0x0  }
0x12: {  	s1 =	sld [smem:$0x3F9C];
	s0 =	simm.s32 @p0 $0x1  }
0x13: {  	[smem:$0x3FB7] =	sst s0;
	s0 =	simm.s32 @!p1 $0x0  }
0x14: {  	s2 =	sld [smem:$0x3F9B];
	s0 =	simm.s32 @p1 $0x1  }
0x15: {  	[smem:$0x3FB8] =	sst s0;
	s0 =	simm.s32 @!p2 $0x0  }
0x16: {  	s3 =	sld [smem:$0x3FDB];
	s0 =	simm.s32 @p2 $0x1  }
0x17: {  	s4 =	simm.s32 $0x1BF5;
	[smem:$0x3FBA] =	sst s0  }
0x18: {  	s0 =	sld [smem:$0x3F9D];
	_ =	swait.ge [sflag:s4], $0x0  }
0x19: {  	s7 =	sld [smem:$0x3F9E]  }
0x1a: {  	s8 =	sadd.s32 $0xFFFFE003, lr  }
0x1b: {  	s9 =	sadd.s32 $0xFFFFFEF7, lr;
	s5 =	simm.s32 $0xFFFFFFFF;
	p2 =	slt.u32 s8, $0xFFFFF086  }
0x1c: {  	p1 =	slt.u32 s9, $0xF7A;
	s5 =	simm.s32 @!p2 $0x0  }
0x1d: {  	s5 =	simm.s32 @p1 $0x1;
	p0 =	seq.s32 s7, s2  }
0x1e: {  	s7 =	smul.u32 @!p0 $0xF7A, s2;
	p2 =	seq.s32 @!p0 s5, $0x0  }
0x1f: {  	s9 =	smul.u32 $0xF7A, s1;
	s8 =	simm.s32 @!p0 $0x1BF5;
	p2 =	por !p2, p0  }
0x20: {  	[sflag:s8] =	ssyncset.s32 @!p0 $0xFFFFF086;
	s6 =	sadd.s32 @!p0 s3, s7;
	s7 =	simm.s32 @!p0 $0x108  }
0x21: {  	s3 =	sadd.s32 s3, s9;
	s6 =	sadd.s32 @!p0 $0x88, s6;
	s7 =	simm.s32 @p2 $0x1082  }
0x22: {  	[simem:s7], [sflag:s8] =	dma.local @!p0 [hbm:s6], $0xF7A  }
0x23: {  	s9 =	sor.u32 $0xD0000000, s2;
	s6 =	simm.s32 $0x108;
	_ =	swait.ge @!p0 [sflag:s8], $0x0  }
0x24: {  	s3 =	sadd.s32 $0x88, s3;
	s6 =	simm.s32 @!p1 $0x1082;
	[sflag:s4] =	ssyncset.s32 $0xFFFFF086  }
0x25: {  	[simem:s6], [sflag:s4] =	dma.local [hbm:s3], $0xF7A  }
0x26: {  	[smem:$0x3F9E] =	sst s1;
	(tag) =	ssettag s2;
	_ =	strace s9  }
0x27: {  	s1 =	sld [smem:$0x3FAE]  }
0x28: {  	s2 =	sld [smem:$0x3FAF]  }
0x29: {  	s4 =	sld [smem:$0x3FB1]  }
0x2a: {  	p0 =	seq.s32 s5, $0x0;
	s5 =	sld [smem:$0x3FB2]  }
0x2b: {  	s6 =	sld [smem:$0x3FB3]  }
0x2c: {  	s7 =	sld [smem:$0x3FB4]  }
0x2d: {  	s3 =	simm.s32 $0x108;
	s8 =	sld [smem:$0x3FB5]  }
0x2e: {  	s3 =	simm.s32 @!p0 $0x1082;
	s9 =	sld [smem:$0x3FB6]  }
0x2f: {  	lr =	sadd.s32 s0, s3;
	s0 =	sld [smem:$0x3FAD]  }
0x30: {  	s3 =	sld [smem:$0x3FB0]  }
0x31: {  	[smem:$0x3FB9] =	sst s10  }
0x32: {  	s10 =	sld [smem:$0x3FB7];
	_ =	sdelay $0x3  }
0x33: {  	p0 =	seq.s32 s10, $0x1;
	s10 =	sld [smem:$0x3FB9];
	_ =	sdelay $0x3  }
0x34: {  	[smem:$0x3FB9] =	sst s10  }
0x35: {  	s10 =	sld [smem:$0x3FB8];
	_ =	sdelay $0x3  }
0x36: {  	p1 =	seq.s32 s10, $0x1;
	s10 =	sld [smem:$0x3FB9];
	_ =	sdelay $0x3  }
0x37: {  	[smem:$0x3FB9] =	sst s10  }
0x38: {  	s10 =	sld [smem:$0x3FBA]  }
0x39: {  	_ = 	snop;
	(pc) =	sbr.ind lr, $3  }
0x3a: {  	_ = 	snop  }
0x3b: {  	_ = 	snop  }
0x3c: {  	p2 =	seq.s32 s10, $0x1;
	s10 =	sld [smem:$0x3FB9]  }
0x3d: {  	_ =	shalt  }
0x3e: {  	_ =	shalt  }
0x3f: {  	_ =	shalt  }
0x40: {  	_ =	shalt  }
0x41: {  	_ =	shalt  }
0x42: {  	_ =	shalt  }
0x43: {  	_ =	shalt  }
0x44: {  	_ =	shalt  }
0x45: {  	_ =	shalt  }
0x46: {  	_ =	shalt  }
0x47: {  	_ =	shalt  }
0x48: {  	_ =	shalt  }
0x49: {  	_ =	shalt  }
0x4a: {  	_ =	shalt  }
0x4b: {  	_ =	shalt  }
0x4c: {  	_ =	shalt  }
0x4d: {  	_ =	shalt  }
0x4e: {  	_ =	shalt  }
0x4f: {  	_ =	shalt  }
0x50: {  	_ =	shalt  }
0x51: {  	_ =	shalt  }
0x52: {  	_ =	shalt  }
0x53: {  	_ =	shalt  }
0x54: {  	_ =	shalt  }
0x55: {  	_ =	shalt  }
0x56: {  	_ =	shalt  }
0x57: {  	_ =	shalt  }
0x58: {  	_ =	shalt  }
0x59: {  	_ =	shalt  }
0x5a: {  	_ =	shalt  }
0x5b: {  	_ =	shalt  }
0x5c: {  	_ =	shalt  }
0x5d: {  	_ =	shalt  }
0x5e: {  	_ =	shalt  }
0x5f: {  	_ =	shalt  }
0x60: {  	_ =	shalt  }
0x61: {  	_ =	shalt  }
0x62: {  	_ =	shalt  }
0x63: {  	_ =	shalt  }
0x64: {  	_ =	shalt  }
0x65: {  	_ =	shalt  }
0x66: {  	_ =	shalt  }
0x67: {  	_ =	shalt  }
0x68: {  	_ =	shalt  }
0x69: {  	_ =	shalt  }
0x6a: {  	_ =	shalt  }
0x6b: {  	_ =	shalt  }
0x6c: {  	_ =	shalt  }
0x6d: {  	_ =	shalt  }
0x6e: {  	_ =	shalt  }
0x6f: {  	_ =	shalt  }
0x70: {  	_ =	shalt  }
0x71: {  	_ =	shalt  }
0x72: {  	_ =	shalt  }
0x73: {  	_ =	shalt  }
0x74: {  	_ =	shalt  }
0x75: {  	_ =	shalt  }
0x76: {  	_ =	shalt  }
0x77: {  	_ =	shalt  }
0x78: {  	_ =	shalt  }
0x79: {  	_ =	shalt  }
0x7a: {  	_ =	shalt  }
0x7b: {  	_ =	shalt  }
0x7c: {  	_ =	shalt  }
0x7d: {  	_ =	shalt  }
0x7e: {  	_ =	shalt  }
0x7f: {  	_ =	shalt  }
0x80: {  	_ =	shalt  }
0x81: {  	_ =	shalt  }
0x82: {  	_ =	shalt  }
0x83: {  	_ =	shalt  }
0x84: {  	_ =	shalt  }
0x85: {  	_ =	shalt  }
0x86: {  	_ =	shalt  }
0x87: {  	_ =	shalt  }
.Lfunc_end0:
.L_simem_size_0:
called_computation_lowered:
.L_overlay_start_0:
0x88: {  	s2 =	sld [smem:$0x3FD9]  }
0x89: {  	s3 =	sld [smem:$0x3FFE];
	_ =	sdelay $0x1  }
0x8a: {  	s1 =	srdreg.scid  }
0x8b: {  	s0 =	sand.u32 $0x1, s1  }
0x8c: {  	s17 =	sshll.u32 s0, $0xA;
	s2 =	sadd.s32 s3, s2  }
0x8d: {  	s2 =	sadd.s32 s2, s17  }
0x8e: {  	[smem:$0x3FC5] =	sst s2  }
0x8f: {  	_ = 	snop  }
0x90: {  	s2 =	sld [smem:$0x3FC8];
	(tm) =	ssettm $0x1  }
0x91: {  	s18 =	sld [smem:$0x3FFB];
	_ =	sdelay $0x3  }
0x92: {  	_ =	strace s18  }
0x93: {  	s3 =	sld [smem:$0x3FFC];
	_ =	sdelay $0x3  }
0x94: {  	_ =	strace s3  }
0x95: {  	s3 =	sld [smem:$0x3FFD];
	_ =	sdelay $0x3  }
0x96: {  	_ =	strace s3  }
0x97: {  	_ =	strace $0x8FFFFFFF  }
0x98: {  	s19 =	sld [smem:$0x3FDB];
	_ =	sdelay $0x1  }
0x99: {  	s4 =	simm.s32 $_scs_section_size  }
0x9a: {  	s5 =	simm.s32 $_size__tile_overlayer_lowered;
	s6 =	simm.s32 $_tile_overlayer_lowered  }
0x9b: {  	s22 =	simm.s32 $0x1BFF;
	s21 =	sshll.u32 s6, $0x1;
	s3 =	sadd.s32 s4, s19  }
0x9c: {  	s7 =	simm.s32 $0x0;
	s20 =	sshll.u32 s5, $0x1;
	s5 =	sadd.s32 s21, s3  }
0x9d: {  	[timem:s7], [sflag:s22] =	dma.local [hbm:s5], s20  }
0x9e: {  	_ =	swait.ge [sflag:s22], s20  }
0x9f: {  	s4 =	ssub.s32 $0x0, s20;
	[sflag:s22] =	ssyncset.done $0x0  }
0xa0: {  	[sflag:s22] =	ssyncadd.s32 s4;
	_ =	sdelay $0x1  }
0xa1: {  	s23 =	simm.s32 $0x1B8B  }
0xa2: {  	_ =	swait.ge [sflag:s23], $0x1  }
0xa3: {  	[sflag:s23] =	ssyncset.done $0x0  }
0xa4: {  	s25 =	simm.s32 $0x1B8E;
	s24 =	sld [smem:$0x3FFE];
	[sflag:s23] =	ssyncadd.s32 $0xFFFFFFFF  }
0xa5: {  	s26 =	simm.s32 $execute0_lowered;
	[smem:$0x3FD2] =	sst s25  }
0xa6: {  	s5 =	sshll.u32 s26, $0x1;
	_ =	strace $0x80000046;
	[dreg:$0x1] =	wrdreg $0xFFFFFFFF  }
0xa7: {  	s28 =	simm.s32 $_size_execute0_lowered;
	s3 =	sadd.s32 s3, s5;
	[dreg:$0x0] =	wrdreg $0x0  }
0xa8: {  	s5 =	sshll.u32 s28, $0x1;
	[dreg:$0x2] =	wrdreg s3  }
0xa9: {  	[dreg:$0x3] =	wrdreg s5  }
0xaa: {  	[dreg:$0x4] =	wrdreg $0xC0  }
0xab: {  	_ =	task [dreg:s7], $0x5FFFF  }
0xac: {  	[dreg:$0x1] =	wrdreg $0xFFFFFFFF  }
0xad: {  	[dreg:$0x0] =	wrdreg $0x60  }
0xae: {  	[dreg:$0x2] =	wrdreg s24  }
0xaf: {  	[dreg:$0x3] =	wrdreg s2  }
0xb0: {  	[dreg:$0x4] =	wrdreg $0x9  }
0xb1: {  	_ =	task.clear_ibuf [dreg:s7], $0x5FFFF;
	_ =	strace $0x90000046  }
0xb2: {  	s29 =	simm.s32 $0x9;
	_ =	strace $0x80000048  }
0xb3: {  	_ =	swait.ge [sflag:s29], $0x1  }
0xb4: {  	[sflag:s29] =	ssyncadd.s32 $0xFFFFFFFF  }
0xb5: {  	_ =	strace $0x90000048  }
0xb6: {  	_ =	sfence  }
0xb7: {  	s30 =	sld [smem:$0x0];
	_ =	sdelay $0x2  }
0xb8: {  	s31 =	sshll.u32 s1, $0xD;
	s1 =	sshrl.u32 s1, $0x2  }
0xb9: {  	s3 =	sand.u32 $0x4000, s31;
	s1 =	sadd.s32 s1, s30  }
0xba: {  	s0 =	sor.u32 s3, s0;
	s1 =	sshll.u32 s1, $0x11  }
0xbb: {  	s0 =	sor.u32 s1, s0  }
0xbc: {  	s0 =	sadd.s32 $0x8F2B, s0  }
0xbd: {  	[sflag:s0] =	ssyncadd.remote.s32 $0x1  }
0xbe: {  	_ =	sfence.sel $0xFFFF  }
0xbf: {  	[dreg:$0x0] =	wrdreg $0xFFFFFFFF;
	(pc) =	sbr.abs _section_cstart, $3  }
0xc0: {  	[dreg:$0x1] =	wrdreg $0xFFFFFFFF  }
0xc1: {  	_ =	task.clear_ibuf [dreg:s7], $0x2FFFF;
	_ =	strace $0x9FFFFFFF  }
0xc2: {  	(tm) =	ssettm $0x7FFFFFFF  }
0xc3: {  	_ =	shalt  }
tec
execute0_lowered:
.L_overlay_start_1:
0x0: {  	(tag) =	ssettag $0x1  }
0x1: {  	s6 =	rddreg [dreg:$0x0]  }
0x2: {  	s2 =	rddreg [dreg:$0x1]  }
0x3: {  	s0 =	rddreg [dreg:$0x2]  }
0x4: {  	s3 =	simm.s32 $0x0;
	s4 =	srdreg.scid;
	s1 =	stileid.u32;
	v0 =	vimm.s32 $0xFFEDCBA9;
	v1 =	vimm.s32 $0x87654321  }
0x5: {  	v2 =	vimm.s32 $0xEDCBA987;
	s11 =	simm.s32 $0x1000;
	s12 =	simm.s32 $0x2000;
	s13 =	simm.s32 $0x3000  }
0x6: {  	v3 =	vimm.s32 $0x65432100;
	s14 =	simm.s32 $0x4080;
	s15 =	simm.s32 $0x5100;
	s16 =	simm.s32 $0x9100  }
0x7: {  	s17 =	simm.s32 $0x0;
	s29 =	simm.s32 $0x0;
	s28 =	simm.s32 $0x3040;
	v0 =	vunpack.c.l.s4.s8 v0;
	v1 =	vunpack.c.l.s4.s8 v1;
	v2 =	vunpack.c.l.s4.s8 v2  }
0x8: {  	[smem:$0x7FF] =	sst s3;
	s7 =	sand.u32 $0x1, s4;
	s5 =	sshll.u32 s1, $0x1;
	v3 =	vunpack.c.l.s4.s8 v3  }
.Ltmp0:
0x9: {  	s4 =	sadd.s32 $0xE00, s6;
	s8 =	sor.u32 s7, s5;
	v0 =	vunpack.c.0.s8.s32 v0;
	v1 =	vunpack.c.0.s8.s32 v1;
	v2 =	vunpack.c.0.s8.s32 v2;
	(pc) =	sbr.rel .LBB2_1-.Ltmp0, $4  }
0xa: {  	s5 =	sadd.s32 $0xC00, s6;
	s7 =	ssub.s32 $0x2, s7;
	s9 =	sshll.u32 s8, $0x1;
	v3 =	vunpack.c.0.s8.s32 v3  }
0xb: {  	vm0 =	vcmask $0x3F3C;
	s10 =	sshrl.u32 s7, $0x1;
	s9 =	sadd.s32 s9, s6;
	s6 =	sshll.u32 s8, $0x7;
	v4 =	vcombine.low v1, v0;
	v1 =	vand.u32 $0xF, v2  }
0xc: {  	_ =	strace $0x80000047;
	s10 =	ssub.s32 s7, s10;
	s7 =	sor.u32 $0x10, s6;
	v0 =	vimm.s32 $0x0;
	v1 =	vcombine.low v3, v1;
	v3 =	vlaneseq.u32  }
0xd: {  	s8 =	sadd.s32 $0x1000, s9;
	s9 =	smax.u32 s10, $0x1;
	s10 =	simm.s32 $0x1;
	v2 =	vand.u32 $0xF, v4;
	v4 =	vor.u32 $0x80000000, v3;
	v5 =	vadd.s32 $0x1, v3  }
.LBB2_31:
0xe: {  	s17 =	sadd.s32 $0x1, s17  }
0xf: {  	p0 =	sne.s32 s17, s9  }
.Ltmp1:
0x10: {  	[tilespmem:$0x9100] =	vst v8;
	(pc) =	sbr.rel @!p0 .LBB2_32-.Ltmp1, $4  }
0x11: {  	[hbm4b:s8+s3] =	stream.linear.scatter [tilespmem:s16], [sflag:$0x1], $0x10, $0x38;
	[tilespmem:$0x9180] =	vst v63  }
0x12: {  	_ =	swait.ge [sflag:s10], $0x10  }
0x13: {  	[sflag:s10] =	ssyncset.done $0x0  }
0x14: {  	[sflag:s10] =	ssyncadd.s32 $0xFFFFFFF0  }
.LBB2_1:
0x15: {  	[tilespmem:s3], [sflag:$0x1] =	stream.linear.gather [hbm4b:s4+s3], $0x1000, $0x38;
	[tilespmem:$0x9180] =	vst v63  }
0x16: {  	_ =	swait.ge [sflag:s10], $0x1000  }
0x17: {  	[sflag:s10] =	ssyncset.done $0x0  }
0x18: {  	[sflag:s10] =	ssyncadd.s32 $0xFFFFF000  }
0x19: {  	[tilespmem:s11], [sflag:$0x1] =	stream.linear.gather [hbm4b:s5+s3], $0x1000, $0x38;
	[tilespmem:$0x9180] =	vst v63  }
0x1a: {  	_ =	swait.ge [sflag:s10], $0x1000  }
0x1b: {  	[sflag:s10] =	ssyncset.done $0x0  }
0x1c: {  	[sflag:s10] =	ssyncadd.s32 $0xFFFFF000  }
0x1d: {  	[tilespmem:s12], [sflag:$0x1] =	stream.linear.gather [hbm4b:s2+s3], $0x1000, $0x38;
	[tilespmem:$0x9180] =	vst v63  }
0x1e: {  	_ =	swait.ge [sflag:s10], $0x1000  }
0x1f: {  	[sflag:s10] =	ssyncset.done $0x0  }
0x20: {  	s20 =	simm.s32 $0x3040;
	[sflag:s10] =	ssyncadd.s32 $0xFFFFF000  }
0x21: {  	[tilespmem:s20+$0xFFFFFFC0] =	vst v0  }
0x22: {  	[tilespmem:s20+$0x30] =	vst v0  }
0x23: {  	[tilespmem:s20+$0x20] =	vst v0  }
0x24: {  	[tilespmem:s20+$0x10] =	vst v0  }
0x25: {  	[tilespmem:s20+$0x0] =	vst v0  }
0x26: {  	[tilespmem:s20+$0xFFFFFFF0] =	vst v0  }
0x27: {  	s18 =	simm.s32 $0x0;
	[tilespmem:s20+$0xFFFFFFE0] =	vst v0  }
.LBB2_2:
0x28: {  	s18 =	sadd.s32 $0x8, s18;
	[tilespmem:s20+$0xFFFFFFD0] =	vst v0;
	s20 =	sadd.s32 $0x80, s20  }
0x29: {  	[tilespmem:s20+$0xFFFFFFC0] =	vst v0;
	p0 =	slt.u32 s18, $0xF8  }
0x2a: {  	[tilespmem:s20+$0x30] =	vst v0  }
.Ltmp2:
0x2b: {  	[tilespmem:s20+$0x20] =	vst v0;
	(pc) =	sbr.rel @p0 .LBB2_2-.Ltmp2, $4  }
0x2c: {  	[tilespmem:s20+$0x10] =	vst v0  }
0x2d: {  	[tilespmem:s20+$0x0] =	vst v0  }
0x2e: {  	[tilespmem:s20+$0xFFFFFFF0] =	vst v0  }
0x2f: {  	[tilespmem:s20+$0xFFFFFFE0] =	vst v0  }
0x30: {  	s18 =	simm.s32 $0xFFFFFFF8;
	s19 =	simm.s32 $0x1040  }
0x31: {  	[tilespmem:s20+$0xFFFFFFD0] =	vst v0;
	v6 =	vimm.s32 $0x0;
	s20 =	simm.s32 $0x40;
	s21 =	simm.s32 $0x2040;
	s22 =	simm.s32 $0x6140  }
0x32: {  	s23 =	simm.s32 $0x7140;
	s24 =	simm.s32 $0x8140;
	s25 =	simm.s32 $0xFFFFFFF8;
	[tilespmem:$0x4000] =	vst v6  }
.LBB2_4:
0x33: {  	v7 =	vld [tilespmem:s19+$0xFFFFFFC0]  }
0x34: {  	v8 =	vld [tilespmem:s20+$0xFFFFFFC0];
	_ =	sdelay $0x4  }
0x35: {  	v7 =	vsub.f32 v7, v8;
	_ =	sdelay $0x1  }
0x36: {  	v8 =	vmax.f32 v7, $-8.000000000e+00  }
0x37: {  	v8 =	vmin.f32 v8, $8.000000000e+00  }
0x38: {  	v8 =	vadd.f32 $8.000000000e+00, v8;
	_ =	sdelay $0x1  }
0x39: {  	v8 =	vmul.f32 $2.559375000e+02, v8  }
0x3a: {  	v9 =	vld [tilespmem:s21+$0xFFFFFFC0]  }
0x3b: {  	v8 =	vmin.f32 v8, $4.095000000e+03  }
0x3c: {  	v8 =	vtrunc.f32 v8  }
0x3d: {  	v8 =	vcvt.f32.s32 v8;
	_ =	sdelay $0x1  }
0x3e: {  	vm1 =	veq.s32 v9, $0x1;
	v8 =	vxor.u32 $0x80000000, v8  }
0x3f: {  	v8 =	vnsel vm1, $0x80001004, v8  }
0x40: {  	(xrf1) =	vsort.ascd.msk.u32 $0xffff, v8, v7;
	_ =	sdelay $0xd  }
0x41: {  	v7, v8, _ =	vpop (xrf1)  }
0x42: {  	v7 =	vxor.u32 $0x80000000, v7  }
0x43: {  	v16 =	vperm.xlane v7, v1;
	_ =	sdelay $0x1  }
0x44: {  	vm2 =	veq.s32 v7, v16  }
0x45: {  	v9 =	vsel vm2, $0x80000000, v4  }
0x46: {  	v10 =	vperm.xlane v7, v2;
	vm2 =	vlt.s32 v7, $0x100F;
	(xrf0) =	vmax.scan.msk.u32 $0xffff, v9  }
0x47: {  	v17 =	vnsel vm2, $0x100F, v7  }
0x48: {  	vm2 =	vne.s32 v7, v10  }
0x49: {  	vm3 =	vlt.s32 v7, $0x1000;
	vm2 =	vmor vm2, vm0  }
0x4a: {  	vm2 =	vmand vm3, vm2;
	_ =	sdelay $0x1  }
0x4b: {  	v11 =	vld.idx.msk [tilespmem:v17+s13+$0x0], $0xffff;
	v18, _, _ =	vpop (xrf0)  }
0x4c: {  	v10 =	vxor.u32 $0x80000000, v18  }
0x4d: {  	v12 =	vsub.s32 v5, v10  }
0x4e: {  	v12 =	vnsel vm2, $0x0, v12  }
0x4f: {  	[tilespmem:v7+s13+$0x0] =	vst.idx.add.s32.msk vm2, v12  }
0x50: {  	v7 =	vsub.s32 v11, v10;
	[tilespmem:s22+$0xFFFFFFC0] =	vst v17  }
0x51: {  	v7 =	vadd.s32 v3, v7;
	[tilespmem:s23+$0xFFFFFFC0] =	vst v8  }
0x52: {  	[tilespmem:s24+$0xFFFFFFC0] =	vst v7  }
0x53: {  	v7 =	vld [tilespmem:s19+$0xFFFFFFD0]  }
0x54: {  	v8 =	vld [tilespmem:s20+$0xFFFFFFD0];
	_ =	sdelay $0x4  }
0x55: {  	v7 =	vsub.f32 v7, v8;
	_ =	sdelay $0x1  }
0x56: {  	v8 =	vmax.f32 v7, $-8.000000000e+00  }
0x57: {  	v8 =	vmin.f32 v8, $8.000000000e+00  }
0x58: {  	v8 =	vadd.f32 $8.000000000e+00, v8;
	_ =	sdelay $0x1  }
0x59: {  	v8 =	vmul.f32 $2.559375000e+02, v8  }
0x5a: {  	v9 =	vld [tilespmem:s21+$0xFFFFFFD0]  }
0x5b: {  	v8 =	vmin.f32 v8, $4.095000000e+03  }
0x5c: {  	v8 =	vtrunc.f32 v8  }
0x5d: {  	v8 =	vcvt.f32.s32 v8;
	_ =	sdelay $0x1  }
0x5e: {  	vm2 =	veq.s32 v9, $0x1;
	v8 =	vxor.u32 $0x80000000, v8  }
0x5f: {  	v8 =	vnsel vm2, $0x80001004, v8  }
0x60: {  	(xrf1) =	vsort.ascd.msk.u32 $0xffff, v8, v7;
	_ =	sdelay $0xd  }
0x61: {  	v7, v8, _ =	vpop (xrf1)  }
0x62: {  	v7 =	vxor.u32 $0x80000000, v7  }
0x63: {  	v19 =	vperm.xlane v7, v1;
	_ =	sdelay $0x1  }
0x64: {  	vm3 =	veq.s32 v7, v19  }
0x65: {  	v9 =	vsel vm3, $0x80000000, v4  }
0x66: {  	v20 =	vperm.xlane v7, v2;
	vm3 =	vlt.s32 v7, $0x100F;
	(xrf0) =	vmax.scan.msk.u32 $0xffff, v9  }
0x67: {  	v21 =	vnsel vm3, $0x100F, v7  }
0x68: {  	vm3 =	vne.s32 v7, v20  }
0x69: {  	vm4 =	vlt.s32 v7, $0x1000;
	vm3 =	vmor vm3, vm0  }
0x6a: {  	vm3 =	vmand vm4, vm3;
	_ =	sdelay $0x1  }
0x6b: {  	v23 =	vld.idx.msk [tilespmem:v21+s13+$0x0], $0xffff;
	v22, _, _ =	vpop (xrf0)  }
0x6c: {  	v10 =	vxor.u32 $0x80000000, v22  }
0x6d: {  	v24 =	vsub.s32 v5, v10  }
0x6e: {  	v12 =	vnsel vm3, $0x0, v24  }
0x6f: {  	[tilespmem:v7+s13+$0x0] =	vst.idx.add.s32.msk vm3, v12  }
0x70: {  	v7 =	vsub.s32 v23, v10;
	[tilespmem:s22+$0xFFFFFFD0] =	vst v21  }
0x71: {  	v7 =	vadd.s32 v3, v7;
	[tilespmem:s23+$0xFFFFFFD0] =	vst v8  }
0x72: {  	[tilespmem:s24+$0xFFFFFFD0] =	vst v7  }
0x73: {  	v7 =	vld [tilespmem:s19+$0xFFFFFFE0]  }
0x74: {  	v8 =	vld [tilespmem:s20+$0xFFFFFFE0];
	_ =	sdelay $0x4  }
0x75: {  	v7 =	vsub.f32 v7, v8;
	_ =	sdelay $0x1  }
0x76: {  	v8 =	vmax.f32 v7, $-8.000000000e+00  }
0x77: {  	v8 =	vmin.f32 v8, $8.000000000e+00  }
0x78: {  	v8 =	vadd.f32 $8.000000000e+00, v8;
	_ =	sdelay $0x1  }
0x79: {  	v8 =	vmul.f32 $2.559375000e+02, v8  }
0x7a: {  	v9 =	vld [tilespmem:s21+$0xFFFFFFE0]  }
0x7b: {  	v8 =	vmin.f32 v8, $4.095000000e+03  }
0x7c: {  	v8 =	vtrunc.f32 v8  }
0x7d: {  	v8 =	vcvt.f32.s32 v8;
	_ =	sdelay $0x1  }
0x7e: {  	vm3 =	veq.s32 v9, $0x1;
	v8 =	vxor.u32 $0x80000000, v8  }
0x7f: {  	v8 =	vnsel vm3, $0x80001004, v8  }
0x80: {  	(xrf1) =	vsort.ascd.msk.u32 $0xffff, v8, v7;
	_ =	sdelay $0xd  }
0x81: {  	v7, v8, _ =	vpop (xrf1)  }
0x82: {  	v7 =	vxor.u32 $0x80000000, v7  }
0x83: {  	v25 =	vperm.xlane v7, v1;
	_ =	sdelay $0x1  }
0x84: {  	vm8 =	veq.s32 v7, v25  }
0x85: {  	v9 =	vsel vm8, $0x80000000, v4  }
0x86: {  	v26 =	vperm.xlane v7, v2;
	vm9 =	vlt.s32 v7, $0x100F;
	(xrf0) =	vmax.scan.msk.u32 $0xffff, v9  }
0x87: {  	v27 =	vnsel vm9, $0x100F, v7  }
0x88: {  	vm10 =	vne.s32 v7, v26  }
0x89: {  	vm5 =	vlt.s32 v7, $0x1000;
	vm4 =	vmor vm10, vm0  }
0x8a: {  	vm4 =	vmand vm5, vm4;
	_ =	sdelay $0x1  }
0x8b: {  	v29 =	vld.idx.msk [tilespmem:v27+s13+$0x0], $0xffff;
	v28, _, _ =	vpop (xrf0)  }
0x8c: {  	v10 =	vxor.u32 $0x80000000, v28  }
0x8d: {  	v30 =	vsub.s32 v5, v10  }
0x8e: {  	v12 =	vnsel vm4, $0x0, v30  }
0x8f: {  	[tilespmem:v7+s13+$0x0] =	vst.idx.add.s32.msk vm4, v12  }
0x90: {  	v7 =	vsub.s32 v29, v10;
	[tilespmem:s22+$0xFFFFFFE0] =	vst v27  }
0x91: {  	v7 =	vadd.s32 v3, v7;
	[tilespmem:s23+$0xFFFFFFE0] =	vst v8  }
0x92: {  	[tilespmem:s24+$0xFFFFFFE0] =	vst v7  }
0x93: {  	v7 =	vld [tilespmem:s19+$0xFFFFFFF0]  }
0x94: {  	v8 =	vld [tilespmem:s20+$0xFFFFFFF0];
	_ =	sdelay $0x4  }
0x95: {  	v7 =	vsub.f32 v7, v8;
	_ =	sdelay $0x1  }
0x96: {  	v8 =	vmax.f32 v7, $-8.000000000e+00  }
0x97: {  	v8 =	vmin.f32 v8, $8.000000000e+00  }
0x98: {  	v8 =	vadd.f32 $8.000000000e+00, v8;
	_ =	sdelay $0x1  }
0x99: {  	v8 =	vmul.f32 $2.559375000e+02, v8  }
0x9a: {  	v9 =	vld [tilespmem:s21+$0xFFFFFFF0]  }
0x9b: {  	v8 =	vmin.f32 v8, $4.095000000e+03  }
0x9c: {  	v8 =	vtrunc.f32 v8  }
0x9d: {  	v8 =	vcvt.f32.s32 v8;
	_ =	sdelay $0x1  }
0x9e: {  	vm4 =	veq.s32 v9, $0x1;
	v8 =	vxor.u32 $0x80000000, v8  }
0x9f: {  	v8 =	vnsel vm4, $0x80001004, v8  }
0xa0: {  	(xrf1) =	vsort.ascd.msk.u32 $0xffff, v8, v7;
	_ =	sdelay $0xd  }
0xa1: {  	v7, v8, _ =	vpop (xrf1)  }
0xa2: {  	v7 =	vxor.u32 $0x80000000, v7  }
0xa3: {  	v31 =	vperm.xlane v7, v1;
	_ =	sdelay $0x1  }
0xa4: {  	vm11 =	veq.s32 v7, v31  }
0xa5: {  	v9 =	vsel vm11, $0x80000000, v4  }
0xa6: {  	v32 =	vperm.xlane v7, v2;
	vm12 =	vlt.s32 v7, $0x100F;
	(xrf0) =	vmax.scan.msk.u32 $0xffff, v9  }
0xa7: {  	v33 =	vnsel vm12, $0x100F, v7  }
0xa8: {  	vm13 =	vne.s32 v7, v32  }
0xa9: {  	vm6 =	vlt.s32 v7, $0x1000;
	vm5 =	vmor vm13, vm0  }
0xaa: {  	vm5 =	vmand vm6, vm5;
	_ =	sdelay $0x1  }
0xab: {  	v35 =	vld.idx.msk [tilespmem:v33+s13+$0x0], $0xffff;
	v34, _, _ =	vpop (xrf0)  }
0xac: {  	v10 =	vxor.u32 $0x80000000, v34  }
0xad: {  	v36 =	vsub.s32 v5, v10  }
0xae: {  	v12 =	vnsel vm5, $0x0, v36  }
0xaf: {  	[tilespmem:v7+s13+$0x0] =	vst.idx.add.s32.msk vm5, v12  }
0xb0: {  	v7 =	vsub.s32 v35, v10;
	[tilespmem:s22+$0xFFFFFFF0] =	vst v33  }
0xb1: {  	v7 =	vadd.s32 v3, v7;
	[tilespmem:s23+$0xFFFFFFF0] =	vst v8  }
0xb2: {  	[tilespmem:s24+$0xFFFFFFF0] =	vst v7  }
0xb3: {  	v7 =	vld [tilespmem:s19+$0x0]  }
0xb4: {  	v8 =	vld [tilespmem:s20+$0x0];
	_ =	sdelay $0x4  }
0xb5: {  	v7 =	vsub.f32 v7, v8;
	_ =	sdelay $0x1  }
0xb6: {  	v8 =	vmax.f32 v7, $-8.000000000e+00  }
0xb7: {  	v8 =	vmin.f32 v8, $8.000000000e+00  }
0xb8: {  	v8 =	vadd.f32 $8.000000000e+00, v8;
	_ =	sdelay $0x1  }
0xb9: {  	v8 =	vmul.f32 $2.559375000e+02, v8  }
0xba: {  	v9 =	vld [tilespmem:s21+$0x0]  }
0xbb: {  	v8 =	vmin.f32 v8, $4.095000000e+03  }
0xbc: {  	v8 =	vtrunc.f32 v8  }
0xbd: {  	v8 =	vcvt.f32.s32 v8;
	_ =	sdelay $0x1  }
0xbe: {  	vm5 =	veq.s32 v9, $0x1;
	v8 =	vxor.u32 $0x80000000, v8  }
0xbf: {  	v8 =	vnsel vm5, $0x80001004, v8  }
0xc0: {  	(xrf1) =	vsort.ascd.msk.u32 $0xffff, v8, v7;
	_ =	sdelay $0xd  }
0xc1: {  	v7, v8, _ =	vpop (xrf1)  }
0xc2: {  	v7 =	vxor.u32 $0x80000000, v7  }
0xc3: {  	v37 =	vperm.xlane v7, v1;
	_ =	sdelay $0x1  }
0xc4: {  	vm14 =	veq.s32 v7, v37  }
0xc5: {  	v9 =	vsel vm14, $0x80000000, v4  }
0xc6: {  	v38 =	vperm.xlane v7, v2;
	vm15 =	vlt.s32 v7, $0x100F;
	(xrf0) =	vmax.scan.msk.u32 $0xffff, v9  }
0xc7: {  	v39 =	vnsel vm15, $0x100F, v7  }
0xc8: {  	vm9 =	vne.s32 v7, v38  }
0xc9: {  	vm7 =	vlt.s32 v7, $0x1000;
	vm6 =	vmor vm9, vm0  }
0xca: {  	vm6 =	vmand vm7, vm6;
	_ =	sdelay $0x1  }
0xcb: {  	v41 =	vld.idx.msk [tilespmem:v39+s13+$0x0], $0xffff;
	v40, _, _ =	vpop (xrf0)  }
0xcc: {  	v10 =	vxor.u32 $0x80000000, v40  }
0xcd: {  	v42 =	vsub.s32 v5, v10  }
0xce: {  	v12 =	vnsel vm6, $0x0, v42  }
0xcf: {  	[tilespmem:v7+s13+$0x0] =	vst.idx.add.s32.msk vm6, v12  }
0xd0: {  	v7 =	vsub.s32 v41, v10;
	[tilespmem:s22+$0x0] =	vst v39  }
0xd1: {  	v7 =	vadd.s32 v3, v7;
	[tilespmem:s23+$0x0] =	vst v8  }
0xd2: {  	[tilespmem:s24+$0x0] =	vst v7  }
0xd3: {  	v7 =	vld [tilespmem:s19+$0x10]  }
0xd4: {  	v8 =	vld [tilespmem:s20+$0x10];
	_ =	sdelay $0x4  }
0xd5: {  	v7 =	vsub.f32 v7, v8;
	_ =	sdelay $0x1  }
0xd6: {  	v8 =	vmax.f32 v7, $-8.000000000e+00  }
0xd7: {  	v8 =	vmin.f32 v8, $8.000000000e+00  }
0xd8: {  	v8 =	vadd.f32 $8.000000000e+00, v8;
	_ =	sdelay $0x1  }
0xd9: {  	v8 =	vmul.f32 $2.559375000e+02, v8  }
0xda: {  	v9 =	vld [tilespmem:s21+$0x10]  }
0xdb: {  	v8 =	vmin.f32 v8, $4.095000000e+03  }
0xdc: {  	v8 =	vtrunc.f32 v8  }
0xdd: {  	v8 =	vcvt.f32.s32 v8;
	_ =	sdelay $0x1  }
0xde: {  	vm6 =	veq.s32 v9, $0x1;
	v8 =	vxor.u32 $0x80000000, v8  }
0xdf: {  	v8 =	vnsel vm6, $0x80001004, v8  }
0xe0: {  	(xrf1) =	vsort.ascd.msk.u32 $0xffff, v8, v7;
	_ =	sdelay $0xd  }
0xe1: {  	v7, v8, _ =	vpop (xrf1)  }
0xe2: {  	v7 =	vxor.u32 $0x80000000, v7  }
0xe3: {  	v43 =	vperm.xlane v7, v1;
	_ =	sdelay $0x1  }
0xe4: {  	vm10 =	veq.s32 v7, v43  }
0xe5: {  	v9 =	vsel vm10, $0x80000000, v4  }
0xe6: {  	v44 =	vperm.xlane v7, v2;
	vm11 =	vlt.s32 v7, $0x100F;
	(xrf0) =	vmax.scan.msk.u32 $0xffff, v9  }
0xe7: {  	v45 =	vnsel vm11, $0x100F, v7  }
0xe8: {  	vm12 =	vne.s32 v7, v44  }
0xe9: {  	vm8 =	vlt.s32 v7, $0x1000;
	vm7 =	vmor vm12, vm0  }
0xea: {  	vm7 =	vmand vm8, vm7;
	_ =	sdelay $0x1  }
0xeb: {  	v47 =	vld.idx.msk [tilespmem:v45+s13+$0x0], $0xffff;
	v46, _, _ =	vpop (xrf0)  }
0xec: {  	v10 =	vxor.u32 $0x80000000, v46  }
0xed: {  	v48 =	vsub.s32 v5, v10  }
0xee: {  	v12 =	vnsel vm7, $0x0, v48  }
0xef: {  	[tilespmem:v7+s13+$0x0] =	vst.idx.add.s32.msk vm7, v12  }
0xf0: {  	v7 =	vsub.s32 v47, v10;
	[tilespmem:s22+$0x10] =	vst v45  }
0xf1: {  	v7 =	vadd.s32 v3, v7;
	[tilespmem:s23+$0x10] =	vst v8  }
0xf2: {  	[tilespmem:s24+$0x10] =	vst v7  }
0xf3: {  	v7 =	vld [tilespmem:s19+$0x20]  }
0xf4: {  	v8 =	vld [tilespmem:s20+$0x20];
	_ =	sdelay $0x4  }
0xf5: {  	v7 =	vsub.f32 v7, v8;
	_ =	sdelay $0x1  }
0xf6: {  	v8 =	vmax.f32 v7, $-8.000000000e+00  }
0xf7: {  	v8 =	vmin.f32 v8, $8.000000000e+00  }
0xf8: {  	v8 =	vadd.f32 $8.000000000e+00, v8;
	_ =	sdelay $0x1  }
0xf9: {  	v8 =	vmul.f32 $2.559375000e+02, v8  }
0xfa: {  	v9 =	vld [tilespmem:s21+$0x20]  }
0xfb: {  	v8 =	vmin.f32 v8, $4.095000000e+03  }
0xfc: {  	v8 =	vtrunc.f32 v8  }
0xfd: {  	v8 =	vcvt.f32.s32 v8;
	_ =	sdelay $0x1  }
0xfe: {  	vm7 =	veq.s32 v9, $0x1;
	v8 =	vxor.u32 $0x80000000, v8  }
0xff: {  	v8 =	vnsel vm7, $0x80001004, v8  }
0x100: {  	(xrf1) =	vsort.ascd.msk.u32 $0xffff, v8, v7;
	_ =	sdelay $0xd  }
0x101: {  	v7, v8, _ =	vpop (xrf1)  }
0x102: {  	v7 =	vxor.u32 $0x80000000, v7  }
0x103: {  	v49 =	vperm.xlane v7, v1;
	_ =	sdelay $0x1  }
0x104: {  	vm13 =	veq.s32 v7, v49  }
0x105: {  	v9 =	vsel vm13, $0x80000000, v4  }
0x106: {  	v50 =	vperm.xlane v7, v2;
	vm14 =	vlt.s32 v7, $0x100F;
	(xrf0) =	vmax.scan.msk.u32 $0xffff, v9  }
0x107: {  	v51 =	vnsel vm14, $0x100F, v7  }
0x108: {  	vm15 =	vne.s32 v7, v50  }
0x109: {  	vm9 =	vlt.s32 v7, $0x1000;
	vm8 =	vmor vm15, vm0  }
0x10a: {  	vm8 =	vmand vm9, vm8;
	_ =	sdelay $0x1  }
0x10b: {  	v53 =	vld.idx.msk [tilespmem:v51+s13+$0x0], $0xffff;
	v52, _, _ =	vpop (xrf0)  }
0x10c: {  	v10 =	vxor.u32 $0x80000000, v52  }
0x10d: {  	v54 =	vsub.s32 v5, v10  }
0x10e: {  	v12 =	vnsel vm8, $0x0, v54  }
0x10f: {  	[tilespmem:v7+s13+$0x0] =	vst.idx.add.s32.msk vm8, v12  }
0x110: {  	v7 =	vsub.s32 v53, v10;
	[tilespmem:s22+$0x20] =	vst v51  }
0x111: {  	v7 =	vadd.s32 v3, v7;
	[tilespmem:s23+$0x20] =	vst v8  }
0x112: {  	[tilespmem:s24+$0x20] =	vst v7  }
0x113: {  	v7 =	vld [tilespmem:s19+$0x30]  }
0x114: {  	v8 =	vld [tilespmem:s20+$0x30];
	_ =	sdelay $0x4  }
0x115: {  	v7 =	vsub.f32 v7, v8;
	_ =	sdelay $0x1  }
0x116: {  	v8 =	vmax.f32 v7, $-8.000000000e+00  }
0x117: {  	v8 =	vmin.f32 v8, $8.000000000e+00  }
0x118: {  	v8 =	vadd.f32 $8.000000000e+00, v8;
	_ =	sdelay $0x1  }
0x119: {  	v8 =	vmul.f32 $2.559375000e+02, v8  }
0x11a: {  	v9 =	vld [tilespmem:s21+$0x30]  }
0x11b: {  	v8 =	vmin.f32 v8, $4.095000000e+03  }
0x11c: {  	v8 =	vtrunc.f32 v8  }
0x11d: {  	v8 =	vcvt.f32.s32 v8;
	_ =	sdelay $0x1  }
0x11e: {  	vm12 =	veq.s32 v9, $0x1;
	v8 =	vxor.u32 $0x80000000, v8  }
0x11f: {  	v8 =	vnsel vm12, $0x80001004, v8  }
0x120: {  	(xrf1) =	vsort.ascd.msk.u32 $0xffff, v8, v7;
	_ =	sdelay $0xd  }
0x121: {  	v7, v8, _ =	vpop (xrf1)  }
0x122: {  	v7 =	vxor.u32 $0x80000000, v7  }
0x123: {  	v55 =	vperm.xlane v7, v1;
	_ =	sdelay $0x1  }
0x124: {  	vm13 =	veq.s32 v7, v55  }
0x125: {  	v9 =	vsel vm13, $0x80000000, v4  }
0x126: {  	v56 =	vperm.xlane v7, v2;
	(xrf0) =	vmax.scan.msk.u32 $0xffff, v9  }
0x127: {  	vm14 =	vlt.s32 v7, $0x100F  }
0x128: {  	v57 =	vnsel vm14, $0x100F, v7;
	vm15 =	vne.s32 v7, v56  }
0x129: {  	vm10 =	vlt.s32 v7, $0x1000;
	vm9 =	vmor vm15, vm0  }
0x12a: {  	vm9 =	vmand vm10, vm9;
	_ =	sdelay $0x1  }
0x12b: {  	v60 =	vsel vm1, $0x1, v0;
	v58, _, _ =	vpop (xrf0)  }
0x12c: {  	v6 =	vadd.s32 v60, v6;
	v13 =	vsel vm2, $0x1, v0;
	v59 =	vld.idx.msk [tilespmem:v57+s13+$0x0], $0xffff;
	v10 =	vxor.u32 $0x80000000, v58  }
0x12d: {  	s25 =	sadd.s32 $0x8, s25;
	v6 =	vadd.s32 v13, v6;
	v14 =	vsel vm3, $0x1, v0;
	v61 =	vsub.s32 v5, v10  }
0x12e: {  	p0 =	slt.u32 s25, $0xF8;
	v6 =	vadd.s32 v14, v6;
	v62 =	vsel vm4, $0x1, v0;
	v12 =	vnsel vm9, $0x0, v61  }
.Ltmp3:
0x12f: {  	v6 =	vadd.s32 v62, v6;
	[tilespmem:v7+s13+$0x0] =	vst.idx.add.s32.msk vm9, v12;
	v7 =	vsel vm5, $0x1, v0;
	(pc) =	sbr.rel @p0 .LBB2_4-.Ltmp3, $4  }
0x130: {  	v6 =	vadd.s32 v7, v6;
	v7 =	vsel vm6, $0x1, v0  }
0x131: {  	s26 =	simm.s32 $0x40C0;
	v63 =	vsub.s32 v59, v10;
	[tilespmem:s22+$0x30] =	vst v57;
	v6 =	vadd.s32 v7, v6;
	v7 =	vsel vm7, $0x1, v0  }
0x132: {  	s19 =	sadd.s32 $0x80, s19;
	s20 =	sadd.s32 $0x80, s20;
	s21 =	sadd.s32 $0x80, s21;
	[tilespmem:s23+$0x30] =	vst v8;
	v8 =	vadd.s32 v3, v63;
	v6 =	vadd.s32 v7, v6;
	v7 =	vsel vm12, $0x1, v0  }
0x133: {  	s22 =	sadd.s32 $0x80, s22;
	s23 =	sadd.s32 $0x80, s23;
	[tilespmem:s24+$0x30] =	vst v8;
	s24 =	sadd.s32 $0x80, s24;
	v6 =	vadd.s32 v7, v6  }
0x134: {  	v7 =	vld [tilespmem:s28+$0xFFFFFFC0];
	_ =	sdelay $0x4  }
0x135: {  	(xrf0) =	vadd.scan.msk.s32 $0xffff, v7;
	_ =	sdelay $0x5  }
0x136: {  	v8, _, _ =	vpop (xrf0)  }
0x137: {  	v7 =	vsub.s32 s29, v7;
	(v2sf) =	vpush v8, $0xF  }
0x138: {  	v7 =	vadd.s32 v8, v7  }
0x139: {  	[tilespmem:s26+$0xFFFFFFC0] =	vst v7  }
0x13a: {  	v7 =	vld [tilespmem:s28+$0xFFFFFFD0];
	_ =	sdelay $0x4  }
0x13b: {  	(xrf0) =	vadd.scan.msk.s32 $0xffff, v7;
	_ =	sdelay $0x5  }
0x13c: {  	v8, _, _ =	vpop (xrf0)  }
0x13d: {  	(v2sf) =	vpush v8, $0xF;
	s19 =	spop (v2sf)  }
0x13e: {  	v7 =	vsub.s32 v8, v7;
	s19 =	sadd.s32 s29, s19  }
0x13f: {  	v7 =	vadd.s32 s19, v7  }
0x140: {  	[tilespmem:s26+$0xFFFFFFD0] =	vst v7  }
0x141: {  	v7 =	vld [tilespmem:s28+$0xFFFFFFE0];
	_ =	sdelay $0x4  }
0x142: {  	(xrf0) =	vadd.scan.msk.s32 $0xffff, v7;
	_ =	sdelay $0x5  }
0x143: {  	s20 =	spop (v2sf);
	v8, _, _ =	vpop (xrf0)  }
0x144: {  	s19 =	sadd.s32 s19, s20;
	v7 =	vsub.s32 v8, v7;
	(v2sf) =	vpush v8, $0xF  }
0x145: {  	v7 =	vadd.s32 s19, v7  }
0x146: {  	[tilespmem:s26+$0xFFFFFFE0] =	vst v7  }
0x147: {  	v7 =	vld [tilespmem:s28+$0xFFFFFFF0];
	_ =	sdelay $0x4  }
0x148: {  	(xrf0) =	vadd.scan.msk.s32 $0xffff, v7;
	_ =	sdelay $0x5  }
0x149: {  	v8, _, _ =	vpop (xrf0)  }
0x14a: {  	s23 =	spop (v2sf);
	(v2sf) =	vpush v8, $0xF  }
0x14b: {  	v7 =	vsub.s32 v8, v7;
	s19 =	sadd.s32 s19, s23  }
0x14c: {  	v7 =	vadd.s32 s19, v7  }
0x14d: {  	[tilespmem:s26+$0xFFFFFFF0] =	vst v7  }
0x14e: {  	v7 =	vld [tilespmem:s28+$0x0];
	_ =	sdelay $0x4  }
0x14f: {  	(xrf0) =	vadd.scan.msk.s32 $0xffff, v7;
	_ =	sdelay $0x5  }
0x150: {  	s24 =	spop (v2sf);
	v8, _, _ =	vpop (xrf0)  }
0x151: {  	s19 =	sadd.s32 s19, s24;
	v7 =	vsub.s32 v8, v7;
	(v2sf) =	vpush v8, $0xF  }
0x152: {  	v7 =	vadd.s32 s19, v7  }
0x153: {  	[tilespmem:s26+$0x0] =	vst v7  }
0x154: {  	v7 =	vld [tilespmem:s28+$0x10];
	_ =	sdelay $0x4  }
0x155: {  	(xrf0) =	vadd.scan.msk.s32 $0xffff, v7;
	_ =	sdelay $0x5  }
0x156: {  	v8, _, _ =	vpop (xrf0)  }
0x157: {  	s25 =	spop (v2sf);
	(v2sf) =	vpush v8, $0xF  }
0x158: {  	v7 =	vsub.s32 v8, v7;
	s19 =	sadd.s32 s19, s25  }
0x159: {  	v7 =	vadd.s32 s19, v7  }
0x15a: {  	[tilespmem:s26+$0x10] =	vst v7  }
0x15b: {  	v7 =	vld [tilespmem:s28+$0x20];
	_ =	sdelay $0x4  }
0x15c: {  	(xrf0) =	vadd.scan.msk.s32 $0xffff, v7;
	_ =	sdelay $0x5  }
0x15d: {  	s30 =	spop (v2sf);
	v8, _, _ =	vpop (xrf0)  }
0x15e: {  	s19 =	sadd.s32 s19, s30;
	v7 =	vsub.s32 v8, v7  }
0x15f: {  	(v2sf) =	vpush v8, $0xF;
	v7 =	vadd.s32 s19, v7  }
0x160: {  	[tilespmem:s26+$0x20] =	vst v7  }
0x161: {  	v7 =	vld [tilespmem:s28+$0x30];
	_ =	sdelay $0x4  }
0x162: {  	(xrf0) =	vadd.scan.msk.s32 $0xffff, v7;
	_ =	sdelay $0x5  }
0x163: {  	v8, _, _ =	vpop (xrf0)  }
0x164: {  	(v2sf) =	vpush v8, $0xF  }
0x165: {  	s31 =	spop (v2sf)  }
0x166: {  	v7 =	vsub.s32 v8, v7;
	s20 =	sadd.s32 s19, s31  }
0x167: {  	v7 =	vadd.s32 s20, v7  }
0x168: {  	s19 =	sadd.s32 $0x80, s28;
	[tilespmem:s26+$0x30] =	vst v7  }
0x169: {  	v7 =	vld [tilespmem:s19+$0xFFFFFFC0];
	_ =	sdelay $0x4  }
0x16a: {  	(xrf0) =	vadd.scan.msk.s32 $0xffff, v7;
	_ =	sdelay $0x3  }
0x16b: {  	s18 =	sadd.s32 $0x8, s18  }
0x16c: {  	s18 =	sadd.s32 $0x8, s18;
	s21 =	spop (v2sf)  }
.LBB2_6:
0x16d: {  	s18 =	sadd.s32 $0x8, s18;
	v8, _, _ =	vpop (xrf0);
	s20 =	sadd.s32 s20, s21;
	s26 =	sadd.s32 $0x80, s26  }
0x16e: {  	p0 =	slt.u32 s18, $0xF8;
	v7 =	vsub.s32 s20, v7;
	(v2sf) =	vpush v8, $0xF  }
0x16f: {  	v7 =	vadd.s32 v8, v7  }
0x170: {  	[tilespmem:s26+$0xFFFFFFC0] =	vst v7  }
0x171: {  	v7 =	vld [tilespmem:s19+$0xFFFFFFD0];
	_ =	sdelay $0x4  }
0x172: {  	(xrf0) =	vadd.scan.msk.s32 $0xffff, v7;
	_ =	sdelay $0x5  }
0x173: {  	v8, _, _ =	vpop (xrf0)  }
0x174: {  	v7 =	vsub.s32 v8, v7;
	s21 =	spop (v2sf);
	(v2sf) =	vpush v8, $0xF  }
0x175: {  	s20 =	sadd.s32 s20, s21  }
0x176: {  	v7 =	vadd.s32 s20, v7  }
0x177: {  	[tilespmem:s26+$0xFFFFFFD0] =	vst v7  }
0x178: {  	v7 =	vld [tilespmem:s19+$0xFFFFFFE0];
	_ =	sdelay $0x4  }
0x179: {  	(xrf0) =	vadd.scan.msk.s32 $0xffff, v7;
	_ =	sdelay $0x5  }
0x17a: {  	s21 =	spop (v2sf);
	v8, _, _ =	vpop (xrf0)  }
0x17b: {  	s20 =	sadd.s32 s20, s21;
	v7 =	vsub.s32 v8, v7;
	(v2sf) =	vpush v8, $0xF  }
0x17c: {  	v7 =	vadd.s32 s20, v7  }
0x17d: {  	[tilespmem:s26+$0xFFFFFFE0] =	vst v7  }
0x17e: {  	v7 =	vld [tilespmem:s19+$0xFFFFFFF0];
	_ =	sdelay $0x4  }
0x17f: {  	(xrf0) =	vadd.scan.msk.s32 $0xffff, v7;
	_ =	sdelay $0x5  }
0x180: {  	v8, _, _ =	vpop (xrf0)  }
0x181: {  	v7 =	vsub.s32 v8, v7;
	s21 =	spop (v2sf);
	(v2sf) =	vpush v8, $0xF  }
0x182: {  	s20 =	sadd.s32 s20, s21  }
0x183: {  	v7 =	vadd.s32 s20, v7  }
0x184: {  	[tilespmem:s26+$0xFFFFFFF0] =	vst v7  }
0x185: {  	v7 =	vld [tilespmem:s19+$0x0];
	_ =	sdelay $0x4  }
0x186: {  	(xrf0) =	vadd.scan.msk.s32 $0xffff, v7;
	_ =	sdelay $0x5  }
0x187: {  	s21 =	spop (v2sf);
	v8, _, _ =	vpop (xrf0)  }
0x188: {  	s20 =	sadd.s32 s20, s21;
	v7 =	vsub.s32 v8, v7;
	(v2sf) =	vpush v8, $0xF  }
0x189: {  	v7 =	vadd.s32 s20, v7  }
0x18a: {  	[tilespmem:s26+$0x0] =	vst v7  }
0x18b: {  	v7 =	vld [tilespmem:s19+$0x10];
	_ =	sdelay $0x4  }
0x18c: {  	(xrf0) =	vadd.scan.msk.s32 $0xffff, v7;
	_ =	sdelay $0x5  }
0x18d: {  	v8, _, _ =	vpop (xrf0)  }
0x18e: {  	v7 =	vsub.s32 v8, v7;
	s21 =	spop (v2sf);
	(v2sf) =	vpush v8, $0xF  }
0x18f: {  	s20 =	sadd.s32 s20, s21  }
0x190: {  	v7 =	vadd.s32 s20, v7  }
0x191: {  	[tilespmem:s26+$0x10] =	vst v7  }
0x192: {  	v7 =	vld [tilespmem:s19+$0x20];
	_ =	sdelay $0x4  }
0x193: {  	(xrf0) =	vadd.scan.msk.s32 $0xffff, v7;
	_ =	sdelay $0x5  }
0x194: {  	s21 =	spop (v2sf);
	v8, _, _ =	vpop (xrf0)  }
0x195: {  	s20 =	sadd.s32 s20, s21;
	v7 =	vsub.s32 v8, v7;
	(v2sf) =	vpush v8, $0xF  }
0x196: {  	v7 =	vadd.s32 s20, v7  }
0x197: {  	[tilespmem:s26+$0x20] =	vst v7  }
0x198: {  	v7 =	vld [tilespmem:s19+$0x30];
	_ =	sdelay $0x4  }
0x199: {  	(xrf0) =	vadd.scan.msk.s32 $0xffff, v7;
	_ =	sdelay $0x5  }
0x19a: {  	v8, _, _ =	vpop (xrf0)  }
0x19b: {  	v7 =	vsub.s32 v8, v7;
	s21 =	spop (v2sf);
	(v2sf) =	vpush v8, $0xF  }
0x19c: {  	s20 =	sadd.s32 s20, s21  }
0x19d: {  	v7 =	vadd.s32 s20, v7  }
0x19e: {  	[tilespmem:s26+$0x30] =	vst v7  }
0x19f: {  	s19 =	sadd.s32 $0x80, s19  }
0x1a0: {  	v7 =	vld [tilespmem:s19+$0xFFFFFFC0];
	_ =	sdelay $0x4  }
0x1a1: {  	(xrf0) =	vadd.scan.msk.s32 $0xffff, v7  }
.Ltmp4:
0x1a2: {  	(pc) =	sbr.rel @p0 .LBB2_6-.Ltmp4, $2  }
0x1a3: {  	_ =	sdelay $0x2  }
0x1a4: {  	s21 =	spop (v2sf)  }
0x1a5: {  	v8, _, _ =	vpop (xrf0);
	s20 =	sadd.s32 s20, s21  }
0x1a6: {  	v7 =	vsub.s32 s20, v7;
	(v2sf) =	vpush v8, $0xF  }
0x1a7: {  	s18 =	sadd.s32 $0x80, s26;
	v7 =	vadd.s32 v8, v7  }
0x1a8: {  	[tilespmem:s18+$0xFFFFFFC0] =	vst v7  }
0x1a9: {  	v7 =	vld [tilespmem:s19+$0xFFFFFFD0];
	_ =	sdelay $0x4  }
0x1aa: {  	(xrf0) =	vadd.scan.msk.s32 $0xffff, v7;
	_ =	sdelay $0x5  }
0x1ab: {  	v8, _, _ =	vpop (xrf0)  }
0x1ac: {  	s31 =	spop (v2sf);
	(v2sf) =	vpush v8, $0xF  }
0x1ad: {  	v7 =	vsub.s32 v8, v7;
	s20 =	sadd.s32 s20, s31  }
0x1ae: {  	v7 =	vadd.s32 s20, v7  }
0x1af: {  	[tilespmem:s18+$0xFFFFFFD0] =	vst v7  }
0x1b0: {  	v7 =	vld [tilespmem:s19+$0xFFFFFFE0];
	_ =	sdelay $0x4  }
0x1b1: {  	(xrf0) =	vadd.scan.msk.s32 $0xffff, v7;
	_ =	sdelay $0x5  }
0x1b2: {  	s22 =	spop (v2sf);
	v8, _, _ =	vpop (xrf0)  }
0x1b3: {  	s20 =	sadd.s32 s20, s22;
	v7 =	vsub.s32 v8, v7;
	(v2sf) =	vpush v8, $0xF  }
0x1b4: {  	v7 =	vadd.s32 s20, v7  }
0x1b5: {  	[tilespmem:s18+$0xFFFFFFE0] =	vst v7  }
0x1b6: {  	v7 =	vld [tilespmem:s19+$0xFFFFFFF0];
	_ =	sdelay $0x4  }
0x1b7: {  	(xrf0) =	vadd.scan.msk.s32 $0xffff, v7;
	_ =	sdelay $0x5  }
0x1b8: {  	v8, _, _ =	vpop (xrf0)  }
0x1b9: {  	s23 =	spop (v2sf);
	(v2sf) =	vpush v8, $0xF  }
0x1ba: {  	v7 =	vsub.s32 v8, v7;
	s20 =	sadd.s32 s20, s23  }
0x1bb: {  	v7 =	vadd.s32 s20, v7  }
0x1bc: {  	[tilespmem:s18+$0xFFFFFFF0] =	vst v7  }
0x1bd: {  	v7 =	vld [tilespmem:s19+$0x0];
	_ =	sdelay $0x4  }
0x1be: {  	(xrf0) =	vadd.scan.msk.s32 $0xffff, v7;
	_ =	sdelay $0x5  }
0x1bf: {  	s24 =	spop (v2sf);
	v8, _, _ =	vpop (xrf0)  }
0x1c0: {  	s20 =	sadd.s32 s20, s24;
	v7 =	vsub.s32 v8, v7;
	(v2sf) =	vpush v8, $0xF  }
0x1c1: {  	v7 =	vadd.s32 s20, v7  }
0x1c2: {  	[tilespmem:s18+$0x0] =	vst v7  }
0x1c3: {  	v7 =	vld [tilespmem:s19+$0x10];
	_ =	sdelay $0x4  }
0x1c4: {  	(xrf0) =	vadd.scan.msk.s32 $0xffff, v7;
	_ =	sdelay $0x5  }
0x1c5: {  	v8, _, _ =	vpop (xrf0)  }
0x1c6: {  	s25 =	spop (v2sf);
	(v2sf) =	vpush v8, $0xF  }
0x1c7: {  	v7 =	vsub.s32 v8, v7;
	s20 =	sadd.s32 s20, s25  }
0x1c8: {  	v7 =	vadd.s32 s20, v7  }
0x1c9: {  	[tilespmem:s18+$0x10] =	vst v7  }
0x1ca: {  	v7 =	vld [tilespmem:s19+$0x20];
	_ =	sdelay $0x4  }
0x1cb: {  	(xrf0) =	vadd.scan.msk.s32 $0xffff, v7;
	_ =	sdelay $0x5  }
0x1cc: {  	s26 =	spop (v2sf);
	v8, _, _ =	vpop (xrf0)  }
0x1cd: {  	s20 =	sadd.s32 s20, s26;
	v7 =	vsub.s32 v8, v7  }
0x1ce: {  	v7 =	vadd.s32 s20, v7  }
0x1cf: {  	(v2sf) =	vpush v8, $0xF;
	[tilespmem:s18+$0x20] =	vst v7  }
0x1d0: {  	v7 =	vld [tilespmem:s19+$0x30];
	_ =	sdelay $0x4  }
0x1d1: {  	(xrf0) =	vadd.scan.msk.s32 $0xffff, v7;
	_ =	sdelay $0x5  }
0x1d2: {  	v8, _, _ =	vpop (xrf0)  }
0x1d3: {  	(v2sf) =	vpush v8, $0xF;
	_ =	sdelay $0x1  }
0x1d4: {  	s30 =	spop (v2sf)  }
0x1d5: {  	v7 =	vsub.s32 v8, v7;
	s19 =	sadd.s32 s20, s30  }
0x1d6: {  	v7 =	vadd.s32 s19, v7  }
0x1d7: {  	[tilespmem:s18+$0x30] =	vst v7  }
0x1d8: {  	v7 =	vld [tilespmem:$0x4000];
	_ =	sdelay $0x4  }
0x1d9: {  	(xrf0) =	vadd.scan.msk.s32 $0xffff, v7;
	_ =	sdelay $0x3  }
0x1da: {  	s31 =	spop (v2sf)  }
0x1db: {  	s18 =	sadd.s32 s19, s31  }
0x1dc: {  	v8, _, _ =	vpop (xrf0);
	v7 =	vsub.s32 s18, v7  }
0x1dd: {  	s21 =	simm.s32 $0x7140;
	v7 =	vadd.s32 v8, v7  }
0x1de: {  	s20 =	simm.s32 $0x8140;
	s19 =	simm.s32 $0x6140;
	s18 =	simm.s32 $0xFFFFFFF8;
	[tilespmem:$0x5080] =	vst v7  }
.LBB2_8:
0x1df: {  	v7 =	vld [tilespmem:s19+$0xFFFFFFC0];
	_ =	sdelay $0x6  }
0x1e0: {  	v9 =	vld [tilespmem:s20+$0xFFFFFFC0]  }
0x1e1: {  	v8 =	vld.idx.msk [tilespmem:v7+s14+$0x0], $0xffff;
	_ =	sdelay $0x4  }
0x1e2: {  	v8 =	vadd.s32 v8, v9  }
0x1e3: {  	vm1 =	vlt.s32 v7, $0x1000;
	vm2 =	vlt.s32 v8, $0xFFF  }
0x1e4: {  	v7 =	vnsel vm2, $0xFFF, v8;
	v8 =	vld [tilespmem:s21+$0xFFFFFFC0];
	_ =	sdelay $0x4  }
0x1e5: {  	[tilespmem:v7+s15+$0x0] =	vst.idx.msk vm1, v8  }
0x1e6: {  	v7 =	vld [tilespmem:s19+$0xFFFFFFD0];
	_ =	sdelay $0x6  }
0x1e7: {  	v57 =	vld [tilespmem:s20+$0xFFFFFFD0]  }
0x1e8: {  	v8 =	vld.idx.msk [tilespmem:v7+s14+$0x0], $0xffff;
	_ =	sdelay $0x4  }
0x1e9: {  	v8 =	vadd.s32 v8, v57  }
0x1ea: {  	vm1 =	vlt.s32 v7, $0x1000;
	vm2 =	vlt.s32 v8, $0xFFF  }
0x1eb: {  	v7 =	vnsel vm2, $0xFFF, v8;
	v8 =	vld [tilespmem:s21+$0xFFFFFFD0];
	_ =	sdelay $0x4  }
0x1ec: {  	[tilespmem:v7+s15+$0x0] =	vst.idx.msk vm1, v8  }
0x1ed: {  	v7 =	vld [tilespmem:s19+$0xFFFFFFE0];
	_ =	sdelay $0x6  }
0x1ee: {  	v58 =	vld [tilespmem:s20+$0xFFFFFFE0]  }
0x1ef: {  	v8 =	vld.idx.msk [tilespmem:v7+s14+$0x0], $0xffff;
	_ =	sdelay $0x4  }
0x1f0: {  	v8 =	vadd.s32 v8, v58  }
0x1f1: {  	vm1 =	vlt.s32 v7, $0x1000;
	vm2 =	vlt.s32 v8, $0xFFF  }
0x1f2: {  	v7 =	vnsel vm2, $0xFFF, v8;
	v8 =	vld [tilespmem:s21+$0xFFFFFFE0];
	_ =	sdelay $0x4  }
0x1f3: {  	[tilespmem:v7+s15+$0x0] =	vst.idx.msk vm1, v8  }
0x1f4: {  	v7 =	vld [tilespmem:s19+$0xFFFFFFF0];
	_ =	sdelay $0x6  }
0x1f5: {  	v59 =	vld [tilespmem:s20+$0xFFFFFFF0]  }
0x1f6: {  	v8 =	vld.idx.msk [tilespmem:v7+s14+$0x0], $0xffff;
	_ =	sdelay $0x4  }
0x1f7: {  	v8 =	vadd.s32 v8, v59  }
0x1f8: {  	vm1 =	vlt.s32 v7, $0x1000;
	vm2 =	vlt.s32 v8, $0xFFF  }
0x1f9: {  	v7 =	vnsel vm2, $0xFFF, v8;
	v8 =	vld [tilespmem:s21+$0xFFFFFFF0];
	_ =	sdelay $0x4  }
0x1fa: {  	[tilespmem:v7+s15+$0x0] =	vst.idx.msk vm1, v8  }
0x1fb: {  	v7 =	vld [tilespmem:s19+$0x0];
	_ =	sdelay $0x6  }
0x1fc: {  	v60 =	vld [tilespmem:s20+$0x0]  }
0x1fd: {  	v8 =	vld.idx.msk [tilespmem:v7+s14+$0x0], $0xffff;
	_ =	sdelay $0x4  }
0x1fe: {  	v8 =	vadd.s32 v8, v60  }
0x1ff: {  	vm1 =	vlt.s32 v7, $0x1000;
	vm2 =	vlt.s32 v8, $0xFFF  }
0x200: {  	v7 =	vnsel vm2, $0xFFF, v8;
	v8 =	vld [tilespmem:s21+$0x0];
	_ =	sdelay $0x4  }
0x201: {  	[tilespmem:v7+s15+$0x0] =	vst.idx.msk vm1, v8  }
0x202: {  	v7 =	vld [tilespmem:s19+$0x10];
	_ =	sdelay $0x6  }
0x203: {  	v61 =	vld [tilespmem:s20+$0x10]  }
0x204: {  	v8 =	vld.idx.msk [tilespmem:v7+s14+$0x0], $0xffff;
	_ =	sdelay $0x4  }
0x205: {  	v8 =	vadd.s32 v8, v61  }
0x206: {  	vm1 =	vlt.s32 v7, $0x1000;
	vm2 =	vlt.s32 v8, $0xFFF  }
0x207: {  	v7 =	vnsel vm2, $0xFFF, v8;
	v8 =	vld [tilespmem:s21+$0x10];
	_ =	sdelay $0x4  }
0x208: {  	[tilespmem:v7+s15+$0x0] =	vst.idx.msk vm1, v8  }
0x209: {  	v7 =	vld [tilespmem:s19+$0x20];
	_ =	sdelay $0x6  }
0x20a: {  	v62 =	vld [tilespmem:s20+$0x20]  }
0x20b: {  	v8 =	vld.idx.msk [tilespmem:v7+s14+$0x0], $0xffff;
	_ =	sdelay $0x4  }
0x20c: {  	v8 =	vadd.s32 v8, v62  }
0x20d: {  	vm1 =	vlt.s32 v7, $0x1000;
	vm2 =	vlt.s32 v8, $0xFFF  }
0x20e: {  	v7 =	vnsel vm2, $0xFFF, v8;
	v8 =	vld [tilespmem:s21+$0x20];
	_ =	sdelay $0x4  }
0x20f: {  	[tilespmem:v7+s15+$0x0] =	vst.idx.msk vm1, v8  }
0x210: {  	v7 =	vld [tilespmem:s19+$0x30];
	_ =	sdelay $0x6  }
0x211: {  	v63 =	vld [tilespmem:s20+$0x30]  }
0x212: {  	v8 =	vld.idx.msk [tilespmem:v7+s14+$0x0], $0xffff;
	_ =	sdelay $0x4  }
0x213: {  	v8 =	vadd.s32 v8, v63  }
0x214: {  	s18 =	sadd.s32 $0x8, s18;
	vm1 =	vlt.s32 v7, $0x1000;
	vm2 =	vlt.s32 v8, $0xFFF  }
0x215: {  	p0 =	slt.u32 s18, $0xF8;
	v7 =	vnsel vm2, $0xFFF, v8;
	v8 =	vld [tilespmem:s21+$0x30]  }
.Ltmp5:
0x216: {  	_ = 	snop;
	(pc) =	sbr.rel @p0 .LBB2_8-.Ltmp5, $2  }
0x217: {  	_ =	sdelay $0x2  }
0x218: {  	s19 =	sadd.s32 $0x80, s19;
	s20 =	sadd.s32 $0x80, s20;
	s21 =	sadd.s32 $0x80, s21;
	[tilespmem:v7+s15+$0x0] =	vst.idx.msk vm1, v8  }
0x219: {  	(xrf0) =	vadd.scan.msk.s32 $0xffff, v6;
	_ =	sdelay $0x5  }
0x21a: {  	v6, _, _ =	vpop (xrf0)  }
0x21b: {  	(v2sf) =	vpush v6, $0xF;
	_ =	sdelay $0xe  }
0x21c: {  	s18 =	spop (v2sf)  }
0x21d: {  	s18 =	scvt.s32.f32 s18;
	_ =	sdelay $0x1  }
0x21e: {  	s18 =	smax.f32 s18, $1.000000000e+00  }
0x21f: {  	v7 =	vmov s18  }
0x220: {  	(erf) = vrcp.f32 v7;
	_ =	sdelay $0x4  }
.Ltmp6:
0x221: {  	_ = 	snop;
	(pc) =	sbr.rel .LBB2_10-.Ltmp6, $2  }
0x222: {  	_ =	sdelay $0x2  }
0x223: {  	v8 =	vimm.f32 $0.0e+00;
	v6 =	vbroadcast v6, $0xF;
	s18 =	simm.s32 $0x0;
	v7 =	vpop (erf)  }
.LBB2_22:
0x224: {  	s19 =	simm.s32 $0x0;
	s21 =	simm.s32 $0x1  }
.LBB2_29:
0x225: {  	_ =	sdelay $0x2  }
0x226: {  	v20 =	vmov @p0 s23  }
0x227: {  	vm1 =	vlt.s32 @p0 v23, v14;
	v19 =	vld.idx.msk [tilespmem:v19+s15+$0x0], $0xffff;
	vm3 =	vgt.f32 @p0 v26, v15;
	v22 =	vmov s21  }
0x228: {  	v18 =	vld.idx.msk [tilespmem:v18+s15+$0x0], $0xffff;
	v63 =	vmov s19;
	vm2 =	vlt.s32 @p0 v20, v14;
	v20 =	vadd.s32 @p1 v27, v24  }
0x229: {  	vm2 =	vmand @p0 vm2, vm3;
	vm3 =	vgt.f32 @p0 v25, v15;
	v20 =	vpsel p1, v20, v11  }
0x22a: {  	v21 =	vsel @p0 vm2, $0x1, v0;
	vm1 =	vmand @p0 vm1, vm3;
	vm2 =	vlt.s32 v63, v14  }
0x22b: {  	v20 =	vadd.s32 @p0 v21, v20;
	v21 =	vsel @p0 vm1, $0x1, v0;
	vm1 =	vlt.s32 v22, v14  }
0x22c: {  	v20 =	vpsel p0, v20, v0;
	v21 =	vpsel p0, v21, v0;
	vm3 =	vgt.f32 v19, v15  }
0x22d: {  	v19 =	vadd.s32 @p0 v21, v20;
	vm2 =	vmand vm2, vm3;
	vm3 =	vgt.f32 v18, v15  }
0x22e: {  	v15 =	vsel vm2, $0x1, v0;
	vm1 =	vmand vm1, vm3;
	v11 =	vpsel p0, v19, v11  }
0x22f: {  	v11 =	vadd.s32 v15, v11;
	v15 =	vsel vm1, $0x1, v0  }
0x230: {  	v11 =	vadd.s32 v15, v11  }
.LBB2_30:
0x231: {  	v9 =	vadd.s32 v9, v12  }
0x232: {  	v63 =	vadd.s32 v14, v17;
	v9 =	vsub.s32 v6, v9  }
0x233: {  	v12 =	vsub.s32 v6, v63;
	v9 =	vadd.s32 v13, v9  }
0x234: {  	v11 =	vadd.s32 v11, v12;
	v9 =	vcvt.s32.f32 v9  }
0x235: {  	v11 =	vcvt.s32.f32 v11  }
0x236: {  	v9 =	vmul.f32 v9, v7  }
0x237: {  	vm1 =	veq.s32 v10, $0x0;
	v10 =	vmul.f32 v11, v7  }
0x238: {  	p0 =	slt.u32 s18, $0x6;
	vm2 =	vge.f32 v9, $9.499999880e-01;
	v9 =	vadd.f32 $-9.499999880e-01, v9  }
.Ltmp7:
0x239: {  	vm1 =	vmand vm1, vm2;
	vm2 =	vge.f32 v10, $9.499999880e-01;
	(pc) =	sbr.rel @!p0 .LBB2_31-.Ltmp7, $4  }
0x23a: {  	v10 =	vadd.f32 $-9.499999880e-01, v10;
	v9 =	vnsel vm1, $0x0, v9;
	vm1 =	veq.s32 v16, $0x0  }
0x23b: {  	v8 =	vadd.f32 v9, v8;
	vm1 =	vmand vm1, vm2  }
0x23c: {  	s19 =	sadd.s32 $0x2, s18;
	v9 =	vnsel vm1, $0x0, v10  }
0x23d: {  	s18 =	smov.u32 s19;
	v8 =	vadd.f32 v9, v8  }
.LBB2_10:
0x23e: {  	s19 =	sshll.u32 s18, $0x4  }
0x23f: {  	s21 =	sor.u32 s6, s19  }
0x240: {  	v9 =	vld [tilespmem:s21+$0x1000]  }
0x241: {  	v10 =	vld [tilespmem:s21+$0x0];
	_ =	sdelay $0x4  }
0x242: {  	v14 =	vsub.f32 v9, v10;
	_ =	sdelay $0x1  }
0x243: {  	v9 =	vmax.f32 v14, $-8.000000000e+00  }
0x244: {  	v9 =	vmin.f32 v9, $8.000000000e+00  }
0x245: {  	v9 =	vadd.f32 $8.000000000e+00, v9;
	_ =	sdelay $0x1  }
0x246: {  	v9 =	vmul.f32 $2.559375000e+02, v9;
	_ =	sdelay $0x1  }
0x247: {  	v9 =	vmin.f32 v9, $4.095000000e+03  }
0x248: {  	v9 =	vtrunc.f32 v9  }
0x249: {  	v11 =	vcvt.f32.s32 v9;
	_ =	sdelay $0x5  }
0x24a: {  	v9 =	vld.idx.msk [tilespmem:v11+s13+$0x0], $0xffff;
	_ =	sdelay $0x4  }
0x24b: {  	v10 =	vxor.u32 $0x80000000, v9  }
0x24c: {  	(xrf0) =	vmax.scan.msk.u32 $0xffff, v10;
	_ =	sdelay $0x5  }
0x24d: {  	v10, _, _ =	vpop (xrf0)  }
0x24e: {  	(v2sf) =	vpush v10, $0xF;
	_ =	sdelay $0xe  }
0x24f: {  	s20 =	spop (v2sf)  }
0x250: {  	s22 =	sadd.s32 $0x80000001, s20;
	p0 =	slt.s32 s20, $0xFFFFFFFF;
	s20 =	simm.s32 $0x1  }
0x251: {  	s20 =	simm.s32 @!p0 $0x0;
	s23 =	sshra.s32 s22, $0x1F  }
0x252: {  	s30 =	sand.u32 $0x1, s22;
	s20 =	sadd.s32 s20, s23  }
0x253: {  	p1 =	seq.s32 s30, $0x1;
	p6 =	sne.s32 s20, $0x1  }
0x254: {  	s31 =	sshrl.u32 s22, $0x1F;
	p0 =	por !p6, !p1  }
0x255: {  	s20 =	sadd.s32 s31, s22;
	s22 =	simm.s32 $0x1;
	p0 =	por !p0, !p0  }
0x256: {  	s20 =	sshra.s32 s20, $0x1;
	s22 =	simm.s32 @!p0 $0x0  }
0x257: {  	s20 =	ssub.s32 s20, s22  }
0x258: {  	p0 =	slt.s32 s20, $0x1  }
.Ltmp8:
0x259: {  	_ = 	snop;
	(pc) =	sbr.rel @p0 .LBB2_20-.Ltmp8, $2  }
0x25a: {  	v12 =	vld.idx.msk [tilespmem:v11+s14+$0x0], $0xffff;
	_ =	sdelay $0x2  }
0x25b: {  	v13 =	vimm.s32 $0x0;
	v11 =	vimm.s32 $0x0;
	v10 =	vld [tilespmem:s21+$0x2000]  }
0x25c: {  	p2 =	sne.s32 s20, $0x1  }
.Ltmp9:
0x25d: {  	_ = 	snop;
	(pc) =	sbr.rel @!p2 .LBB2_12-.Ltmp9, $4  }
0x25e: {  	s24 =	simm.s32 $0x0;
	v16 =	vadd.s32 $0x1, v12  }
0x25f: {  	v13 =	vadd.s32 s24, v12;
	v17 =	vadd.s32 s24, v16  }
0x260: {  	s23 =	simm.s32 $0x1;
	s21 =	sadd.s32 $0xFFFFFFFF, s20;
	vm1 =	vlt.s32 v13, $0xFFF;
	vm2 =	vlt.s32 v17, $0xFFF  }
0x261: {  	s22 =	simm.s32 $0x3;
	p0 =	por $0x0, $0x0;
	p1 =	por $0x0, $0x0;
	v15 =	vnsel vm1, $0xFFF, v13;
	v13 =	vnsel vm2, $0xFFF, v17  }
0x262: {  	p2 =	sne.s32 s21, $0x1  }
.Ltmp10:
0x263: {  	_ = 	snop;
	(pc) =	sbr.rel @!p2 .LBB2_14-.Ltmp10, $4  }
0x264: {  	s20 =	simm.s32 $0x2  }
0x265: {  	v17 =	vadd.s32 s20, v12;
	v18 =	vadd.s32 s20, v16  }
0x266: {  	v22 =	vld.idx.msk [tilespmem:v15+s15+$0x0], $0xffff;
	vm1 =	vlt.s32 v17, $0xFFF;
	vm2 =	vlt.s32 v18, $0xFFF  }
0x267: {  	v21 =	vld.idx.msk [tilespmem:v13+s15+$0x0], $0xffff;
	s25 =	sadd.s32 $0xFFFFFFFF, s21;
	s21 =	simm.s32 $0x5;
	v19 =	vmov s23;
	p0 =	por $0x1, $0x1;
	v15 =	vnsel vm1, $0xFFF, v17;
	v13 =	vnsel vm2, $0xFFF, v18  }
0x268: {  	_ = 	snop  }
0x269: {  	s23 =	simm.s32 $0x4;
	v17 =	vmov s24;
	vm1 =	vlt.s32 v19, v9;
	p2 =	sne.s32 s25, $0x1  }
.Ltmp11:
0x26a: {  	v18 =	vadd.s32 s23, v12;
	v19 =	vadd.s32 s23, v16;
	vm2 =	vlt.s32 v17, v9;
	(pc) =	sbr.rel @!p2 .LBB2_16-.Ltmp11, $4  }
0x26b: {  	vm3 =	vlt.s32 v18, $0xFFF;
	vm4 =	vlt.s32 v19, $0xFFF;
	vm5 =	vgt.f32 v22, v14  }
0x26c: {  	v17 =	vld.idx.msk [tilespmem:v15+s15+$0x0], $0xffff;
	v15 =	vnsel vm3, $0xFFF, v18;
	vm2 =	vmand vm2, vm5;
	vm3 =	vgt.f32 v21, v14  }
0x26d: {  	v18 =	vld.idx.msk [tilespmem:v13+s15+$0x0], $0xffff;
	v13 =	vnsel vm4, $0xFFF, v19;
	v20 =	vsel vm2, $0x1, v0;
	vm1 =	vmand vm1, vm3  }
0x26e: {  	s24 =	sadd.s32 $0xFFFFFFFF, s25;
	s25 =	simm.s32 $0x7;
	p1 =	por $0x1, $0x1;
	v19 =	vmov s22;
	v20 =	vadd.s32 v20, v11;
	v23 =	vsel vm1, $0x1, v0  }
.LBB2_17:
0x26f: {  	s22 =	sadd.s32 $0xFFFFFFFF, s25;
	p2 =	sne.s32 s24, $0x1;
	s24 =	sadd.s32 $0xFFFFFFFF, s24;
	v21 =	vmov s20;
	vm1 =	vlt.s32 v19, v9;
	v20 =	vadd.s32 v23, v20  }
.Ltmp12:
0x270: {  	s20 =	smov.u32 s23;
	v19 =	vadd.s32 s22, v12;
	v22 =	vadd.s32 s22, v16;
	vm2 =	vlt.s32 v21, v9;
	s23 =	smov.u32 s22;
	(pc) =	sbr.rel @p2 .LBB2_17-.Ltmp12, $4  }
0x271: {  	vm5 =	vgt.f32 v17, v14;
	vm3 =	vlt.s32 v19, $0xFFF;
	vm4 =	vlt.s32 v22, $0xFFF;
	v17 =	vld.idx.msk [tilespmem:v15+s15+$0x0], $0xffff  }
0x272: {  	vm2 =	vmand vm2, vm5;
	v15 =	vnsel vm3, $0xFFF, v19;
	vm3 =	vgt.f32 v18, v14;
	v18 =	vld.idx.msk [tilespmem:v13+s15+$0x0], $0xffff  }
0x273: {  	v13 =	vnsel vm4, $0xFFF, v22;
	v21 =	vsel vm2, $0x1, v0;
	vm1 =	vmand vm1, vm3  }
0x274: {  	v19 =	vmov s21;
	s21 =	smov.u32 s25;
	s25 =	sadd.s32 $0x2, s25;
	v20 =	vadd.s32 v21, v20;
	v23 =	vsel vm1, $0x1, v0  }
0x275: {  	_ =	sdelay $0x1  }
0x276: {  	s24 =	smov.u32 s20;
	s20 =	smov.u32 s23;
	s22 =	smov.u32 s21;
	v22 =	vmov v17;
	v21 =	vmov v18  }
.LBB2_19:
0x277: {  	_ =	sdelay $0x2  }
0x278: {  	v16 =	vmov @p0 s24  }
0x279: {  	vm1 =	vlt.s32 @p0 v19, v9;
	v15 =	vld.idx.msk [tilespmem:v15+s15+$0x0], $0xffff;
	vm3 =	vgt.f32 @p0 v22, v14;
	v18 =	vmov s22  }
0x27a: {  	v13 =	vld.idx.msk [tilespmem:v13+s15+$0x0], $0xffff;
	v63 =	vmov s20;
	vm2 =	vlt.s32 @p0 v16, v9;
	v16 =	vadd.s32 @p1 v23, v20  }
0x27b: {  	vm2 =	vmand @p0 vm2, vm3;
	vm3 =	vgt.f32 @p0 v21, v14;
	v16 =	vpsel p1, v16, v11  }
0x27c: {  	v17 =	vsel @p0 vm2, $0x1, v0;
	vm1 =	vmand @p0 vm1, vm3;
	vm2 =	vlt.s32 v63, v9  }
0x27d: {  	v16 =	vadd.s32 @p0 v17, v16;
	v17 =	vsel @p0 vm1, $0x1, v0;
	vm1 =	vlt.s32 v18, v9  }
0x27e: {  	v16 =	vpsel p0, v16, v0;
	v17 =	vpsel p0, v17, v0;
	vm3 =	vgt.f32 v15, v14  }
0x27f: {  	v15 =	vadd.s32 @p0 v17, v16;
	vm2 =	vmand vm2, vm3;
	vm3 =	vgt.f32 v13, v14  }
0x280: {  	v13 =	vsel vm2, $0x1, v0;
	vm1 =	vmand vm1, vm3;
	v14 =	vpsel p0, v15, v11  }
0x281: {  	v13 =	vadd.s32 v13, v14;
	v14 =	vsel vm1, $0x1, v0  }
0x282: {  	v13 =	vadd.s32 v14, v13  }
.LBB2_20:
0x283: {  	s20 =	sor.u32 s7, s19  }
0x284: {  	v14 =	vld [tilespmem:s20+$0x1000]  }
0x285: {  	v15 =	vld [tilespmem:s20+$0x0];
	_ =	sdelay $0x4  }
0x286: {  	v15 =	vsub.f32 v14, v15;
	_ =	sdelay $0x1  }
0x287: {  	v14 =	vmax.f32 v15, $-8.000000000e+00  }
0x288: {  	v14 =	vmin.f32 v14, $8.000000000e+00  }
0x289: {  	v14 =	vadd.f32 $8.000000000e+00, v14;
	_ =	sdelay $0x1  }
0x28a: {  	v14 =	vmul.f32 $2.559375000e+02, v14;
	_ =	sdelay $0x1  }
0x28b: {  	v14 =	vmin.f32 v14, $4.095000000e+03  }
0x28c: {  	v14 =	vtrunc.f32 v14  }
0x28d: {  	v17 =	vcvt.f32.s32 v14;
	_ =	sdelay $0x5  }
0x28e: {  	v14 =	vld.idx.msk [tilespmem:v17+s13+$0x0], $0xffff;
	_ =	sdelay $0x4  }
0x28f: {  	v16 =	vxor.u32 $0x80000000, v14  }
0x290: {  	(xrf0) =	vmax.scan.msk.u32 $0xffff, v16;
	_ =	sdelay $0x5  }
0x291: {  	v16, _, _ =	vpop (xrf0)  }
0x292: {  	(v2sf) =	vpush v16, $0xF;
	_ =	sdelay $0xe  }
0x293: {  	s26 =	spop (v2sf)  }
0x294: {  	s19 =	simm.s32 $0x1;
	s21 =	sadd.s32 $0x80000001, s26;
	p0 =	slt.s32 s26, $0xFFFFFFFF  }
0x295: {  	s19 =	simm.s32 @!p0 $0x0;
	s22 =	sshra.s32 s21, $0x1F  }
0x296: {  	s30 =	sand.u32 $0x1, s21;
	s19 =	sadd.s32 s19, s22  }
0x297: {  	p1 =	seq.s32 s30, $0x1;
	p6 =	sne.s32 s19, $0x1  }
0x298: {  	s31 =	sshrl.u32 s21, $0x1F;
	p0 =	por !p6, !p1  }
0x299: {  	s19 =	sadd.s32 s31, s21;
	s21 =	simm.s32 $0x1;
	p0 =	por !p0, !p0  }
0x29a: {  	s19 =	sshra.s32 s19, $0x1;
	s21 =	simm.s32 @!p0 $0x0  }
0x29b: {  	s19 =	ssub.s32 s19, s21  }
0x29c: {  	p0 =	slt.s32 s19, $0x1  }
.Ltmp13:
0x29d: {  	_ = 	snop;
	(pc) =	sbr.rel @p0 .LBB2_30-.Ltmp13, $2  }
0x29e: {  	v17 =	vld.idx.msk [tilespmem:v17+s14+$0x0], $0xffff;
	_ =	sdelay $0x2  }
0x29f: {  	v16 =	vld [tilespmem:s20+$0x2000]  }
0x2a0: {  	p2 =	sne.s32 s19, $0x1  }
.Ltmp14:
0x2a1: {  	_ = 	snop;
	(pc) =	sbr.rel @!p2 .LBB2_22-.Ltmp14, $4  }
0x2a2: {  	s23 =	simm.s32 $0x0;
	v20 =	vadd.s32 $0x1, v17  }
0x2a3: {  	v18 =	vadd.s32 s23, v17;
	v21 =	vadd.s32 s23, v20  }
0x2a4: {  	s22 =	simm.s32 $0x1;
	s20 =	sadd.s32 $0xFFFFFFFF, s19;
	vm1 =	vlt.s32 v18, $0xFFF;
	vm2 =	vlt.s32 v21, $0xFFF  }
0x2a5: {  	s21 =	simm.s32 $0x3;
	p0 =	por $0x0, $0x0;
	p1 =	por $0x0, $0x0;
	v19 =	vnsel vm1, $0xFFF, v18;
	v18 =	vnsel vm2, $0xFFF, v21  }
0x2a6: {  	p2 =	sne.s32 s20, $0x1  }
.Ltmp15:
0x2a7: {  	_ = 	snop;
	(pc) =	sbr.rel @!p2 .LBB2_24-.Ltmp15, $4  }
0x2a8: {  	s19 =	simm.s32 $0x2  }
0x2a9: {  	v21 =	vadd.s32 s19, v17;
	v22 =	vadd.s32 s19, v20  }
0x2aa: {  	v26 =	vld.idx.msk [tilespmem:v19+s15+$0x0], $0xffff;
	vm1 =	vlt.s32 v21, $0xFFF;
	vm2 =	vlt.s32 v22, $0xFFF  }
0x2ab: {  	v25 =	vld.idx.msk [tilespmem:v18+s15+$0x0], $0xffff;
	s24 =	sadd.s32 $0xFFFFFFFF, s20;
	s20 =	simm.s32 $0x5;
	v23 =	vmov s22;
	p0 =	por $0x1, $0x1;
	v19 =	vnsel vm1, $0xFFF, v21;
	v18 =	vnsel vm2, $0xFFF, v22  }
0x2ac: {  	_ = 	snop  }
0x2ad: {  	s22 =	simm.s32 $0x4;
	v21 =	vmov s23;
	vm1 =	vlt.s32 v23, v14;
	p2 =	sne.s32 s24, $0x1  }
.Ltmp16:
0x2ae: {  	v22 =	vadd.s32 s22, v17;
	v23 =	vadd.s32 s22, v20;
	vm2 =	vlt.s32 v21, v14;
	(pc) =	sbr.rel @!p2 .LBB2_26-.Ltmp16, $4  }
0x2af: {  	vm3 =	vlt.s32 v22, $0xFFF;
	vm4 =	vlt.s32 v23, $0xFFF;
	vm5 =	vgt.f32 v26, v15  }
0x2b0: {  	v21 =	vld.idx.msk [tilespmem:v19+s15+$0x0], $0xffff;
	v19 =	vnsel vm3, $0xFFF, v22;
	vm2 =	vmand vm2, vm5;
	vm3 =	vgt.f32 v25, v15  }
0x2b1: {  	v22 =	vld.idx.msk [tilespmem:v18+s15+$0x0], $0xffff;
	v18 =	vnsel vm4, $0xFFF, v23;
	v24 =	vsel vm2, $0x1, v0;
	vm1 =	vmand vm1, vm3  }
0x2b2: {  	s23 =	sadd.s32 $0xFFFFFFFF, s24;
	s24 =	simm.s32 $0x7;
	p1 =	por $0x1, $0x1;
	v23 =	vmov s21;
	v24 =	vadd.s32 v24, v11;
	v27 =	vsel vm1, $0x1, v0  }
.LBB2_27:
0x2b3: {  	s21 =	sadd.s32 $0xFFFFFFFF, s24;
	p2 =	sne.s32 s23, $0x1;
	s23 =	sadd.s32 $0xFFFFFFFF, s23;
	v25 =	vmov s19;
	vm1 =	vlt.s32 v23, v14;
	v24 =	vadd.s32 v27, v24  }
.Ltmp17:
0x2b4: {  	s19 =	smov.u32 s22;
	v23 =	vadd.s32 s21, v17;
	v26 =	vadd.s32 s21, v20;
	vm2 =	vlt.s32 v25, v14;
	s22 =	smov.u32 s21;
	(pc) =	sbr.rel @p2 .LBB2_27-.Ltmp17, $4  }
0x2b5: {  	vm5 =	vgt.f32 v21, v15;
	vm3 =	vlt.s32 v23, $0xFFF;
	vm4 =	vlt.s32 v26, $0xFFF;
	v21 =	vld.idx.msk [tilespmem:v19+s15+$0x0], $0xffff  }
0x2b6: {  	vm2 =	vmand vm2, vm5;
	v19 =	vnsel vm3, $0xFFF, v23;
	vm3 =	vgt.f32 v22, v15;
	v22 =	vld.idx.msk [tilespmem:v18+s15+$0x0], $0xffff  }
0x2b7: {  	v18 =	vnsel vm4, $0xFFF, v26;
	v25 =	vsel vm2, $0x1, v0;
	vm1 =	vmand vm1, vm3  }
0x2b8: {  	v23 =	vmov s20;
	s20 =	smov.u32 s24;
	s24 =	sadd.s32 $0x2, s24;
	v24 =	vadd.s32 v25, v24;
	v27 =	vsel vm1, $0x1, v0  }
.Ltmp18:
0x2b9: {  	(pc) =	sbr.rel .LBB2_29-.Ltmp18, $2  }
0x2ba: {  	_ =	sdelay $0x2  }
0x2bb: {  	s23 =	smov.u32 s19;
	s19 =	smov.u32 s22;
	s21 =	smov.u32 s20;
	v26 =	vmov v21;
	v25 =	vmov v22  }
.LBB2_12:
.Ltmp19:
0x2bc: {  	(pc) =	sbr.rel .LBB2_19-.Ltmp19, $2  }
0x2bd: {  	_ =	sdelay $0x2  }
0x2be: {  	s20 =	simm.s32 $0x0;
	s22 =	simm.s32 $0x1  }
.LBB2_14:
.Ltmp20:
0x2bf: {  	(pc) =	sbr.rel .LBB2_19-.Ltmp20, $2  }
0x2c0: {  	_ =	sdelay $0x2  }
0x2c1: {  	_ = 	snop  }
.LBB2_24:
.Ltmp21:
0x2c2: {  	(pc) =	sbr.rel .LBB2_29-.Ltmp21, $2  }
0x2c3: {  	_ =	sdelay $0x2  }
0x2c4: {  	_ = 	snop  }
.LBB2_16:
.Ltmp22:
0x2c5: {  	(pc) =	sbr.rel .LBB2_19-.Ltmp22, $2  }
0x2c6: {  	_ =	sdelay $0x2  }
0x2c7: {  	s24 =	simm.s32 $0x2;
	s20 =	simm.s32 $0x4;
	s22 =	simm.s32 $0x5;
	v22 =	vmov v17;
	v21 =	vmov v18  }
.LBB2_26:
.Ltmp23:
0x2c8: {  	(pc) =	sbr.rel .LBB2_29-.Ltmp23, $2  }
0x2c9: {  	_ =	sdelay $0x2  }
0x2ca: {  	s23 =	simm.s32 $0x2;
	s19 =	simm.s32 $0x4;
	s21 =	simm.s32 $0x5;
	v26 =	vmov v21;
	v25 =	vmov v22  }
.LBB2_32:
0x2cb: {  	_ =	sfence.sel $0x180000  }
0x2cc: {  	[bflag:$0x0] =	sbarrier.arrive $0xFFFF  }
0x2cd: {  	p0 =	sne.s32 s1, $0x0;
	_ =	strace $0x90000047  }
0x2ce: {  	s0 =	sadd.s32 @!p0 $0x100000, s0;
	[bflag:$0x2] =	sbarrier.arrive $0xFFFF  }
0x2cf: {  	[sflag:s0] =	ssyncadd.tile.s32 @!p0 $0x1;
	_ =	shalt  }
.Lfunc_end2:
_tile_overlayer_lowered:
.L_overlay_start_2:
0x2d0: {  	(tag) =	ssettag $0x2  }
0x2d1: {  	s0 =	rddreg [dreg:$0x0];
	s2 =	stileid.u32  }
0x2d2: {  	s1 =	rddreg [dreg:$0x1];
	p0 =	sne.s32 s2, $0x0  }
0x2d3: {  	s3 =	rddreg [dreg:$0x2];
	[bflag:$0x3] =	sbarrier.arrive $0xFFFF;
	s2 =	simm.s32 @!p0 $0x1C01  }
0x2d4: {  	[timem:s3], [sflag:s2] =	dma.local @!p0 [hbm:s0], s1  }
0x2d5: {  	s0 =	simm.s32 @!p0 $0x1  }
0x2d6: {  	_ =	swait.ge @!p0 [sflag:s0], s1  }
0x2d7: {  	s1 =	ssub.s32 @!p0 $0x0, s1;
	[sflag:s0] =	ssyncset.done @!p0 $0x0  }
0x2d8: {  	[sflag:s0] =	ssyncadd.s32 @!p0 s1  }
0x2d9: {  	[bflag:$0x3] =	sbarrier.arrive $0xFFFF  }
0x2da: {  	_ =	shalt  }

</sc_bundles>
